<compile_context>
chip_gen: v7x
topology: tpu7x:2x2x1
jax: 0.10.2.dev20260603
libtpu: 0.0.44.dev20260713+nightly
codegen_flags: <defaults>
</compile_context>

<pallas_src>
import dataclasses
import functools

import jax
import jax.numpy as jnp
from jax import lax
from jax.experimental import pallas as pl
from jax.experimental.pallas import tpu as pltpu
from jax.experimental.pallas import tpu_sc as plsc

_UNITS = 128
_D = 256
_BBL = 128
_UH = 128
_NW = 32
_UC = _UNITS // 16
_SC_ROWS = 1024


def _tc_body(xT_ref, wbc_ref, o_ref):
    m1 = jnp.full((_UH, _BBL), -jnp.inf, dtype=jnp.float32)
    m2 = m1
    for d in range(_D):
        v = wbc_ref[d] + xT_ref[d : d + 1, :]
        t = jnp.minimum(m1, v)
        m1 = jnp.maximum(m1, v)
        m2 = jnp.maximum(m2, t)
    o_ref[...] = (m1 - m2).T


def _tc_top2(x, wt):
    batch = x.shape[0]
    xT = x.T
    wbc = jnp.broadcast_to(wt[:, :, None], (_D, _UNITS, _BBL))
    return pl.pallas_call(
        _tc_body,
        grid=(_UNITS // _UH, batch // _BBL),
        in_specs=[
            pl.BlockSpec((_D, _BBL), lambda uh, i: (0, i)),
            pl.BlockSpec((_D, _UH, _BBL), lambda uh, i: (0, uh, 0)),
        ],
        out_specs=pl.BlockSpec((_BBL, _UH), lambda uh, i: (i, uh)),
        out_shape=jax.ShapeDtypeStruct((batch, _UNITS), jnp.float32),
    )(xT, wbc)


def _sc_top2(x, wt, rows):
    rpw = rows // _NW
    mesh = plsc.VectorSubcoreMesh(core_axis_name="c", subcore_axis_name="s")
    cp = pltpu.CompilerParams()
    if "needs_layout_passes" in pltpu.CompilerParams.__dataclass_fields__:
        cp = dataclasses.replace(cp, needs_layout_passes=False)

    @functools.partial(
        pl.kernel,
        mesh=mesh,
        compiler_params=cp,
        out_type=jax.ShapeDtypeStruct((rows, _UNITS), jnp.float32),
        scratch_types=[
            pltpu.VMEM((rpw, _D), jnp.float32),
            pltpu.VMEM((_D, _UNITS), jnp.float32),
            pltpu.VMEM((rpw, _UNITS), jnp.float32),
        ],
    )
    def sc_kernel(x_hbm, wt_hbm, o_hbm, x_v, wt_v, o_v):
        wid = lax.axis_index("s") * 2 + lax.axis_index("c")
        base = wid * rpw
        pltpu.sync_copy(x_hbm.at[pl.ds(base, rpw)], x_v)
        pltpu.sync_copy(wt_hbm, wt_v)

        @pl.loop(0, rpw)
        def _row(b):
            bfull = jnp.full((16,), b, jnp.int32)
            neg = jnp.full((16,), -jnp.inf, jnp.float32)
            init = (neg,) * (2 * _UC)

            def body(i, carry):
                for half in range(2):
                    d = 2 * i + half
                    m1, m2 = carry[:_UC], carry[_UC:]
                    xs = plsc.load_gather(
                        x_v, [bfull, jnp.full((16,), d, jnp.int32)]
                    )
                    m1n, m2n = [], []
                    for uc in range(_UC):
                        v = xs + wt_v[d, pl.ds(uc * 16, 16)]
                        t = jnp.minimum(m1[uc], v)
                        m1n.append(jnp.maximum(m1[uc], v))
                        m2n.append(jnp.maximum(m2[uc], t))
                    carry = tuple(m1n) + tuple(m2n)
                return carry

            carry = lax.fori_loop(0, _D // 2, body, init)
            for uc in range(_UC):
                o_v[b, pl.ds(uc * 16, 16)] = carry[uc] - carry[_UC + uc]

        pltpu.sync_copy(o_v, o_hbm.at[pl.ds(base, rpw)])

    return sc_kernel(x, wt)


def kernel(inputs, w):
    wt = w.T
    batch = inputs.shape[0]
    if _SC_ROWS <= 0:
        return _tc_top2(inputs, wt)
    if _SC_ROWS >= batch:
        return _sc_top2(inputs, wt, batch)
    sc = _sc_top2(inputs, wt, _SC_ROWS)
    tc = _tc_top2(inputs[_SC_ROWS:], wt)
    return jnp.concatenate([sc, tc], axis=0)

# --- scband reference (transcript-rebuilt; emitter-appended) ---
"""Pipeline reference for scband-trop-embed-top2-8091718386442 (READ-ONLY COPY).

The authoritative reference and input builder live on the scoring server;
editing this copy changes nothing except your own understanding.
"""

import jax, jax.numpy as jnp
import numpy as np

UNITS = 128
INPUT_DIM = 256
BATCH = 4096

def setup_inputs(seed: int = 0) -> dict:
    key = jax.random.key(seed)
    k_in, k_w = jax.random.split(key)
    inputs = jax.random.normal(k_in, (BATCH, INPUT_DIM), dtype=jnp.float32)
    # weight initialized like keras initializers.RandomNormal() (stddev=0.05)
    w = jax.random.normal(k_w, (UNITS, INPUT_DIM), dtype=jnp.float32) * 0.05
    return {"inputs": inputs, "w": w}

def reference(inputs, w):
    # inputs: [B, D] -> reshape to [B, 1, D], broadcast against w [U, D]
    x = inputs[:, None, :] + w[None, :, :]  # [B, U, D]
    values = jax.lax.top_k(x, 2)[0]          # [B, U, 2]
    return values[:, :, 0] - values[:, :, 1]  # [B, U]

if __name__ == "__main__":
    import jax
    _d = setup_inputs()
    print(jax.jit(kernel)(*tuple(_d.values())))

</pallas_src>

<mosaic_0001>
#map = affine_map<(d0, d1) -> (0, 0)>
module attributes {stable_mosaic.version = 14 : i64} {
  func.func @sc_kernel(%arg0: i32, %arg1: i32, %arg2: memref<4096x256xf32, #tpu.memory_space<hbm>>, %arg3: memref<256x128xf32, #tpu.memory_space<hbm>>, %arg4: memref<1024x128xf32, #tpu.memory_space<hbm>>, %arg5: memref<32x256xf32, #tpu.memory_space<vmem>>, %arg6: memref<256x128xf32, #tpu.memory_space<vmem>>, %arg7: memref<32x128xf32, #tpu.memory_space<vmem>>) attributes {dimension_semantics = [#tpu.dimension_semantics<core_parallel>, #tpu.dimension_semantics<subcore_parallel>], iteration_bounds = array<i64: 2, 16>, scalar_prefetch = 0 : i64, scratch_operands = 3 : i64, tpu.core_type = #tpu.core_type<sc_vector_subcore>, window_params = [{transform_indices = #map}, {transform_indices = #map}, {transform_indices = #map}]} {
    %mul3A = arith.constant 2 : i32
    %mul3A_0 = arith.muli %arg1, %mul3A : i32
    %add3A = arith.addi %mul3A_0, %arg0 : i32
    %mul3A_1 = arith.constant 32 : i32
    %mul3A_2 = arith.muli %add3A, %mul3A_1 : i32
    "tpu.region"() ({
      %run_scoped3A = tpu.sem_alloc : memref<!tpu.dma_semaphore, #tpu.memory_space<semaphore_mem>>
      %dma_start3A = arith.constant 0 : i32
      %dma_start3A_7 = tpu.memref_slice %arg2[%mul3A_2, %dma_start3A] : memref<4096x256xf32, #tpu.memory_space<hbm>> -> memref<32x256xf32, #tpu.memory_space<hbm>>
      %dma_start3A_8 = arith.constant 0 : i32
      %dma_start3A_9 = tpu.memref_slice %arg2[%mul3A_2, %dma_start3A_8] : memref<4096x256xf32, #tpu.memory_space<hbm>> -> memref<32x256xf32, #tpu.memory_space<hbm>>
      tpu.enqueue_dma source(%dma_start3A_9 : memref<32x256xf32, #tpu.memory_space<hbm>>) target(%arg5 : memref<32x256xf32, #tpu.memory_space<vmem>>) target_semaphore(%run_scoped3A : memref<!tpu.dma_semaphore, #tpu.memory_space<semaphore_mem>>)
      %dma_wait3A = arith.constant 0 : i32
      %dma_wait3A_10 = tpu.memref_slice %arg2[%mul3A_2, %dma_wait3A] : memref<4096x256xf32, #tpu.memory_space<hbm>> -> memref<32x256xf32, #tpu.memory_space<hbm>>
      %dma_wait3A_11 = arith.constant 0 : i32
      %dma_wait3A_12 = tpu.memref_slice %arg2[%mul3A_2, %dma_wait3A_11] : memref<4096x256xf32, #tpu.memory_space<hbm>> -> memref<32x256xf32, #tpu.memory_space<hbm>>
      tpu.wait_dma2 semaphore(%run_scoped3A : memref<!tpu.dma_semaphore, #tpu.memory_space<semaphore_mem>>) src(%dma_wait3A_12 : memref<32x256xf32, #tpu.memory_space<hbm>>) dst(%arg5 : memref<32x256xf32, #tpu.memory_space<vmem>>)
      tpu.yield
    }) : () -> ()
    "tpu.region"() ({
      %run_scoped3A = tpu.sem_alloc : memref<!tpu.dma_semaphore, #tpu.memory_space<semaphore_mem>>
      tpu.enqueue_dma source(%arg3 : memref<256x128xf32, #tpu.memory_space<hbm>>) target(%arg6 : memref<256x128xf32, #tpu.memory_space<vmem>>) target_semaphore(%run_scoped3A : memref<!tpu.dma_semaphore, #tpu.memory_space<semaphore_mem>>)
      tpu.wait_dma2 semaphore(%run_scoped3A : memref<!tpu.dma_semaphore, #tpu.memory_space<semaphore_mem>>) src(%arg3 : memref<256x128xf32, #tpu.memory_space<hbm>>) dst(%arg6 : memref<256x128xf32, #tpu.memory_space<vmem>>)
      tpu.yield
    }) : () -> ()
    %scan3A = arith.constant 0 : i32
    %scan3A_3 = arith.constant 32 : i32
    %scan3A_4 = arith.addi %scan3A, %scan3A_3 : i32
    %scan3A_5 = arith.constant 1 : i32
    scf.for %scan3A_7 = %scan3A to %scan3A_4 step %scan3A_5  : i32 {
      %mul3A_8 = arith.constant 1 : i32
      %mul3A_9 = arith.muli %scan3A_7, %mul3A_8 : i32
      %add3A_10 = arith.constant 0 : i32
      %add3A_11 = arith.addi %add3A_10, %mul3A_9 : i32
      %broadcast_in_dim3A = vector.broadcast %add3A_11 : i32 to vector<16xi32>
      %broadcast_in_dim3A_12 = arith.constant 0xFF800000 : f32
      %broadcast_in_dim3A_13 = vector.broadcast %broadcast_in_dim3A_12 : f32 to vector<16xf32>
      %scan3A_14 = arith.constant 0 : i32
      %scan3A_15 = arith.constant 128 : i32
      %scan3A_16 = arith.addi %scan3A_14, %scan3A_15 : i32
      %scan3A_17 = arith.constant 1 : i32
      %scan3A_18:16 = scf.for %scan3A_50 = %scan3A_14 to %scan3A_16 step %scan3A_17 iter_args(%scan3A_51 = %broadcast_in_dim3A_13, %scan3A_52 = %broadcast_in_dim3A_13, %scan3A_53 = %broadcast_in_dim3A_13, %scan3A_54 = %broadcast_in_dim3A_13, %scan3A_55 = %broadcast_in_dim3A_13, %scan3A_56 = %broadcast_in_dim3A_13, %scan3A_57 = %broadcast_in_dim3A_13, %scan3A_58 = %broadcast_in_dim3A_13, %scan3A_59 = %broadcast_in_dim3A_13, %scan3A_60 = %broadcast_in_dim3A_13, %scan3A_61 = %broadcast_in_dim3A_13, %scan3A_62 = %broadcast_in_dim3A_13, %scan3A_63 = %broadcast_in_dim3A_13, %scan3A_64 = %broadcast_in_dim3A_13, %scan3A_65 = %broadcast_in_dim3A_13, %scan3A_66 = %broadcast_in_dim3A_13) -> (vector<16xf32>, vector<16xf32>, vector<16xf32>, vector<16xf32>, vector<16xf32>, vector<16xf32>, vector<16xf32>, vector<16xf32>, vector<16xf32>, vector<16xf32>, vector<16xf32>, vector<16xf32>, vector<16xf32>, vector<16xf32>, vector<16xf32>, vector<16xf32>)  : i32 {
        %mul3A_67 = arith.constant 2 : i32
        %mul3A_68 = arith.muli %mul3A_67, %scan3A_50 : i32
        %add3A_69 = arith.constant 0 : i32
        %add3A_70 = arith.addi %mul3A_68, %add3A_69 : i32
        %broadcast_in_dim3A_71 = vector.broadcast %add3A_70 : i32 to vector<16xi32>
        %gather3A = tpu.vector_load_idx %arg5[%broadcast_in_dim3A, %broadcast_in_dim3A_71] : memref<32x256xf32, #tpu.memory_space<vmem>>[vector<16xi32>, vector<16xi32>], vector<16xf32>,
        %get3A = arith.index_cast %add3A_70 : i32 to index
        %get3A_72 = arith.constant 0 : index
        %get3A_73 = tpu.vector_load %arg6[%get3A, %get3A_72] {strides = array<i32>} : memref<256x128xf32, #tpu.memory_space<vmem>>, vector<16xf32>,
        %add3A_74 = arith.addf %gather3A, %get3A_73 : vector<16xf32>
        %min3A = arith.minimumf %scan3A_51, %add3A_74 : vector<16xf32>
        %max3A = arith.maximumf %scan3A_51, %add3A_74 : vector<16xf32>
        %max3A_75 = arith.maximumf %scan3A_59, %min3A : vector<16xf32>
        %get3A_76 = arith.index_cast %add3A_70 : i32 to index
        %get3A_77 = arith.constant 16 : index
        %get3A_78 = tpu.vector_load %arg6[%get3A_76, %get3A_77] {strides = array<i32>} : memref<256x128xf32, #tpu.memory_space<vmem>>, vector<16xf32>,
        %add3A_79 = arith.addf %gather3A, %get3A_78 : vector<16xf32>
        %min3A_80 = arith.minimumf %scan3A_52, %add3A_79 : vector<16xf32>
        %max3A_81 = arith.maximumf %scan3A_52, %add3A_79 : vector<16xf32>
        %max3A_82 = arith.maximumf %scan3A_60, %min3A_80 : vector<16xf32>
        %get3A_83 = arith.index_cast %add3A_70 : i32 to index
        %get3A_84 = arith.constant 32 : index
        %get3A_85 = tpu.vector_load %arg6[%get3A_83, %get3A_84] {strides = array<i32>} : memref<256x128xf32, #tpu.memory_space<vmem>>, vector<16xf32>,
        %add3A_86 = arith.addf %gather3A, %get3A_85 : vector<16xf32>
        %min3A_87 = arith.minimumf %scan3A_53, %add3A_86 : vector<16xf32>
        %max3A_88 = arith.maximumf %scan3A_53, %add3A_86 : vector<16xf32>
        %max3A_89 = arith.maximumf %scan3A_61, %min3A_87 : vector<16xf32>
        %get3A_90 = arith.index_cast %add3A_70 : i32 to index
        %get3A_91 = arith.constant 48 : index
        %get3A_92 = tpu.vector_load %arg6[%get3A_90, %get3A_91] {strides = array<i32>} : memref<256x128xf32, #tpu.memory_space<vmem>>, vector<16xf32>,
        %add3A_93 = arith.addf %gather3A, %get3A_92 : vector<16xf32>
        %min3A_94 = arith.minimumf %scan3A_54, %add3A_93 : vector<16xf32>
        %max3A_95 = arith.maximumf %scan3A_54, %add3A_93 : vector<16xf32>
        %max3A_96 = arith.maximumf %scan3A_62, %min3A_94 : vector<16xf32>
        %get3A_97 = arith.index_cast %add3A_70 : i32 to index
        %get3A_98 = arith.constant 64 : index
        %get3A_99 = tpu.vector_load %arg6[%get3A_97, %get3A_98] {strides = array<i32>} : memref<256x128xf32, #tpu.memory_space<vmem>>, vector<16xf32>,
        %add3A_100 = arith.addf %gather3A, %get3A_99 : vector<16xf32>
        %min3A_101 = arith.minimumf %scan3A_55, %add3A_100 : vector<16xf32>
        %max3A_102 = arith.maximumf %scan3A_55, %add3A_100 : vector<16xf32>
        %max3A_103 = arith.maximumf %scan3A_63, %min3A_101 : vector<16xf32>
        %get3A_104 = arith.index_cast %add3A_70 : i32 to index
        %get3A_105 = arith.constant 80 : index
        %get3A_106 = tpu.vector_load %arg6[%get3A_104, %get3A_105] {strides = array<i32>} : memref<256x128xf32, #tpu.memory_space<vmem>>, vector<16xf32>,
        %add3A_107 = arith.addf %gather3A, %get3A_106 : vector<16xf32>
        %min3A_108 = arith.minimumf %scan3A_56, %add3A_107 : vector<16xf32>
        %max3A_109 = arith.maximumf %scan3A_56, %add3A_107 : vector<16xf32>
        %max3A_110 = arith.maximumf %scan3A_64, %min3A_108 : vector<16xf32>
        %get3A_111 = arith.index_cast %add3A_70 : i32 to index
        %get3A_112 = arith.constant 96 : index
        %get3A_113 = tpu.vector_load %arg6[%get3A_111, %get3A_112] {strides = array<i32>} : memref<256x128xf32, #tpu.memory_space<vmem>>, vector<16xf32>,
        %add3A_114 = arith.addf %gather3A, %get3A_113 : vector<16xf32>
        %min3A_115 = arith.minimumf %scan3A_57, %add3A_114 : vector<16xf32>
        %max3A_116 = arith.maximumf %scan3A_57, %add3A_114 : vector<16xf32>
        %max3A_117 = arith.maximumf %scan3A_65, %min3A_115 : vector<16xf32>
        %get3A_118 = arith.index_cast %add3A_70 : i32 to index
        %get3A_119 = arith.constant 112 : index
        %get3A_120 = tpu.vector_load %arg6[%get3A_118, %get3A_119] {strides = array<i32>} : memref<256x128xf32, #tpu.memory_space<vmem>>, vector<16xf32>,
        %add3A_121 = arith.addf %gather3A, %get3A_120 : vector<16xf32>
        %min3A_122 = arith.minimumf %scan3A_58, %add3A_121 : vector<16xf32>
        %max3A_123 = arith.maximumf %scan3A_58, %add3A_121 : vector<16xf32>
        %max3A_124 = arith.maximumf %scan3A_66, %min3A_122 : vector<16xf32>
        %mul3A_125 = arith.constant 2 : i32
        %mul3A_126 = arith.muli %mul3A_125, %scan3A_50 : i32
        %add3A_127 = arith.constant 1 : i32
        %add3A_128 = arith.addi %mul3A_126, %add3A_127 : i32
        %broadcast_in_dim3A_129 = vector.broadcast %add3A_128 : i32 to vector<16xi32>
        %gather3A_130 = tpu.vector_load_idx %arg5[%broadcast_in_dim3A, %broadcast_in_dim3A_129] : memref<32x256xf32, #tpu.memory_space<vmem>>[vector<16xi32>, vector<16xi32>], vector<16xf32>,
        %get3A_131 = arith.index_cast %add3A_128 : i32 to index
        %get3A_132 = arith.constant 0 : index
        %get3A_133 = tpu.vector_load %arg6[%get3A_131, %get3A_132] {strides = array<i32>} : memref<256x128xf32, #tpu.memory_space<vmem>>, vector<16xf32>,
        %add3A_134 = arith.addf %gather3A_130, %get3A_133 : vector<16xf32>
        %min3A_135 = arith.minimumf %max3A, %add3A_134 : vector<16xf32>
        %max3A_136 = arith.maximumf %max3A, %add3A_134 : vector<16xf32>
        %max3A_137 = arith.maximumf %max3A_75, %min3A_135 : vector<16xf32>
        %get3A_138 = arith.index_cast %add3A_128 : i32 to index
        %get3A_139 = arith.constant 16 : index
        %get3A_140 = tpu.vector_load %arg6[%get3A_138, %get3A_139] {strides = array<i32>} : memref<256x128xf32, #tpu.memory_space<vmem>>, vector<16xf32>,
        %add3A_141 = arith.addf %gather3A_130, %get3A_140 : vector<16xf32>
        %min3A_142 = arith.minimumf %max3A_81, %add3A_141 : vector<16xf32>
        %max3A_143 = arith.maximumf %max3A_81, %add3A_141 : vector<16xf32>
        %max3A_144 = arith.maximumf %max3A_82, %min3A_142 : vector<16xf32>
        %get3A_145 = arith.index_cast %add3A_128 : i32 to index
        %get3A_146 = arith.constant 32 : index
        %get3A_147 = tpu.vector_load %arg6[%get3A_145, %get3A_146] {strides = array<i32>} : memref<256x128xf32, #tpu.memory_space<vmem>>, vector<16xf32>,
        %add3A_148 = arith.addf %gather3A_130, %get3A_147 : vector<16xf32>
        %min3A_149 = arith.minimumf %max3A_88, %add3A_148 : vector<16xf32>
        %max3A_150 = arith.maximumf %max3A_88, %add3A_148 : vector<16xf32>
        %max3A_151 = arith.maximumf %max3A_89, %min3A_149 : vector<16xf32>
        %get3A_152 = arith.index_cast %add3A_128 : i32 to index
        %get3A_153 = arith.constant 48 : index
        %get3A_154 = tpu.vector_load %arg6[%get3A_152, %get3A_153] {strides = array<i32>} : memref<256x128xf32, #tpu.memory_space<vmem>>, vector<16xf32>,
        %add3A_155 = arith.addf %gather3A_130, %get3A_154 : vector<16xf32>
        %min3A_156 = arith.minimumf %max3A_95, %add3A_155 : vector<16xf32>
        %max3A_157 = arith.maximumf %max3A_95, %add3A_155 : vector<16xf32>
        %max3A_158 = arith.maximumf %max3A_96, %min3A_156 : vector<16xf32>
        %get3A_159 = arith.index_cast %add3A_128 : i32 to index
        %get3A_160 = arith.constant 64 : index
        %get3A_161 = tpu.vector_load %arg6[%get3A_159, %get3A_160] {strides = array<i32>} : memref<256x128xf32, #tpu.memory_space<vmem>>, vector<16xf32>,
        %add3A_162 = arith.addf %gather3A_130, %get3A_161 : vector<16xf32>
        %min3A_163 = arith.minimumf %max3A_102, %add3A_162 : vector<16xf32>
        %max3A_164 = arith.maximumf %max3A_102, %add3A_162 : vector<16xf32>
        %max3A_165 = arith.maximumf %max3A_103, %min3A_163 : vector<16xf32>
        %get3A_166 = arith.index_cast %add3A_128 : i32 to index
        %get3A_167 = arith.constant 80 : index
        %get3A_168 = tpu.vector_load %arg6[%get3A_166, %get3A_167] {strides = array<i32>} : memref<256x128xf32, #tpu.memory_space<vmem>>, vector<16xf32>,
        %add3A_169 = arith.addf %gather3A_130, %get3A_168 : vector<16xf32>
        %min3A_170 = arith.minimumf %max3A_109, %add3A_169 : vector<16xf32>
        %max3A_171 = arith.maximumf %max3A_109, %add3A_169 : vector<16xf32>
        %max3A_172 = arith.maximumf %max3A_110, %min3A_170 : vector<16xf32>
        %get3A_173 = arith.index_cast %add3A_128 : i32 to index
        %get3A_174 = arith.constant 96 : index
        %get3A_175 = tpu.vector_load %arg6[%get3A_173, %get3A_174] {strides = array<i32>} : memref<256x128xf32, #tpu.memory_space<vmem>>, vector<16xf32>,
        %add3A_176 = arith.addf %gather3A_130, %get3A_175 : vector<16xf32>
        %min3A_177 = arith.minimumf %max3A_116, %add3A_176 : vector<16xf32>
        %max3A_178 = arith.maximumf %max3A_116, %add3A_176 : vector<16xf32>
        %max3A_179 = arith.maximumf %max3A_117, %min3A_177 : vector<16xf32>
        %get3A_180 = arith.index_cast %add3A_128 : i32 to index
        %get3A_181 = arith.constant 112 : index
        %get3A_182 = tpu.vector_load %arg6[%get3A_180, %get3A_181] {strides = array<i32>} : memref<256x128xf32, #tpu.memory_space<vmem>>, vector<16xf32>,
        %add3A_183 = arith.addf %gather3A_130, %get3A_182 : vector<16xf32>
        %min3A_184 = arith.minimumf %max3A_123, %add3A_183 : vector<16xf32>
        %max3A_185 = arith.maximumf %max3A_123, %add3A_183 : vector<16xf32>
        %max3A_186 = arith.maximumf %max3A_124, %min3A_184 : vector<16xf32>
        scf.yield %max3A_136, %max3A_143, %max3A_150, %max3A_157, %max3A_164, %max3A_171, %max3A_178, %max3A_185, %max3A_137, %max3A_144, %max3A_151, %max3A_158, %max3A_165, %max3A_172, %max3A_179, %max3A_186 : vector<16xf32>, vector<16xf32>, vector<16xf32>, vector<16xf32>, vector<16xf32>, vector<16xf32>, vector<16xf32>, vector<16xf32>, vector<16xf32>, vector<16xf32>, vector<16xf32>, vector<16xf32>, vector<16xf32>, vector<16xf32>, vector<16xf32>, vector<16xf32>
      }
      %scan3A_19 = arith.constant 128 : i32
      %sub3A = arith.subf %scan3A_18#0, %scan3A_18#8 : vector<16xf32>
      %swap3A = arith.index_cast %add3A_11 : i32 to index
      %swap3A_20 = arith.constant 0 : index
      %swap3A_21 = tpu.vector_load %arg7[%swap3A, %swap3A_20] {strides = array<i32>} : memref<32x128xf32, #tpu.memory_space<vmem>>, vector<16xf32>,
      tpu.vector_store %arg7[%swap3A, %swap3A_20], %sub3A {strides = array<i32>} : memref<32x128xf32, #tpu.memory_space<vmem>>, vector<16xf32>,
      %sub3A_22 = arith.subf %scan3A_18#1, %scan3A_18#9 : vector<16xf32>
      %swap3A_23 = arith.index_cast %add3A_11 : i32 to index
      %swap3A_24 = arith.constant 16 : index
      %swap3A_25 = tpu.vector_load %arg7[%swap3A_23, %swap3A_24] {strides = array<i32>} : memref<32x128xf32, #tpu.memory_space<vmem>>, vector<16xf32>,
      tpu.vector_store %arg7[%swap3A_23, %swap3A_24], %sub3A_22 {strides = array<i32>} : memref<32x128xf32, #tpu.memory_space<vmem>>, vector<16xf32>,
      %sub3A_26 = arith.subf %scan3A_18#2, %scan3A_18#10 : vector<16xf32>
      %swap3A_27 = arith.index_cast %add3A_11 : i32 to index
      %swap3A_28 = arith.constant 32 : index
      %swap3A_29 = tpu.vector_load %arg7[%swap3A_27, %swap3A_28] {strides = array<i32>} : memref<32x128xf32, #tpu.memory_space<vmem>>, vector<16xf32>,
      tpu.vector_store %arg7[%swap3A_27, %swap3A_28], %sub3A_26 {strides = array<i32>} : memref<32x128xf32, #tpu.memory_space<vmem>>, vector<16xf32>,
      %sub3A_30 = arith.subf %scan3A_18#3, %scan3A_18#11 : vector<16xf32>
      %swap3A_31 = arith.index_cast %add3A_11 : i32 to index
      %swap3A_32 = arith.constant 48 : index
      %swap3A_33 = tpu.vector_load %arg7[%swap3A_31, %swap3A_32] {strides = array<i32>} : memref<32x128xf32, #tpu.memory_space<vmem>>, vector<16xf32>,
      tpu.vector_store %arg7[%swap3A_31, %swap3A_32], %sub3A_30 {strides = array<i32>} : memref<32x128xf32, #tpu.memory_space<vmem>>, vector<16xf32>,
      %sub3A_34 = arith.subf %scan3A_18#4, %scan3A_18#12 : vector<16xf32>
      %swap3A_35 = arith.index_cast %add3A_11 : i32 to index
      %swap3A_36 = arith.constant 64 : index
      %swap3A_37 = tpu.vector_load %arg7[%swap3A_35, %swap3A_36] {strides = array<i32>} : memref<32x128xf32, #tpu.memory_space<vmem>>, vector<16xf32>,
      tpu.vector_store %arg7[%swap3A_35, %swap3A_36], %sub3A_34 {strides = array<i32>} : memref<32x128xf32, #tpu.memory_space<vmem>>, vector<16xf32>,
      %sub3A_38 = arith.subf %scan3A_18#5, %scan3A_18#13 : vector<16xf32>
      %swap3A_39 = arith.index_cast %add3A_11 : i32 to index
      %swap3A_40 = arith.constant 80 : index
      %swap3A_41 = tpu.vector_load %arg7[%swap3A_39, %swap3A_40] {strides = array<i32>} : memref<32x128xf32, #tpu.memory_space<vmem>>, vector<16xf32>,
      tpu.vector_store %arg7[%swap3A_39, %swap3A_40], %sub3A_38 {strides = array<i32>} : memref<32x128xf32, #tpu.memory_space<vmem>>, vector<16xf32>,
      %sub3A_42 = arith.subf %scan3A_18#6, %scan3A_18#14 : vector<16xf32>
      %swap3A_43 = arith.index_cast %add3A_11 : i32 to index
      %swap3A_44 = arith.constant 96 : index
      %swap3A_45 = tpu.vector_load %arg7[%swap3A_43, %swap3A_44] {strides = array<i32>} : memref<32x128xf32, #tpu.memory_space<vmem>>, vector<16xf32>,
      tpu.vector_store %arg7[%swap3A_43, %swap3A_44], %sub3A_42 {strides = array<i32>} : memref<32x128xf32, #tpu.memory_space<vmem>>, vector<16xf32>,
      %sub3A_46 = arith.subf %scan3A_18#7, %scan3A_18#15 : vector<16xf32>
      %swap3A_47 = arith.index_cast %add3A_11 : i32 to index
      %swap3A_48 = arith.constant 112 : index
      %swap3A_49 = tpu.vector_load %arg7[%swap3A_47, %swap3A_48] {strides = array<i32>} : memref<32x128xf32, #tpu.memory_space<vmem>>, vector<16xf32>,
      tpu.vector_store %arg7[%swap3A_47, %swap3A_48], %sub3A_46 {strides = array<i32>} : memref<32x128xf32, #tpu.memory_space<vmem>>, vector<16xf32>,
    }
    %scan3A_6 = arith.constant 32 : i32
    "tpu.region"() ({
      %run_scoped3A = tpu.sem_alloc : memref<!tpu.dma_semaphore, #tpu.memory_space<semaphore_mem>>
      %dma_start3A = arith.constant 0 : i32
      %dma_start3A_7 = tpu.memref_slice %arg4[%mul3A_2, %dma_start3A] : memref<1024x128xf32, #tpu.memory_space<hbm>> -> memref<32x128xf32, #tpu.memory_space<hbm>>
      %dma_start3A_8 = arith.constant 0 : i32
      %dma_start3A_9 = tpu.memref_slice %arg4[%mul3A_2, %dma_start3A_8] : memref<1024x128xf32, #tpu.memory_space<hbm>> -> memref<32x128xf32, #tpu.memory_space<hbm>>
      tpu.enqueue_dma source(%arg7 : memref<32x128xf32, #tpu.memory_space<vmem>>) target(%dma_start3A_9 : memref<32x128xf32, #tpu.memory_space<hbm>>) target_semaphore(%run_scoped3A : memref<!tpu.dma_semaphore, #tpu.memory_space<semaphore_mem>>)
      %dma_wait3A = arith.constant 0 : i32
      %dma_wait3A_10 = tpu.memref_slice %arg4[%mul3A_2, %dma_wait3A] : memref<1024x128xf32, #tpu.memory_space<hbm>> -> memref<32x128xf32, #tpu.memory_space<hbm>>
      %dma_wait3A_11 = arith.constant 0 : i32
      %dma_wait3A_12 = tpu.memref_slice %arg4[%mul3A_2, %dma_wait3A_11] : memref<1024x128xf32, #tpu.memory_space<hbm>> -> memref<32x128xf32, #tpu.memory_space<hbm>>
      tpu.wait_dma2 semaphore(%run_scoped3A : memref<!tpu.dma_semaphore, #tpu.memory_space<semaphore_mem>>) src(%arg7 : memref<32x128xf32, #tpu.memory_space<vmem>>) dst(%dma_wait3A_12 : memref<32x128xf32, #tpu.memory_space<hbm>>)
      tpu.yield
    }) : () -> ()
    return
  }
}

module attributes {stable_mosaic.version = 14 : i64} {
  func.func @_tc_body(%arg0: i32, %arg1: i32, %arg2: memref<256x128xf32, #tpu.memory_space<vmem>>, %arg3: memref<256x128x128xf32, #tpu.memory_space<vmem>>, %arg4: memref<128x128xf32, #tpu.memory_space<vmem>>) attributes {dimension_semantics = [#tpu.dimension_semantics<arbitrary>, #tpu.dimension_semantics<arbitrary>], iteration_bounds = array<i64: 1, 24>, scalar_prefetch = 0 : i64, scratch_operands = 0 : i64, tpu.core_type = #tpu.core_type<tc>, window_params = [{transform_indices = @transform_0, window_bounds = array<i64: 256, 128>}, {transform_indices = @transform_1, window_bounds = array<i64: 256, 128, 128>}, {transform_indices = @transform_2, window_bounds = array<i64: 128, 128>}]} {
    %broadcast_in_dim3A = arith.constant 0xFF800000 : f32
    %broadcast_in_dim3A_0 = vector.broadcast %broadcast_in_dim3A : f32 to vector<128x128xf32>
    %get3A = arith.constant 0 : index
    %get3A_1 = arith.constant 0 : index
    %get3A_2 = arith.constant 0 : index
    %get3A_3 = vector.load %arg3[%get3A, %get3A_1, %get3A_2] : memref<256x128x128xf32, #tpu.memory_space<vmem>>, vector<1x128x128xf32>
    %get3A_4 = vector.shape_cast %get3A_3 : vector<1x128x128xf32> to vector<128x128xf32>
    %get3A_5 = arith.constant 0 : index
    %get3A_6 = arith.constant 0 : index
    %get3A_7 = vector.load %arg2[%get3A_5, %get3A_6] : memref<256x128xf32, #tpu.memory_space<vmem>>, vector<1x128xf32>
    %add3A = vector.broadcast %get3A_7 : vector<1x128xf32> to vector<128x128xf32>
    %add3A_8 = arith.addf %get3A_4, %add3A : vector<128x128xf32>
    %min3A = arith.minimumf %broadcast_in_dim3A_0, %add3A_8 : vector<128x128xf32>
    %max3A = arith.maximumf %broadcast_in_dim3A_0, %add3A_8 : vector<128x128xf32>
    %max3A_9 = arith.maximumf %broadcast_in_dim3A_0, %min3A : vector<128x128xf32>
    %get3A_10 = arith.constant 1 : index
    %get3A_11 = arith.constant 0 : index
    %get3A_12 = arith.constant 0 : index
    %get3A_13 = vector.load %arg3[%get3A_10, %get3A_11, %get3A_12] : memref<256x128x128xf32, #tpu.memory_space<vmem>>, vector<1x128x128xf32>
    %get3A_14 = vector.shape_cast %get3A_13 : vector<1x128x128xf32> to vector<128x128xf32>
    %get3A_15 = arith.constant 1 : index
    %get3A_16 = arith.constant 0 : index
    %get3A_17 = vector.load %arg2[%get3A_15, %get3A_16] : memref<256x128xf32, #tpu.memory_space<vmem>>, vector<1x128xf32>
    %add3A_18 = vector.broadcast %get3A_17 : vector<1x128xf32> to vector<128x128xf32>
    %add3A_19 = arith.addf %get3A_14, %add3A_18 : vector<128x128xf32>
    %min3A_20 = arith.minimumf %max3A, %add3A_19 : vector<128x128xf32>
    %max3A_21 = arith.maximumf %max3A, %add3A_19 : vector<128x128xf32>
    %max3A_22 = arith.maximumf %max3A_9, %min3A_20 : vector<128x128xf32>
    %get3A_23 = arith.constant 2 : index
    %get3A_24 = arith.constant 0 : index
    %get3A_25 = arith.constant 0 : index
    %get3A_26 = vector.load %arg3[%get3A_23, %get3A_24, %get3A_25] : memref<256x128x128xf32, #tpu.memory_space<vmem>>, vector<1x128x128xf32>
    %get3A_27 = vector.shape_cast %get3A_26 : vector<1x128x128xf32> to vector<128x128xf32>
    %get3A_28 = arith.constant 2 : index
    %get3A_29 = arith.constant 0 : index
    %get3A_30 = vector.load %arg2[%get3A_28, %get3A_29] : memref<256x128xf32, #tpu.memory_space<vmem>>, vector<1x128xf32>
    %add3A_31 = vector.broadcast %get3A_30 : vector<1x128xf32> to vector<128x128xf32>
    %add3A_32 = arith.addf %get3A_27, %add3A_31 : vector<128x128xf32>
    %min3A_33 = arith.minimumf %max3A_21, %add3A_32 : vector<128x128xf32>
    %max3A_34 = arith.maximumf %max3A_21, %add3A_32 : vector<128x128xf32>
    %max3A_35 = arith.maximumf %max3A_22, %min3A_33 : vector<128x128xf32>
    %get3A_36 = arith.constant 3 : index
    %get3A_37 = arith.constant 0 : index
    %get3A_38 = arith.constant 0 : index
    %get3A_39 = vector.load %arg3[%get3A_36, %get3A_37, %get3A_38] : memref<256x128x128xf32, #tpu.memory_space<vmem>>, vector<1x128x128xf32>
    %get3A_40 = vector.shape_cast %get3A_39 : vector<1x128x128xf32> to vector<128x128xf32>
    %get3A_41 = arith.constant 3 : index
    %get3A_42 = arith.constant 0 : index
    %get3A_43 = vector.load %arg2[%get3A_41, %get3A_42] : memref<256x128xf32, #tpu.memory_space<vmem>>, vector<1x128xf32>
    %add3A_44 = vector.broadcast %get3A_43 : vector<1x128xf32> to vector<128x128xf32>
    %add3A_45 = arith.addf %get3A_40, %add3A_44 : vector<128x128xf32>
    %min3A_46 = arith.minimumf %max3A_34, %add3A_45 : vector<128x128xf32>
    %max3A_47 = arith.maximumf %max3A_34, %add3A_45 : vector<128x128xf32>
    %max3A_48 = arith.maximumf %max3A_35, %min3A_46 : vector<128x128xf32>
    %get3A_49 = arith.constant 4 : index
    %get3A_50 = arith.constant 0 : index
    %get3A_51 = arith.constant 0 : index
    %get3A_52 = vector.load %arg3[%get3A_49, %get3A_50, %get3A_51] : memref<256x128x128xf32, #tpu.memory_space<vmem>>, vector<1x128x128xf32>
    %get3A_53 = vector.shape_cast %get3A_52 : vector<1x128x128xf32> to vector<128x128xf32>
    %get3A_54 = arith.constant 4 : index
    %get3A_55 = arith.constant 0 : index
    %get3A_56 = vector.load %arg2[%get3A_54, %get3A_55] : memref<256x128xf32, #tpu.memory_space<vmem>>, vector<1x128xf32>
    %add3A_57 = vector.broadcast %get3A_56 : vector<1x128xf32> to vector<128x128xf32>
    %add3A_58 = arith.addf %get3A_53, %add3A_57 : vector<128x128xf32>
    %min3A_59 = arith.minimumf %max3A_47, %add3A_58 : vector<128x128xf32>
    %max3A_60 = arith.maximumf %max3A_47, %add3A_58 : vector<128x128xf32>
    %max3A_61 = arith.maximumf %max3A_48, %min3A_59 : vector<128x128xf32>
    %get3A_62 = arith.constant 5 : index
    %get3A_63 = arith.constant 0 : index
    %get3A_64 = arith.constant 0 : index
    %get3A_65 = vector.load %arg3[%get3A_62, %get3A_63, %get3A_64] : memref<256x128x128xf32, #tpu.memory_space<vmem>>, vector<1x128x128xf32>
    %get3A_66 = vector.shape_cast %get3A_65 : vector<1x128x128xf32> to vector<128x128xf32>
    %get3A_67 = arith.constant 5 : index
    %get3A_68 = arith.constant 0 : index
    %get3A_69 = vector.load %arg2[%get3A_67, %get3A_68] : memref<256x128xf32, #tpu.memory_space<vmem>>, vector<1x128xf32>
    %add3A_70 = vector.broadcast %get3A_69 : vector<1x128xf32> to vector<128x128xf32>
    %add3A_71 = arith.addf %get3A_66, %add3A_70 : vector<128x128xf32>
    %min3A_72 = arith.minimumf %max3A_60, %add3A_71 : vector<128x128xf32>
    %max3A_73 = arith.maximumf %max3A_60, %add3A_71 : vector<128x128xf32>
    %max3A_74 = arith.maximumf %max3A_61, %min3A_72 : vector<128x128xf32>
    %get3A_75 = arith.constant 6 : index
    %get3A_76 = arith.constant 0 : index
    %get3A_77 = arith.constant 0 : index
    %get3A_78 = vector.load %arg3[%get3A_75, %get3A_76, %get3A_77] : memref<256x128x128xf32, #tpu.memory_space<vmem>>, vector<1x128x128xf32>
    %get3A_79 = vector.shape_cast %get3A_78 : vector<1x128x128xf32> to vector<128x128xf32>
    %get3A_80 = arith.constant 6 : index
    %get3A_81 = arith.constant 0 : index
    %get3A_82 = vector.load %arg2[%get3A_80, %get3A_81] : memref<256x128xf32, #tpu.memory_space<vmem>>, vector<1x128xf32>
    %add3A_83 = vector.broadcast %get3A_82 : vector<1x128xf32> to vector<128x128xf32>
    %add3A_84 = arith.addf %get3A_79, %add3A_83 : vector<128x128xf32>
    %min3A_85 = arith.minimumf %max3A_73, %add3A_84 : vector<128x128xf32>
    %max3A_86 = arith.maximumf %max3A_73, %add3A_84 : vector<128x128xf32>
    %max3A_87 = arith.maximumf %max3A_74, %min3A_85 : vector<128x128xf32>
    %get3A_88 = arith.constant 7 : index
    %get3A_89 = arith.constant 0 : index
    %get3A_90 = arith.constant 0 : index
    %get3A_91 = vector.load %arg3[%get3A_88, %get3A_89, %get3A_90] : memref<256x128x128xf32, #tpu.memory_space<vmem>>, vector<1x128x128xf32>
    %get3A_92 = vector.shape_cast %get3A_91 : vector<1x128x128xf32> to vector<128x128xf32>
    %get3A_93 = arith.constant 7 : index
    %get3A_94 = arith.constant 0 : index
    %get3A_95 = vector.load %arg2[%get3A_93, %get3A_94] : memref<256x128xf32, #tpu.memory_space<vmem>>, vector<1x128xf32>
    %add3A_96 = vector.broadcast %get3A_95 : vector<1x128xf32> to vector<128x128xf32>
    %add3A_97 = arith.addf %get3A_92, %add3A_96 : vector<128x128xf32>
    %min3A_98 = arith.minimumf %max3A_86, %add3A_97 : vector<128x128xf32>
    %max3A_99 = arith.maximumf %max3A_86, %add3A_97 : vector<128x128xf32>
    %max3A_100 = arith.maximumf %max3A_87, %min3A_98 : vector<128x128xf32>
    %get3A_101 = arith.constant 8 : index
    %get3A_102 = arith.constant 0 : index
    %get3A_103 = arith.constant 0 : index
    %get3A_104 = vector.load %arg3[%get3A_101, %get3A_102, %get3A_103] : memref<256x128x128xf32, #tpu.memory_space<vmem>>, vector<1x128x128xf32>
    %get3A_105 = vector.shape_cast %get3A_104 : vector<1x128x128xf32> to vector<128x128xf32>
    %get3A_106 = arith.constant 8 : index
    %get3A_107 = arith.constant 0 : index
    %get3A_108 = vector.load %arg2[%get3A_106, %get3A_107] : memref<256x128xf32, #tpu.memory_space<vmem>>, vector<1x128xf32>
    %add3A_109 = vector.broadcast %get3A_108 : vector<1x128xf32> to vector<128x128xf32>
    %add3A_110 = arith.addf %get3A_105, %add3A_109 : vector<128x128xf32>
    %min3A_111 = arith.minimumf %max3A_99, %add3A_110 : vector<128x128xf32>
    %max3A_112 = arith.maximumf %max3A_99, %add3A_110 : vector<128x128xf32>
    %max3A_113 = arith.maximumf %max3A_100, %min3A_111 : vector<128x128xf32>
    %get3A_114 = arith.constant 9 : index
    %get3A_115 = arith.constant 0 : index
    %get3A_116 = arith.constant 0 : index
    %get3A_117 = vector.load %arg3[%get3A_114, %get3A_115, %get3A_116] : memref<256x128x128xf32, #tpu.memory_space<vmem>>, vector<1x128x128xf32>
    %get3A_118 = vector.shape_cast %get3A_117 : vector<1x128x128xf32> to vector<128x128xf32>
    %get3A_119 = arith.constant 9 : index
    %get3A_120 = arith.constant 0 : index
    %get3A_121 = vector.load %arg2[%get3A_119, %get3A_120] : memref<256x128xf32, #tpu.memory_space<vmem>>, vector<1x128xf32>
    %add3A_122 = vector.broadcast %get3A_121 : vector<1x128xf32> to vector<128x128xf32>
    %add3A_123 = arith.addf %get3A_118, %add3A_122 : vector<128x128xf32>
    %min3A_124 = arith.minimumf %max3A_112, %add3A_123 : vector<128x128xf32>
    %max3A_125 = arith.maximumf %max3A_112, %add3A_123 : vector<128x128xf32>
    %max3A_126 = arith.maximumf %max3A_113, %min3A_124 : vector<128x128xf32>
    %get3A_127 = arith.constant 10 : index
    %get3A_128 = arith.constant 0 : index
    %get3A_129 = arith.constant 0 : index
    %get3A_130 = vector.load %arg3[%get3A_127, %get3A_128, %get3A_129] : memref<256x128x128xf32, #tpu.memory_space<vmem>>, vector<1x128x128xf32>
    %get3A_131 = vector.shape_cast %get3A_130 : vector<1x128x128xf32> to vector<128x128xf32>
    %get3A_132 = arith.constant 10 : index
    %get3A_133 = arith.constant 0 : index
    %get3A_134 = vector.load %arg2[%get3A_132, %get3A_133] : memref<256x128xf32, #tpu.memory_space<vmem>>, vector<1x128xf32>
    %add3A_135 = vector.broadcast %get3A_134 : vector<1x128xf32> to vector<128x128xf32>
    %add3A_136 = arith.addf %get3A_131, %add3A_135 : vector<128x128xf32>
    %min3A_137 = arith.minimumf %max3A_125, %add3A_136 : vector<128x128xf32>
    %max3A_138 = arith.maximumf %max3A_125, %add3A_136 : vector<128x128xf32>
    %max3A_139 = arith.maximumf %max3A_126, %min3A_137 : vector<128x128xf32>
    %get3A_140 = arith.constant 11 : index
    %get3A_141 = arith.constant 0 : index
    %get3A_142 = arith.constant 0 : index
    %get3A_143 = vector.load %arg3[%get3A_140, %get3A_141, %get3A_142] : memref<256x128x128xf32, #tpu.memory_space<vmem>>, vector<1x128x128xf32>
    %get3A_144 = vector.shape_cast %get3A_143 : vector<1x128x128xf32> to vector<128x128xf32>
    %get3A_145 = arith.constant 11 : index
    %get3A_146 = arith.constant 0 : index
    %get3A_147 = vector.load %arg2[%get3A_145, %get3A_146] : memref<256x128xf32, #tpu.memory_space<vmem>>, vector<1x128xf32>
    %add3A_148 = vector.broadcast %get3A_147 : vector<1x128xf32> to vector<128x128xf32>
    %add3A_149 = arith.addf %get3A_144, %add3A_148 : vector<128x128xf32>
    %min3A_150 = arith.minimumf %max3A_138, %add3A_149 : vector<128x128xf32>
    %max3A_151 = arith.maximumf %max3A_138, %add3A_149 : vector<128x128xf32>
    %max3A_152 = arith.maximumf %max3A_139, %min3A_150 : vector<128x128xf32>
    %get3A_153 = arith.constant 12 : index
    %get3A_154 = arith.constant 0 : index
    %get3A_155 = arith.constant 0 : index
    %get3A_156 = vector.load %arg3[%get3A_153, %get3A_154, %get3A_155] : memref<256x128x128xf32, #tpu.memory_space<vmem>>, vector<1x128x128xf32>
    %get3A_157 = vector.shape_cast %get3A_156 : vector<1x128x128xf32> to vector<128x128xf32>
    %get3A_158 = arith.constant 12 : index
    %get3A_159 = arith.constant 0 : index
    %get3A_160 = vector.load %arg2[%get3A_158, %get3A_159] : memref<256x128xf32, #tpu.memory_space<vmem>>, vector<1x128xf32>
    %add3A_161 = vector.broadcast %get3A_160 : vector<1x128xf32> to vector<128x128xf32>
    %add3A_162 = arith.addf %get3A_157, %add3A_161 : vector<128x128xf32>
    %min3A_163 = arith.minimumf %max3A_151, %add3A_162 : vector<128x128xf32>
    %max3A_164 = arith.maximumf %max3A_151, %add3A_162 : vector<128x128xf32>
    %max3A_165 = arith.maximumf %max3A_152, %min3A_163 : vector<128x128xf32>
    %get3A_166 = arith.constant 13 : index
    %get3A_167 = arith.constant 0 : index
    %get3A_168 = arith.constant 0 : index
    %get3A_169 = vector.load %arg3[%get3A_166, %get3A_167, %get3A_168] : memref<256x128x128xf32, #tpu.memory_space<vmem>>, vector<1x128x128xf32>
    %get3A_170 = vector.shape_cast %get3A_169 : vector<1x128x128xf32> to vector<128x128xf32>
    %get3A_171 = arith.constant 13 : index
    %get3A_172 = arith.constant 0 : index
    %get3A_173 = vector.load %arg2[%get3A_171, %get3A_172] : memref<256x128xf32, #tpu.memory_space<vmem>>, vector<1x128xf32>
    %add3A_174 = vector.broadcast %get3A_173 : vector<1x128xf32> to vector<128x128xf32>
    %add3A_175 = arith.addf %get3A_170, %add3A_174 : vector<128x128xf32>
    %min3A_176 = arith.minimumf %max3A_164, %add3A_175 : vector<128x128xf32>
    %max3A_177 = arith.maximumf %max3A_164, %add3A_175 : vector<128x128xf32>
    %max3A_178 = arith.maximumf %max3A_165, %min3A_176 : vector<128x128xf32>
    %get3A_179 = arith.constant 14 : index
    %get3A_180 = arith.constant 0 : index
    %get3A_181 = arith.constant 0 : index
    %get3A_182 = vector.load %arg3[%get3A_179, %get3A_180, %get3A_181] : memref<256x128x128xf32, #tpu.memory_space<vmem>>, vector<1x128x128xf32>
    %get3A_183 = vector.shape_cast %get3A_182 : vector<1x128x128xf32> to vector<128x128xf32>
    %get3A_184 = arith.constant 14 : index
    %get3A_185 = arith.constant 0 : index
    %get3A_186 = vector.load %arg2[%get3A_184, %get3A_185] : memref<256x128xf32, #tpu.memory_space<vmem>>, vector<1x128xf32>
    %add3A_187 = vector.broadcast %get3A_186 : vector<1x128xf32> to vector<128x128xf32>
    %add3A_188 = arith.addf %get3A_183, %add3A_187 : vector<128x128xf32>
    %min3A_189 = arith.minimumf %max3A_177, %add3A_188 : vector<128x128xf32>
    %max3A_190 = arith.maximumf %max3A_177, %add3A_188 : vector<128x128xf32>
    %max3A_191 = arith.maximumf %max3A_178, %min3A_189 : vector<128x128xf32>
    %get3A_192 = arith.constant 15 : index
    %get3A_193 = arith.constant 0 : index
    %get3A_194 = arith.constant 0 : index
    %get3A_195 = vector.load %arg3[%get3A_192, %get3A_193, %get3A_194] : memref<256x128x128xf32, #tpu.memory_space<vmem>>, vector<1x128x128xf32>
    %get3A_196 = vector.shape_cast %get3A_195 : vector<1x128x128xf32> to vector<128x128xf32>
    %get3A_197 = arith.constant 15 : index
    %get3A_198 = arith.constant 0 : index
    %get3A_199 = vector.load %arg2[%get3A_197, %get3A_198] : memref<256x128xf32, #tpu.memory_space<vmem>>, vector<1x128xf32>
    %add3A_200 = vector.broadcast %get3A_199 : vector<1x128xf32> to vector<128x128xf32>
    %add3A_201 = arith.addf %get3A_196, %add3A_200 : vector<128x128xf32>
    %min3A_202 = arith.minimumf %max3A_190, %add3A_201 : vector<128x128xf32>
    %max3A_203 = arith.maximumf %max3A_190, %add3A_201 : vector<128x128xf32>
    %max3A_204 = arith.maximumf %max3A_191, %min3A_202 : vector<128x128xf32>
    %get3A_205 = arith.constant 16 : index
    %get3A_206 = arith.constant 0 : index
    %get3A_207 = arith.constant 0 : index
    %get3A_208 = vector.load %arg3[%get3A_205, %get3A_206, %get3A_207] : memref<256x128x128xf32, #tpu.memory_space<vmem>>, vector<1x128x128xf32>
    %get3A_209 = vector.shape_cast %get3A_208 : vector<1x128x128xf32> to vector<128x128xf32>
    %get3A_210 = arith.constant 16 : index
    %get3A_211 = arith.constant 0 : index
    %get3A_212 = vector.load %arg2[%get3A_210, %get3A_211] : memref<256x128xf32, #tpu.memory_space<vmem>>, vector<1x128xf32>
    %add3A_213 = vector.broadcast %get3A_212 : vector<1x128xf32> to vector<128x128xf32>
    %add3A_214 = arith.addf %get3A_209, %add3A_213 : vector<128x128xf32>
    %min3A_215 = arith.minimumf %max3A_203, %add3A_214 : vector<128x128xf32>
    %max3A_216 = arith.maximumf %max3A_203, %add3A_214 : vector<128x128xf32>
    %max3A_217 = arith.maximumf %max3A_204, %min3A_215 : vector<128x128xf32>
    %get3A_218 = arith.constant 17 : index
    %get3A_219 = arith.constant 0 : index
    %get3A_220 = arith.constant 0 : index
    %get3A_221 = vector.load %arg3[%get3A_218, %get3A_219, %get3A_220] : memref<256x128x128xf32, #tpu.memory_space<vmem>>, vector<1x128x128xf32>
    %get3A_222 = vector.shape_cast %get3A_221 : vector<1x128x128xf32> to vector<128x128xf32>
    %get3A_223 = arith.constant 17 : index
    %get3A_224 = arith.constant 0 : index
    %get3A_225 = vector.load %arg2[%get3A_223, %get3A_224] : memref<256x128xf32, #tpu.memory_space<vmem>>, vector<1x128xf32>
    %add3A_226 = vector.broadcast %get3A_225 : vector<1x128xf32> to vector<128x128xf32>
    %add3A_227 = arith.addf %get3A_222, %add3A_226 : vector<128x128xf32>
    %min3A_228 = arith.minimumf %max3A_216, %add3A_227 : vector<128x128xf32>
    %max3A_229 = arith.maximumf %max3A_216, %add3A_227 : vector<128x128xf32>
    %max3A_230 = arith.maximumf %max3A_217, %min3A_228 : vector<128x128xf32>
    %get3A_231 = arith.constant 18 : index
    %get3A_232 = arith.constant 0 : index
    %get3A_233 = arith.constant 0 : index
    %get3A_234 = vector.load %arg3[%get3A_231, %get3A_232, %get3A_233] : memref<256x128x128xf32, #tpu.memory_space<vmem>>, vector<1x128x128xf32>
    %get3A_235 = vector.shape_cast %get3A_234 : vector<1x128x128xf32> to vector<128x128xf32>
    %get3A_236 = arith.constant 18 : index
    %get3A_237 = arith.constant 0 : index
    %get3A_238 = vector.load %arg2[%get3A_236, %get3A_237] : memref<256x128xf32, #tpu.memory_space<vmem>>, vector<1x128xf32>
    %add3A_239 = vector.broadcast %get3A_238 : vector<1x128xf32> to vector<128x128xf32>
    %add3A_240 = arith.addf %get3A_235, %add3A_239 : vector<128x128xf32>
    %min3A_241 = arith.minimumf %max3A_229, %add3A_240 : vector<128x128xf32>
    %max3A_242 = arith.maximumf %max3A_229, %add3A_240 : vector<128x128xf32>
    %max3A_243 = arith.maximumf %max3A_230, %min3A_241 : vector<128x128xf32>
    %get3A_244 = arith.constant 19 : index
    %get3A_245 = arith.constant 0 : index
    %get3A_246 = arith.constant 0 : index
    %get3A_247 = vector.load %arg3[%get3A_244, %get3A_245, %get3A_246] : memref<256x128x128xf32, #tpu.memory_space<vmem>>, vector<1x128x128xf32>
    %get3A_248 = vector.shape_cast %get3A_247 : vector<1x128x128xf32> to vector<128x128xf32>
    %get3A_249 = arith.constant 19 : index
    %get3A_250 = arith.constant 0 : index
    %get3A_251 = vector.load %arg2[%get3A_249, %get3A_250] : memref<256x128xf32, #tpu.memory_space<vmem>>, vector<1x128xf32>
    %add3A_252 = vector.broadcast %get3A_251 : vector<1x128xf32> to vector<128x128xf32>
    %add3A_253 = arith.addf %get3A_248, %add3A_252 : vector<128x128xf32>
    %min3A_254 = arith.minimumf %max3A_242, %add3A_253 : vector<128x128xf32>
    %max3A_255 = arith.maximumf %max3A_242, %add3A_253 : vector<128x128xf32>
    %max3A_256 = arith.maximumf %max3A_243, %min3A_254 : vector<128x128xf32>
    %get3A_257 = arith.constant 20 : index
    %get3A_258 = arith.constant 0 : index
    %get3A_259 = arith.constant 0 : index
    %get3A_260 = vector.load %arg3[%get3A_257, %get3A_258, %get3A_259] : memref<256x128x128xf32, #tpu.memory_space<vmem>>, vector<1x128x128xf32>
    %get3A_261 = vector.shape_cast %get3A_260 : vector<1x128x128xf32> to vector<128x128xf32>
    %get3A_262 = arith.constant 20 : index
    %get3A_263 = arith.constant 0 : index
    %get3A_264 = vector.load %arg2[%get3A_262, %get3A_263] : memref<256x128xf32, #tpu.memory_space<vmem>>, vector<1x128xf32>
    %add3A_265 = vector.broadcast %get3A_264 : vector<1x128xf32> to vector<128x128xf32>
    %add3A_266 = arith.addf %get3A_261, %add3A_265 : vector<128x128xf32>
    %min3A_267 = arith.minimumf %max3A_255, %add3A_266 : vector<128x128xf32>
    %max3A_268 = arith.maximumf %max3A_255, %add3A_266 : vector<128x128xf32>
    %max3A_269 = arith.maximumf %max3A_256, %min3A_267 : vector<128x128xf32>
    %get3A_270 = arith.constant 21 : index
    %get3A_271 = arith.constant 0 : index
    %get3A_272 = arith.constant 0 : index
    %get3A_273 = vector.load %arg3[%get3A_270, %get3A_271, %get3A_272] : memref<256x128x128xf32, #tpu.memory_space<vmem>>, vector<1x128x128xf32>
    %get3A_274 = vector.shape_cast %get3A_273 : vector<1x128x128xf32> to vector<128x128xf32>
    %get3A_275 = arith.constant 21 : index
    %get3A_276 = arith.constant 0 : index
    %get3A_277 = vector.load %arg2[%get3A_275, %get3A_276] : memref<256x128xf32, #tpu.memory_space<vmem>>, vector<1x128xf32>
    %add3A_278 = vector.broadcast %get3A_277 : vector<1x128xf32> to vector<128x128xf32>
    %add3A_279 = arith.addf %get3A_274, %add3A_278 : vector<128x128xf32>
    %min3A_280 = arith.minimumf %max3A_268, %add3A_279 : vector<128x128xf32>
    %max3A_281 = arith.maximumf %max3A_268, %add3A_279 : vector<128x128xf32>
    %max3A_282 = arith.maximumf %max3A_269, %min3A_280 : vector<128x128xf32>
    %get3A_283 = arith.constant 22 : index
    %get3A_284 = arith.constant 0 : index
    %get3A_285 = arith.constant 0 : index
    %get3A_286 = vector.load %arg3[%get3A_283, %get3A_284, %get3A_285] : memref<256x128x128xf32, #tpu.memory_space<vmem>>, vector<1x128x128xf32>
    %get3A_287 = vector.shape_cast %get3A_286 : vector<1x128x128xf32> to vector<128x128xf32>
    %get3A_288 = arith.constant 22 : index
    %get3A_289 = arith.constant 0 : index
    %get3A_290 = vector.load %arg2[%get3A_288, %get3A_289] : memref<256x128xf32, #tpu.memory_space<vmem>>, vector<1x128xf32>
    %add3A_291 = vector.broadcast %get3A_290 : vector<1x128xf32> to vector<128x128xf32>
    %add3A_292 = arith.addf %get3A_287, %add3A_291 : vector<128x128xf32>
    %min3A_293 = arith.minimumf %max3A_281, %add3A_292 : vector<128x128xf32>
    %max3A_294 = arith.maximumf %max3A_281, %add3A_292 : vector<128x128xf32>
    %max3A_295 = arith.maximumf %max3A_282, %min3A_293 : vector<128x128xf32>
    %get3A_296 = arith.constant 23 : index
    %get3A_297 = arith.constant 0 : index
    %get3A_298 = arith.constant 0 : index
    %get3A_299 = vector.load %arg3[%get3A_296, %get3A_297, %get3A_298] : memref<256x128x128xf32, #tpu.memory_space<vmem>>, vector<1x128x128xf32>
    %get3A_300 = vector.shape_cast %get3A_299 : vector<1x128x128xf32> to vector<128x128xf32>
    %get3A_301 = arith.constant 23 : index
    %get3A_302 = arith.constant 0 : index
    %get3A_303 = vector.load %arg2[%get3A_301, %get3A_302] : memref<256x128xf32, #tpu.memory_space<vmem>>, vector<1x128xf32>
    %add3A_304 = vector.broadcast %get3A_303 : vector<1x128xf32> to vector<128x128xf32>
    %add3A_305 = arith.addf %get3A_300, %add3A_304 : vector<128x128xf32>
    %min3A_306 = arith.minimumf %max3A_294, %add3A_305 : vector<128x128xf32>
    %max3A_307 = arith.maximumf %max3A_294, %add3A_305 : vector<128x128xf32>
    %max3A_308 = arith.maximumf %max3A_295, %min3A_306 : vector<128x128xf32>
    %get3A_309 = arith.constant 24 : index
    %get3A_310 = arith.constant 0 : index
    %get3A_311 = arith.constant 0 : index
    %get3A_312 = vector.load %arg3[%get3A_309, %get3A_310, %get3A_311] : memref<256x128x128xf32, #tpu.memory_space<vmem>>, vector<1x128x128xf32>
    %get3A_313 = vector.shape_cast %get3A_312 : vector<1x128x128xf32> to vector<128x128xf32>
    %get3A_314 = arith.constant 24 : index
    %get3A_315 = arith.constant 0 : index
    %get3A_316 = vector.load %arg2[%get3A_314, %get3A_315] : memref<256x128xf32, #tpu.memory_space<vmem>>, vector<1x128xf32>
    %add3A_317 = vector.broadcast %get3A_316 : vector<1x128xf32> to vector<128x128xf32>
    %add3A_318 = arith.addf %get3A_313, %add3A_317 : vector<128x128xf32>
    %min3A_319 = arith.minimumf %max3A_307, %add3A_318 : vector<128x128xf32>
    %max3A_320 = arith.maximumf %max3A_307, %add3A_318 : vector<128x128xf32>
    %max3A_321 = arith.maximumf %max3A_308, %min3A_319 : vector<128x128xf32>
    %get3A_322 = arith.constant 25 : index
    %get3A_323 = arith.constant 0 : index
    %get3A_324 = arith.constant 0 : index
    %get3A_325 = vector.load %arg3[%get3A_322, %get3A_323, %get3A_324] : memref<256x128x128xf32, #tpu.memory_space<vmem>>, vector<1x128x128xf32>
    %get3A_326 = vector.shape_cast %get3A_325 : vector<1x128x128xf32> to vector<128x128xf32>
    %get3A_327 = arith.constant 25 : index
    %get3A_328 = arith.constant 0 : index
    %get3A_329 = vector.load %arg2[%get3A_327, %get3A_328] : memref<256x128xf32, #tpu.memory_space<vmem>>, vector<1x128xf32>
    %add3A_330 = vector.broadcast %get3A_329 : vector<1x128xf32> to vector<128x128xf32>
    %add3A_331 = arith.addf %get3A_326, %add3A_330 : vector<128x128xf32>
    %min3A_332 = arith.minimumf %max3A_320, %add3A_331 : vector<128x128xf32>
    %max3A_333 = arith.maximumf %max3A_320, %add3A_331 : vector<128x128xf32>
    %max3A_334 = arith.maximumf %max3A_321, %min3A_332 : vector<128x128xf32>
    %get3A_335 = arith.constant 26 : index
    %get3A_336 = arith.constant 0 : index
    %get3A_337 = arith.constant 0 : index
    %get3A_338 = vector.load %arg3[%get3A_335, %get3A_336, %get3A_337] : memref<256x128x128xf32, #tpu.memory_space<vmem>>, vector<1x128x128xf32>
    %get3A_339 = vector.shape_cast %get3A_338 : vector<1x128x128xf32> to vector<128x128xf32>
    %get3A_340 = arith.constant 26 : index
    %get3A_341 = arith.constant 0 : index
    %get3A_342 = vector.load %arg2[%get3A_340, %get3A_341] : memref<256x128xf32, #tpu.memory_space<vmem>>, vector<1x128xf32>
    %add3A_343 = vector.broadcast %get3A_342 : vector<1x128xf32> to vector<128x128xf32>
    %add3A_344 = arith.addf %get3A_339, %add3A_343 : vector<128x128xf32>
    %min3A_345 = arith.minimumf %max3A_333, %add3A_344 : vector<128x128xf32>
    %max3A_346 = arith.maximumf %max3A_333, %add3A_344 : vector<128x128xf32>
    %max3A_347 = arith.maximumf %max3A_334, %min3A_345 : vector<128x128xf32>
    %get3A_348 = arith.constant 27 : index
    %get3A_349 = arith.constant 0 : index
    %get3A_350 = arith.constant 0 : index
    %get3A_351 = vector.load %arg3[%get3A_348, %get3A_349, %get3A_350] : memref<256x128x128xf32, #tpu.memory_space<vmem>>, vector<1x128x128xf32>
    %get3A_352 = vector.shape_cast %get3A_351 : vector<1x128x128xf32> to vector<128x128xf32>
    %get3A_353 = arith.constant 27 : index
    %get3A_354 = arith.constant 0 : index
    %get3A_355 = vector.load %arg2[%get3A_353, %get3A_354] : memref<256x128xf32, #tpu.memory_space<vmem>>, vector<1x128xf32>
    %add3A_356 = vector.broadcast %get3A_355 : vector<1x128xf32> to vector<128x128xf32>
    %add3A_357 = arith.addf %get3A_352, %add3A_356 : vector<128x128xf32>
    %min3A_358 = arith.minimumf %max3A_346, %add3A_357 : vector<128x128xf32>
    %max3A_359 = arith.maximumf %max3A_346, %add3A_357 : vector<128x128xf32>
    %max3A_360 = arith.maximumf %max3A_347, %min3A_358 : vector<128x128xf32>
    %get3A_361 = arith.constant 28 : index
    %get3A_362 = arith.constant 0 : index
    %get3A_363 = arith.constant 0 : index
    %get3A_364 = vector.load %arg3[%get3A_361, %get3A_362, %get3A_363] : memref<256x128x128xf32, #tpu.memory_space<vmem>>, vector<1x128x128xf32>
    %get3A_365 = vector.shape_cast %get3A_364 : vector<1x128x128xf32> to vector<128x128xf32>
    %get3A_366 = arith.constant 28 : index
    %get3A_367 = arith.constant 0 : index
    %get3A_368 = vector.load %arg2[%get3A_366, %get3A_367] : memref<256x128xf32, #tpu.memory_space<vmem>>, vector<1x128xf32>
    %add3A_369 = vector.broadcast %get3A_368 : vector<1x128xf32> to vector<128x128xf32>
    %add3A_370 = arith.addf %get3A_365, %add3A_369 : vector<128x128xf32>
    %min3A_371 = arith.minimumf %max3A_359, %add3A_370 : vector<128x128xf32>
    %max3A_372 = arith.maximumf %max3A_359, %add3A_370 : vector<128x128xf32>
    %max3A_373 = arith.maximumf %max3A_360, %min3A_371 : vector<128x128xf32>
    %get3A_374 = arith.constant 29 : index
    %get3A_375 = arith.constant 0 : index
    %get3A_376 = arith.constant 0 : index
    %get3A_377 = vector.load %arg3[%get3A_374, %get3A_375, %get3A_376] : memref<256x128x128xf32, #tpu.memory_space<vmem>>, vector<1x128x128xf32>
    %get3A_378 = vector.shape_cast %get3A_377 : vector<1x128x128xf32> to vector<128x128xf32>
    %get3A_379 = arith.constant 29 : index
    %get3A_380 = arith.constant 0 : index
    %get3A_381 = vector.load %arg2[%get3A_379, %get3A_380] : memref<256x128xf32, #tpu.memory_space<vmem>>, vector<1x128xf32>
    %add3A_382 = vector.broadcast %get3A_381 : vector<1x128xf32> to vector<128x128xf32>
    %add3A_383 = arith.addf %get3A_378, %add3A_382 : vector<128x128xf32>
    %min3A_384 = arith.minimumf %max3A_372, %add3A_383 : vector<128x128xf32>
    %max3A_385 = arith.maximumf %max3A_372, %add3A_383 : vector<128x128xf32>
    %max3A_386 = arith.maximumf %max3A_373, %min3A_384 : vector<128x128xf32>
    %get3A_387 = arith.constant 30 : index
    %get3A_388 = arith.constant 0 : index
    %get3A_389 = arith.constant 0 : index
    %get3A_390 = vector.load %arg3[%get3A_387, %get3A_388, %get3A_389] : memref<256x128x128xf32, #tpu.memory_space<vmem>>, vector<1x128x128xf32>
    %get3A_391 = vector.shape_cast %get3A_390 : vector<1x128x128xf32> to vector<128x128xf32>
    %get3A_392 = arith.constant 30 : index
    %get3A_393 = arith.constant 0 : index
    %get3A_394 = vector.load %arg2[%get3A_392, %get3A_393] : memref<256x128xf32, #tpu.memory_space<vmem>>, vector<1x128xf32>
    %add3A_395 = vector.broadcast %get3A_394 : vector<1x128xf32> to vector<128x128xf32>
    %add3A_396 = arith.addf %get3A_391, %add3A_395 : vector<128x128xf32>
    %min3A_397 = arith.minimumf %max3A_385, %add3A_396 : vector<128x128xf32>
    %max3A_398 = arith.maximumf %max3A_385, %add3A_396 : vector<128x128xf32>
    %max3A_399 = arith.maximumf %max3A_386, %min3A_397 : vector<128x128xf32>
    %get3A_400 = arith.constant 31 : index
    %get3A_401 = arith.constant 0 : index
    %get3A_402 = arith.constant 0 : index
    %get3A_403 = vector.load %arg3[%get3A_400, %get3A_401, %get3A_402] : memref<256x128x128xf32, #tpu.memory_space<vmem>>, vector<1x128x128xf32>
    %get3A_404 = vector.shape_cast %get3A_403 : vector<1x128x128xf32> to vector<128x128xf32>
    %get3A_405 = arith.constant 31 : index
    %get3A_406 = arith.constant 0 : index
    %get3A_407 = vector.load %arg2[%get3A_405, %get3A_406] : memref<256x128xf32, #tpu.memory_space<vmem>>, vector<1x128xf32>
    %add3A_408 = vector.broadcast %get3A_407 : vector<1x128xf32> to vector<128x128xf32>
    %add3A_409 = arith.addf %get3A_404, %add3A_408 : vector<128x128xf32>
    %min3A_410 = arith.minimumf %max3A_398, %add3A_409 : vector<128x128xf32>
    %max3A_411 = arith.maximumf %max3A_398, %add3A_409 : vector<128x128xf32>
    %max3A_412 = arith.maximumf %max3A_399, %min3A_410 : vector<128x128xf32>
    %get3A_413 = arith.constant 32 : index
    %get3A_414 = arith.constant 0 : index
    %get3A_415 = arith.constant 0 : index
    %get3A_416 = vector.load %arg3[%get3A_413, %get3A_414, %get3A_415] : memref<256x128x128xf32, #tpu.memory_space<vmem>>, vector<1x128x128xf32>
    %get3A_417 = vector.shape_cast %get3A_416 : vector<1x128x128xf32> to vector<128x128xf32>
    %get3A_418 = arith.constant 32 : index
    %get3A_419 = arith.constant 0 : index
    %get3A_420 = vector.load %arg2[%get3A_418, %get3A_419] : memref<256x128xf32, #tpu.memory_space<vmem>>, vector<1x128xf32>
    %add3A_421 = vector.broadcast %get3A_420 : vector<1x128xf32> to vector<128x128xf32>
    %add3A_422 = arith.addf %get3A_417, %add3A_421 : vector<128x128xf32>
    %min3A_423 = arith.minimumf %max3A_411, %add3A_422 : vector<128x128xf32>
    %max3A_424 = arith.maximumf %max3A_411, %add3A_422 : vector<128x128xf32>
    %max3A_425 = arith.maximumf %max3A_412, %min3A_423 : vector<128x128xf32>
    %get3A_426 = arith.constant 33 : index
    %get3A_427 = arith.constant 0 : index
    %get3A_428 = arith.constant 0 : index
    %get3A_429 = vector.load %arg3[%get3A_426, %get3A_427, %get3A_428] : memref<256x128x128xf32, #tpu.memory_space<vmem>>, vector<1x128x128xf32>
    %get3A_430 = vector.shape_cast %get3A_429 : vector<1x128x128xf32> to vector<128x128xf32>
    %get3A_431 = arith.constant 33 : index
    %get3A_432 = arith.constant 0 : index
    %get3A_433 = vector.load %arg2[%get3A_431, %get3A_432] : memref<256x128xf32, #tpu.memory_space<vmem>>, vector<1x128xf32>
    %add3A_434 = vector.broadcast %get3A_433 : vector<1x128xf32> to vector<128x128xf32>
    %add3A_435 = arith.addf %get3A_430, %add3A_434 : vector<128x128xf32>
    %min3A_436 = arith.minimumf %max3A_424, %add3A_435 : vector<128x128xf32>
    %max3A_437 = arith.maximumf %max3A_424, %add3A_435 : vector<128x128xf32>
    %max3A_438 = arith.maximumf %max3A_425, %min3A_436 : vector<128x128xf32>
    %get3A_439 = arith.constant 34 : index
    %get3A_440 = arith.constant 0 : index
    %get3A_441 = arith.constant 0 : index
    %get3A_442 = vector.load %arg3[%get3A_439, %get3A_440, %get3A_441] : memref<256x128x128xf32, #tpu.memory_space<vmem>>, vector<1x128x128xf32>
    %get3A_443 = vector.shape_cast %get3A_442 : vector<1x128x128xf32> to vector<128x128xf32>
    %get3A_444 = arith.constant 34 : index
    %get3A_445 = arith.constant 0 : index
    %get3A_446 = vector.load %arg2[%get3A_444, %get3A_445] : memref<256x128xf32, #tpu.memory_space<vmem>>, vector<1x128xf32>
    %add3A_447 = vector.broadcast %get3A_446 : vector<1x128xf32> to vector<128x128xf32>
    %add3A_448 = arith.addf %get3A_443, %add3A_447 : vector<128x128xf32>
    %min3A_449 = arith.minimumf %max3A_437, %add3A_448 : vector<128x128xf32>
    %max3A_450 = arith.maximumf %max3A_437, %add3A_448 : vector<128x128xf32>
    %max3A_451 = arith.maximumf %max3A_438, %min3A_449 : vector<128x128xf32>
    %get3A_452 = arith.constant 35 : index
    %get3A_453 = arith.constant 0 : index
    %get3A_454 = arith.constant 0 : index
    %get3A_455 = vector.load %arg3[%get3A_452, %get3A_453, %get3A_454] : memref<256x128x128xf32, #tpu.memory_space<vmem>>, vector<1x128x128xf32>
    %get3A_456 = vector.shape_cast %get3A_455 : vector<1x128x128xf32> to vector<128x128xf32>
    %get3A_457 = arith.constant 35 : index
    %get3A_458 = arith.constant 0 : index
    %get3A_459 = vector.load %arg2[%get3A_457, %get3A_458] : memref<256x128xf32, #tpu.memory_space<vmem>>, vector<1x128xf32>
    %add3A_460 = vector.broadcast %get3A_459 : vector<1x128xf32> to vector<128x128xf32>
    %add3A_461 = arith.addf %get3A_456, %add3A_460 : vector<128x128xf32>
    %min3A_462 = arith.minimumf %max3A_450, %add3A_461 : vector<128x128xf32>
    %max3A_463 = arith.maximumf %max3A_450, %add3A_461 : vector<128x128xf32>
    %max3A_464 = arith.maximumf %max3A_451, %min3A_462 : vector<128x128xf32>
    %get3A_465 = arith.constant 36 : index
    %get3A_466 = arith.constant 0 : index
    %get3A_467 = arith.constant 0 : index
    %get3A_468 = vector.load %arg3[%get3A_465, %get3A_466, %get3A_467] : memref<256x128x128xf32, #tpu.memory_space<vmem>>, vector<1x128x128xf32>
    %get3A_469 = vector.shape_cast %get3A_468 : vector<1x128x128xf32> to vector<128x128xf32>
    %get3A_470 = arith.constant 36 : index
    %get3A_471 = arith.constant 0 : index
    %get3A_472 = vector.load %arg2[%get3A_470, %get3A_471] : memref<256x128xf32, #tpu.memory_space<vmem>>, vector<1x128xf32>
    %add3A_473 = vector.broadcast %get3A_472 : vector<1x128xf32> to vector<128x128xf32>
    %add3A_474 = arith.addf %get3A_469, %add3A_473 : vector<128x128xf32>
    %min3A_475 = arith.minimumf %max3A_463, %add3A_474 : vector<128x128xf32>
    %max3A_476 = arith.maximumf %max3A_463, %add3A_474 : vector<128x128xf32>
    %max3A_477 = arith.maximumf %max3A_464, %min3A_475 : vector<128x128xf32>
    %get3A_478 = arith.constant 37 : index
    %get3A_479 = arith.constant 0 : index
    %get3A_480 = arith.constant 0 : index
    %get3A_481 = vector.load %arg3[%get3A_478, %get3A_479, %get3A_480] : memref<256x128x128xf32, #tpu.memory_space<vmem>>, vector<1x128x128xf32>
    %get3A_482 = vector.shape_cast %get3A_481 : vector<1x128x128xf32> to vector<128x128xf32>
    %get3A_483 = arith.constant 37 : index
    %get3A_484 = arith.constant 0 : index
    %get3A_485 = vector.load %arg2[%get3A_483, %get3A_484] : memref<256x128xf32, #tpu.memory_space<vmem>>, vector<1x128xf32>
    %add3A_486 = vector.broadcast %get3A_485 : vector<1x128xf32> to vector<128x128xf32>
    %add3A_487 = arith.addf %get3A_482, %add3A_486 : vector<128x128xf32>
    %min3A_488 = arith.minimumf %max3A_476, %add3A_487 : vector<128x128xf32>
    %max3A_489 = arith.maximumf %max3A_476, %add3A_487 : vector<128x128xf32>
    %max3A_490 = arith.maximumf %max3A_477, %min3A_488 : vector<128x128xf32>
    %get3A_491 = arith.constant 38 : index
    %get3A_492 = arith.constant 0 : index
    %get3A_493 = arith.constant 0 : index
    %get3A_494 = vector.load %arg3[%get3A_491, %get3A_492, %get3A_493] : memref<256x128x128xf32, #tpu.memory_space<vmem>>, vector<1x128x128xf32>
    %get3A_495 = vector.shape_cast %get3A_494 : vector<1x128x128xf32> to vector<128x128xf32>
    %get3A_496 = arith.constant 38 : index
    %get3A_497 = arith.constant 0 : index
    %get3A_498 = vector.load %arg2[%get3A_496, %get3A_497] : memref<256x128xf32, #tpu.memory_space<vmem>>, vector<1x128xf32>
    %add3A_499 = vector.broadcast %get3A_498 : vector<1x128xf32> to vector<128x128xf32>
    %add3A_500 = arith.addf %get3A_495, %add3A_499 : vector<128x128xf32>
    %min3A_501 = arith.minimumf %max3A_489, %add3A_500 : vector<128x128xf32>
    %max3A_502 = arith.maximumf %max3A_489, %add3A_500 : vector<128x128xf32>
    %max3A_503 = arith.maximumf %max3A_490, %min3A_501 : vector<128x128xf32>
    %get3A_504 = arith.constant 39 : index
    %get3A_505 = arith.constant 0 : index
    %get3A_506 = arith.constant 0 : index
    %get3A_507 = vector.load %arg3[%get3A_504, %get3A_505, %get3A_506] : memref<256x128x128xf32, #tpu.memory_space<vmem>>, vector<1x128x128xf32>
    %get3A_508 = vector.shape_cast %get3A_507 : vector<1x128x128xf32> to vector<128x128xf32>
    %get3A_509 = arith.constant 39 : index
    %get3A_510 = arith.constant 0 : index
    %get3A_511 = vector.load %arg2[%get3A_509, %get3A_510] : memref<256x128xf32, #tpu.memory_space<vmem>>, vector<1x128xf32>
    %add3A_512 = vector.broadcast %get3A_511 : vector<1x128xf32> to vector<128x128xf32>
    %add3A_513 = arith.addf %get3A_508, %add3A_512 : vector<128x128xf32>
    %min3A_514 = arith.minimumf %max3A_502, %add3A_513 : vector<128x128xf32>
    %max3A_515 = arith.maximumf %max3A_502, %add3A_513 : vector<128x128xf32>
    %max3A_516 = arith.maximumf %max3A_503, %min3A_514 : vector<128x128xf32>
    %get3A_517 = arith.constant 40 : index
    %get3A_518 = arith.constant 0 : index
    %get3A_519 = arith.constant 0 : index
    %get3A_520 = vector.load %arg3[%get3A_517, %get3A_518, %get3A_519] : memref<256x128x128xf32, #tpu.memory_space<vmem>>, vector<1x128x128xf32>
    %get3A_521 = vector.shape_cast %get3A_520 : vector<1x128x128xf32> to vector<128x128xf32>
    %get3A_522 = arith.constant 40 : index
    %get3A_523 = arith.constant 0 : index
    %get3A_524 = vector.load %arg2[%get3A_522, %get3A_523] : memref<256x128xf32, #tpu.memory_space<vmem>>, vector<1x128xf32>
    %add3A_525 = vector.broadcast %get3A_524 : vector<1x128xf32> to vector<128x128xf32>
    %add3A_526 = arith.addf %get3A_521, %add3A_525 : vector<128x128xf32>
    %min3A_527 = arith.minimumf %max3A_515, %add3A_526 : vector<128x128xf32>
    %max3A_528 = arith.maximumf %max3A_515, %add3A_526 : vector<128x128xf32>
    %max3A_529 = arith.maximumf %max3A_516, %min3A_527 : vector<128x128xf32>
    %get3A_530 = arith.constant 41 : index
    %get3A_531 = arith.constant 0 : index
    %get3A_532 = arith.constant 0 : index
    %get3A_533 = vector.load %arg3[%get3A_530, %get3A_531, %get3A_532] : memref<256x128x128xf32, #tpu.memory_space<vmem>>, vector<1x128x128xf32>
    %get3A_534 = vector.shape_cast %get3A_533 : vector<1x128x128xf32> to vector<128x128xf32>
    %get3A_535 = arith.constant 41 : index
    %get3A_536 = arith.constant 0 : index
    %get3A_537 = vector.load %arg2[%get3A_535, %get3A_536] : memref<256x128xf32, #tpu.memory_space<vmem>>, vector<1x128xf32>
    %add3A_538 = vector.broadcast %get3A_537 : vector<1x128xf32> to vector<128x128xf32>
    %add3A_539 = arith.addf %get3A_534, %add3A_538 : vector<128x128xf32>
    %min3A_540 = arith.minimumf %max3A_528, %add3A_539 : vector<128x128xf32>
    %max3A_541 = arith.maximumf %max3A_528, %add3A_539 : vector<128x128xf32>
    %max3A_542 = arith.maximumf %max3A_529, %min3A_540 : vector<128x128xf32>
    %get3A_543 = arith.constant 42 : index
    %get3A_544 = arith.constant 0 : index
    %get3A_545 = arith.constant 0 : index
    %get3A_546 = vector.load %arg3[%get3A_543, %get3A_544, %get3A_545] : memref<256x128x128xf32, #tpu.memory_space<vmem>>, vector<1x128x128xf32>
    %get3A_547 = vector.shape_cast %get3A_546 : vector<1x128x128xf32> to vector<128x128xf32>
    %get3A_548 = arith.constant 42 : index
    %get3A_549 = arith.constant 0 : index
    %get3A_550 = vector.load %arg2[%get3A_548, %get3A_549] : memref<256x128xf32, #tpu.memory_space<vmem>>, vector<1x128xf32>
    %add3A_551 = vector.broadcast %get3A_550 : vector<1x128xf32> to vector<128x128xf32>
    %add3A_552 = arith.addf %get3A_547, %add3A_551 : vector<128x128xf32>
    %min3A_553 = arith.minimumf %max3A_541, %add3A_552 : vector<128x128xf32>
    %max3A_554 = arith.maximumf %max3A_541, %add3A_552 : vector<128x128xf32>
    %max3A_555 = arith.maximumf %max3A_542, %min3A_553 : vector<128x128xf32>
    %get3A_556 = arith.constant 43 : index
    %get3A_557 = arith.constant 0 : index
    %get3A_558 = arith.constant 0 : index
    %get3A_559 = vector.load %arg3[%get3A_556, %get3A_557, %get3A_558] : memref<256x128x128xf32, #tpu.memory_space<vmem>>, vector<1x128x128xf32>
    %get3A_560 = vector.shape_cast %get3A_559 : vector<1x128x128xf32> to vector<128x128xf32>
    %get3A_561 = arith.constant 43 : index
    %get3A_562 = arith.constant 0 : index
    %get3A_563 = vector.load %arg2[%get3A_561, %get3A_562] : memref<256x128xf32, #tpu.memory_space<vmem>>, vector<1x128xf32>
    %add3A_564 = vector.broadcast %get3A_563 : vector<1x128xf32> to vector<128x128xf32>
    %add3A_565 = arith.addf %get3A_560, %add3A_564 : vector<128x128xf32>
    %min3A_566 = arith.minimumf %max3A_554, %add3A_565 : vector<128x128xf32>
    %max3A_567 = arith.maximumf %max3A_554, %add3A_565 : vector<128x128xf32>
    %max3A_568 = arith.maximumf %max3A_555, %min3A_566 : vector<128x128xf32>
    %get3A_569 = arith.constant 44 : index
    %get3A_570 = arith.constant 0 : index
    %get3A_571 = arith.constant 0 : index
    %get3A_572 = vector.load %arg3[%get3A_569, %get3A_570, %get3A_571] : memref<256x128x128xf32, #tpu.memory_space<vmem>>, vector<1x128x128xf32>
    %get3A_573 = vector.shape_cast %get3A_572 : vector<1x128x128xf32> to vector<128x128xf32>
    %get3A_574 = arith.constant 44 : index
    %get3A_575 = arith.constant 0 : index
    %get3A_576 = vector.load %arg2[%get3A_574, %get3A_575] : memref<256x128xf32, #tpu.memory_space<vmem>>, vector<1x128xf32>
    %add3A_577 = vector.broadcast %get3A_576 : vector<1x128xf32> to vector<128x128xf32>
    %add3A_578 = arith.addf %get3A_573, %add3A_577 : vector<128x128xf32>
    %min3A_579 = arith.minimumf %max3A_567, %add3A_578 : vector<128x128xf32>
    %max3A_580 = arith.maximumf %max3A_567, %add3A_578 : vector<128x128xf32>
    %max3A_581 = arith.maximumf %max3A_568, %min3A_579 : vector<128x128xf32>
    %get3A_582 = arith.constant 45 : index
    %get3A_583 = arith.constant 0 : index
    %get3A_584 = arith.constant 0 : index
    %get3A_585 = vector.load %arg3[%get3A_582, %get3A_583, %get3A_584] : memref<256x128x128xf32, #tpu.memory_space<vmem>>, vector<1x128x128xf32>
    %get3A_586 = vector.shape_cast %get3A_585 : vector<1x128x128xf32> to vector<128x128xf32>
    %get3A_587 = arith.constant 45 : index
    %get3A_588 = arith.constant 0 : index
    %get3A_589 = vector.load %arg2[%get3A_587, %get3A_588] : memref<256x128xf32, #tpu.memory_space<vmem>>, vector<1x128xf32>
    %add3A_590 = vector.broadcast %get3A_589 : vector<1x128xf32> to vector<128x128xf32>
    %add3A_591 = arith.addf %get3A_586, %add3A_590 : vector<128x128xf32>
    %min3A_592 = arith.minimumf %max3A_580, %add3A_591 : vector<128x128xf32>
    %max3A_593 = arith.maximumf %max3A_580, %add3A_591 : vector<128x128xf32>
    %max3A_594 = arith.maximumf %max3A_581, %min3A_592 : vector<128x128xf32>
    %get3A_595 = arith.constant 46 : index
    %get3A_596 = arith.constant 0 : index
    %get3A_597 = arith.constant 0 : index
    %get3A_598 = vector.load %arg3[%get3A_595, %get3A_596, %get3A_597] : memref<256x128x128xf32, #tpu.memory_space<vmem>>, vector<1x128x128xf32>
    %get3A_599 = vector.shape_cast %get3A_598 : vector<1x128x128xf32> to vector<128x128xf32>
    %get3A_600 = arith.constant 46 : index
    %get3A_601 = arith.constant 0 : index
    %get3A_602 = vector.load %arg2[%get3A_600, %get3A_601] : memref<256x128xf32, #tpu.memory_space<vmem>>, vector<1x128xf32>
    %add3A_603 = vector.broadcast %get3A_602 : vector<1x128xf32> to vector<128x128xf32>
    %add3A_604 = arith.addf %get3A_599, %add3A_603 : vector<128x128xf32>
    %min3A_605 = arith.minimumf %max3A_593, %add3A_604 : vector<128x128xf32>
    %max3A_606 = arith.maximumf %max3A_593, %add3A_604 : vector<128x128xf32>
    %max3A_607 = arith.maximumf %max3A_594, %min3A_605 : vector<128x128xf32>
    %get3A_608 = arith.constant 47 : index
    %get3A_609 = arith.constant 0 : index
    %get3A_610 = arith.constant 0 : index
    %get3A_611 = vector.load %arg3[%get3A_608, %get3A_609, %get3A_610] : memref<256x128x128xf32, #tpu.memory_space<vmem>>, vector<1x128x128xf32>
    %get3A_612 = vector.shape_cast %get3A_611 : vector<1x128x128xf32> to vector<128x128xf32>
    %get3A_613 = arith.constant 47 : index
    %get3A_614 = arith.constant 0 : index
    %get3A_615 = vector.load %arg2[%get3A_613, %get3A_614] : memref<256x128xf32, #tpu.memory_space<vmem>>, vector<1x128xf32>
    %add3A_616 = vector.broadcast %get3A_615 : vector<1x128xf32> to vector<128x128xf32>
    %add3A_617 = arith.addf %get3A_612, %add3A_616 : vector<128x128xf32>
    %min3A_618 = arith.minimumf %max3A_606, %add3A_617 : vector<128x128xf32>
    %max3A_619 = arith.maximumf %max3A_606, %add3A_617 : vector<128x128xf32>
    %max3A_620 = arith.maximumf %max3A_607, %min3A_618 : vector<128x128xf32>
    %get3A_621 = arith.constant 48 : index
    %get3A_622 = arith.constant 0 : index
    %get3A_623 = arith.constant 0 : index
    %get3A_624 = vector.load %arg3[%get3A_621, %get3A_622, %get3A_623] : memref<256x128x128xf32, #tpu.memory_space<vmem>>, vector<1x128x128xf32>
    %get3A_625 = vector.shape_cast %get3A_624 : vector<1x128x128xf32> to vector<128x128xf32>
    %get3A_626 = arith.constant 48 : index
    %get3A_627 = arith.constant 0 : index
    %get3A_628 = vector.load %arg2[%get3A_626, %get3A_627] : memref<256x128xf32, #tpu.memory_space<vmem>>, vector<1x128xf32>
    %add3A_629 = vector.broadcast %get3A_628 : vector<1x128xf32> to vector<128x128xf32>
    %add3A_630 = arith.addf %get3A_625, %add3A_629 : vector<128x128xf32>
    %min3A_631 = arith.minimumf %max3A_619, %add3A_630 : vector<128x128xf32>
    %max3A_632 = arith.maximumf %max3A_619, %add3A_630 : vector<128x128xf32>
    %max3A_633 = arith.maximumf %max3A_620, %min3A_631 : vector<128x128xf32>
    %get3A_634 = arith.constant 49 : index
    %get3A_635 = arith.constant 0 : index
    %get3A_636 = arith.constant 0 : index
    %get3A_637 = vector.load %arg3[%get3A_634, %get3A_635, %get3A_636] : memref<256x128x128xf32, #tpu.memory_space<vmem>>, vector<1x128x128xf32>
    %get3A_638 = vector.shape_cast %get3A_637 : vector<1x128x128xf32> to vector<128x128xf32>
    %get3A_639 = arith.constant 49 : index
    %get3A_640 = arith.constant 0 : index
    %get3A_641 = vector.load %arg2[%get3A_639, %get3A_640] : memref<256x128xf32, #tpu.memory_space<vmem>>, vector<1x128xf32>
    %add3A_642 = vector.broadcast %get3A_641 : vector<1x128xf32> to vector<128x128xf32>
    %add3A_643 = arith.addf %get3A_638, %add3A_642 : vector<128x128xf32>
    %min3A_644 = arith.minimumf %max3A_632, %add3A_643 : vector<128x128xf32>
    %max3A_645 = arith.maximumf %max3A_632, %add3A_643 : vector<128x128xf32>
    %max3A_646 = arith.maximumf %max3A_633, %min3A_644 : vector<128x128xf32>
    %get3A_647 = arith.constant 50 : index
    %get3A_648 = arith.constant 0 : index
    %get3A_649 = arith.constant 0 : index
    %get3A_650 = vector.load %arg3[%get3A_647, %get3A_648, %get3A_649] : memref<256x128x128xf32, #tpu.memory_space<vmem>>, vector<1x128x128xf32>
    %get3A_651 = vector.shape_cast %get3A_650 : vector<1x128x128xf32> to vector<128x128xf32>
    %get3A_652 = arith.constant 50 : index
    %get3A_653 = arith.constant 0 : index
    %get3A_654 = vector.load %arg2[%get3A_652, %get3A_653] : memref<256x128xf32, #tpu.memory_space<vmem>>, vector<1x128xf32>
    %add3A_655 = vector.broadcast %get3A_654 : vector<1x128xf32> to vector<128x128xf32>
    %add3A_656 = arith.addf %get3A_651, %add3A_655 : vector<128x128xf32>
    %min3A_657 = arith.minimumf %max3A_645, %add3A_656 : vector<128x128xf32>
    %max3A_658 = arith.maximumf %max3A_645, %add3A_656 : vector<128x128xf32>
    %max3A_659 = arith.maximumf %max3A_646, %min3A_657 : vector<128x128xf32>
    %get3A_660 = arith.constant 51 : index
    %get3A_661 = arith.constant 0 : index
    %get3A_662 = arith.constant 0 : index
    %get3A_663 = vector.load %arg3[%get3A_660, %get3A_661, %get3A_662] : memref<256x128x128xf32, #tpu.memory_space<vmem>>, vector<1x128x128xf32>
    %get3A_664 = vector.shape_cast %get3A_663 : vector<1x128x128xf32> to vector<128x128xf32>
    %get3A_665 = arith.constant 51 : index
    %get3A_666 = arith.constant 0 : index
    %get3A_667 = vector.load %arg2[%get3A_665, %get3A_666] : memref<256x128xf32, #tpu.memory_space<vmem>>, vector<1x128xf32>
    %add3A_668 = vector.broadcast %get3A_667 : vector<1x128xf32> to vector<128x128xf32>
    %add3A_669 = arith.addf %get3A_664, %add3A_668 : vector<128x128xf32>
    %min3A_670 = arith.minimumf %max3A_658, %add3A_669 : vector<128x128xf32>
    %max3A_671 = arith.maximumf %max3A_658, %add3A_669 : vector<128x128xf32>
    %max3A_672 = arith.maximumf %max3A_659, %min3A_670 : vector<128x128xf32>
    %get3A_673 = arith.constant 52 : index
    %get3A_674 = arith.constant 0 : index
    %get3A_675 = arith.constant 0 : index
    %get3A_676 = vector.load %arg3[%get3A_673, %get3A_674, %get3A_675] : memref<256x128x128xf32, #tpu.memory_space<vmem>>, vector<1x128x128xf32>
    %get3A_677 = vector.shape_cast %get3A_676 : vector<1x128x128xf32> to vector<128x128xf32>
    %get3A_678 = arith.constant 52 : index
    %get3A_679 = arith.constant 0 : index
    %get3A_680 = vector.load %arg2[%get3A_678, %get3A_679] : memref<256x128xf32, #tpu.memory_space<vmem>>, vector<1x128xf32>
    %add3A_681 = vector.broadcast %get3A_680 : vector<1x128xf32> to vector<128x128xf32>
    %add3A_682 = arith.addf %get3A_677, %add3A_681 : vector<128x128xf32>
    %min3A_683 = arith.minimumf %max3A_671, %add3A_682 : vector<128x128xf32>
    %max3A_684 = arith.maximumf %max3A_671, %add3A_682 : vector<128x128xf32>
    %max3A_685 = arith.maximumf %max3A_672, %min3A_683 : vector<128x128xf32>
    %get3A_686 = arith.constant 53 : index
    %get3A_687 = arith.constant 0 : index
    %get3A_688 = arith.constant 0 : index
    %get3A_689 = vector.load %arg3[%get3A_686, %get3A_687, %get3A_688] : memref<256x128x128xf32, #tpu.memory_space<vmem>>, vector<1x128x128xf32>
    %get3A_690 = vector.shape_cast %get3A_689 : vector<1x128x128xf32> to vector<128x128xf32>
    %get3A_691 = arith.constant 53 : index
    %get3A_692 = arith.constant 0 : index
    %get3A_693 = vector.load %arg2[%get3A_691, %get3A_692] : memref<256x128xf32, #tpu.memory_space<vmem>>, vector<1x128xf32>
    %add3A_694 = vector.broadcast %get3A_693 : vector<1x128xf32> to vector<128x128xf32>
    %add3A_695 = arith.addf %get3A_690, %add3A_694 : vector<128x128xf32>
    %min3A_696 = arith.minimumf %max3A_684, %add3A_695 : vector<128x128xf32>
    %max3A_697 = arith.maximumf %max3A_684, %add3A_695 : vector<128x128xf32>
    %max3A_698 = arith.maximumf %max3A_685, %min3A_696 : vector<128x128xf32>
    %get3A_699 = arith.constant 54 : index
    %get3A_700 = arith.constant 0 : index
    %get3A_701 = arith.constant 0 : index
    %get3A_702 = vector.load %arg3[%get3A_699, %get3A_700, %get3A_701] : memref<256x128x128xf32, #tpu.memory_space<vmem>>, vector<1x128x128xf32>
    %get3A_703 = vector.shape_cast %get3A_702 : vector<1x128x128xf32> to vector<128x128xf32>
    %get3A_704 = arith.constant 54 : index
    %get3A_705 = arith.constant 0 : index
    %get3A_706 = vector.load %arg2[%get3A_704, %get3A_705] : memref<256x128xf32, #tpu.memory_space<vmem>>, vector<1x128xf32>
    %add3A_707 = vector.broadcast %get3A_706 : vector<1x128xf32> to vector<128x128xf32>
    %add3A_708 = arith.addf %get3A_703, %add3A_707 : vector<128x128xf32>
    %min3A_709 = arith.minimumf %max3A_697, %add3A_708 : vector<128x128xf32>
    %max3A_710 = arith.maximumf %max3A_697, %add3A_708 : vector<128x128xf32>
    %max3A_711 = arith.maximumf %max3A_698, %min3A_709 : vector<128x128xf32>
    %get3A_712 = arith.constant 55 : index
    %get3A_713 = arith.constant 0 : index
    %get3A_714 = arith.constant 0 : index
    %get3A_715 = vector.load %arg3[%get3A_712, %get3A_713, %get3A_714] : memref<256x128x128xf32, #tpu.memory_space<vmem>>, vector<1x128x128xf32>
    %get3A_716 = vector.shape_cast %get3A_715 : vector<1x128x128xf32> to vector<128x128xf32>
    %get3A_717 = arith.constant 55 : index
    %get3A_718 = arith.constant 0 : index
    %get3A_719 = vector.load %arg2[%get3A_717, %get3A_718] : memref<256x128xf32, #tpu.memory_space<vmem>>, vector<1x128xf32>
    %add3A_720 = vector.broadcast %get3A_719 : vector<1x128xf32> to vector<128x128xf32>
    %add3A_721 = arith.addf %get3A_716, %add3A_720 : vector<128x128xf32>
    %min3A_722 = arith.minimumf %max3A_710, %add3A_721 : vector<128x128xf32>
    %max3A_723 = arith.maximumf %max3A_710, %add3A_721 : vector<128x128xf32>
    %max3A_724 = arith.maximumf %max3A_711, %min3A_722 : vector<128x128xf32>
    %get3A_725 = arith.constant 56 : index
    %get3A_726 = arith.constant 0 : index
    %get3A_727 = arith.constant 0 : index
    %get3A_728 = vector.load %arg3[%get3A_725, %get3A_726, %get3A_727] : memref<256x128x128xf32, #tpu.memory_space<vmem>>, vector<1x128x128xf32>
    %get3A_729 = vector.shape_cast %get3A_728 : vector<1x128x128xf32> to vector<128x128xf32>
    %get3A_730 = arith.constant 56 : index
    %get3A_731 = arith.constant 0 : index
    %get3A_732 = vector.load %arg2[%get3A_730, %get3A_731] : memref<256x128xf32, #tpu.memory_space<vmem>>, vector<1x128xf32>
    %add3A_733 = vector.broadcast %get3A_732 : vector<1x128xf32> to vector<128x128xf32>
    %add3A_734 = arith.addf %get3A_729, %add3A_733 : vector<128x128xf32>
    %min3A_735 = arith.minimumf %max3A_723, %add3A_734 : vector<128x128xf32>
    %max3A_736 = arith.maximumf %max3A_723, %add3A_734 : vector<128x128xf32>
    %max3A_737 = arith.maximumf %max3A_724, %min3A_735 : vector<128x128xf32>
    %get3A_738 = arith.constant 57 : index
    %get3A_739 = arith.constant 0 : index
    %get3A_740 = arith.constant 0 : index
    %get3A_741 = vector.load %arg3[%get3A_738, %get3A_739, %get3A_740] : memref<256x128x128xf32, #tpu.memory_space<vmem>>, vector<1x128x128xf32>
    %get3A_742 = vector.shape_cast %get3A_741 : vector<1x128x128xf32> to vector<128x128xf32>
    %get3A_743 = arith.constant 57 : index
    %get3A_744 = arith.constant 0 : index
    %get3A_745 = vector.load %arg2[%get3A_743, %get3A_744] : memref<256x128xf32, #tpu.memory_space<vmem>>, vector<1x128xf32>
    %add3A_746 = vector.broadcast %get3A_745 : vector<1x128xf32> to vector<128x128xf32>
    %add3A_747 = arith.addf %get3A_742, %add3A_746 : vector<128x128xf32>
    %min3A_748 = arith.minimumf %max3A_736, %add3A_747 : vector<128x128xf32>
    %max3A_749 = arith.maximumf %max3A_736, %add3A_747 : vector<128x128xf32>
    %max3A_750 = arith.maximumf %max3A_737, %min3A_748 : vector<128x128xf32>
    %get3A_751 = arith.constant 58 : index
    %get3A_752 = arith.constant 0 : index
    %get3A_753 = arith.constant 0 : index
    %get3A_754 = vector.load %arg3[%get3A_751, %get3A_752, %get3A_753] : memref<256x128x128xf32, #tpu.memory_space<vmem>>, vector<1x128x128xf32>
    %get3A_755 = vector.shape_cast %get3A_754 : vector<1x128x128xf32> to vector<128x128xf32>
    %get3A_756 = arith.constant 58 : index
    %get3A_757 = arith.constant 0 : index
    %get3A_758 = vector.load %arg2[%get3A_756, %get3A_757] : memref<256x128xf32, #tpu.memory_space<vmem>>, vector<1x128xf32>
    %add3A_759 = vector.broadcast %get3A_758 : vector<1x128xf32> to vector<128x128xf32>
    %add3A_760 = arith.addf %get3A_755, %add3A_759 : vector<128x128xf32>
    %min3A_761 = arith.minimumf %max3A_749, %add3A_760 : vector<128x128xf32>
    %max3A_762 = arith.maximumf %max3A_749, %add3A_760 : vector<128x128xf32>
    %max3A_763 = arith.maximumf %max3A_750, %min3A_761 : vector<128x128xf32>
    %get3A_764 = arith.constant 59 : index
    %get3A_765 = arith.constant 0 : index
    %get3A_766 = arith.constant 0 : index
    %get3A_767 = vector.load %arg3[%get3A_764, %get3A_765, %get3A_766] : memref<256x128x128xf32, #tpu.memory_space<vmem>>, vector<1x128x128xf32>
    %get3A_768 = vector.shape_cast %get3A_767 : vector<1x128x128xf32> to vector<128x128xf32>
    %get3A_769 = arith.constant 59 : index
    %get3A_770 = arith.constant 0 : index
    %get3A_771 = vector.load %arg2[%get3A_769, %get3A_770] : memref<256x128xf32, #tpu.memory_space<vmem>>, vector<1x128xf32>
    %add3A_772 = vector.broadcast %get3A_771 : vector<1x128xf32> to vector<128x128xf32>
    %add3A_773 = arith.addf %get3A_768, %add3A_772 : vector<128x128xf32>
    %min3A_774 = arith.minimumf %max3A_762, %add3A_773 : vector<128x128xf32>
    %max3A_775 = arith.maximumf %max3A_762, %add3A_773 : vector<128x128xf32>
    %max3A_776 = arith.maximumf %max3A_763, %min3A_774 : vector<128x128xf32>
    %get3A_777 = arith.constant 60 : index
    %get3A_778 = arith.constant 0 : index
    %get3A_779 = arith.constant 0 : index
    %get3A_780 = vector.load %arg3[%get3A_777, %get3A_778, %get3A_779] : memref<256x128x128xf32, #tpu.memory_space<vmem>>, vector<1x128x128xf32>
    %get3A_781 = vector.shape_cast %get3A_780 : vector<1x128x128xf32> to vector<128x128xf32>
    %get3A_782 = arith.constant 60 : index
    %get3A_783 = arith.constant 0 : index
    %get3A_784 = vector.load %arg2[%get3A_782, %get3A_783] : memref<256x128xf32, #tpu.memory_space<vmem>>, vector<1x128xf32>
    %add3A_785 = vector.broadcast %get3A_784 : vector<1x128xf32> to vector<128x128xf32>
    %add3A_786 = arith.addf %get3A_781, %add3A_785 : vector<128x128xf32>
    %min3A_787 = arith.minimumf %max3A_775, %add3A_786 : vector<128x128xf32>
    %max3A_788 = arith.maximumf %max3A_775, %add3A_786 : vector<128x128xf32>
    %max3A_789 = arith.maximumf %max3A_776, %min3A_787 : vector<128x128xf32>
    %get3A_790 = arith.constant 61 : index
    %get3A_791 = arith.constant 0 : index
    %get3A_792 = arith.constant 0 : index
    %get3A_793 = vector.load %arg3[%get3A_790, %get3A_791, %get3A_792] : memref<256x128x128xf32, #tpu.memory_space<vmem>>, vector<1x128x128xf32>
    %get3A_794 = vector.shape_cast %get3A_793 : vector<1x128x128xf32> to vector<128x128xf32>
    %get3A_795 = arith.constant 61 : index
    %get3A_796 = arith.constant 0 : index
    %get3A_797 = vector.load %arg2[%get3A_795, %get3A_796] : memref<256x128xf32, #tpu.memory_space<vmem>>, vector<1x128xf32>
    %add3A_798 = vector.broadcast %get3A_797 : vector<1x128xf32> to vector<128x128xf32>
    %add3A_799 = arith.addf %get3A_794, %add3A_798 : vector<128x128xf32>
    %min3A_800 = arith.minimumf %max3A_788, %add3A_799 : vector<128x128xf32>
    %max3A_801 = arith.maximumf %max3A_788, %add3A_799 : vector<128x128xf32>
    %max3A_802 = arith.maximumf %max3A_789, %min3A_800 : vector<128x128xf32>
    %get3A_803 = arith.constant 62 : index
    %get3A_804 = arith.constant 0 : index
    %get3A_805 = arith.constant 0 : index
    %get3A_806 = vector.load %arg3[%get3A_803, %get3A_804, %get3A_805] : memref<256x128x128xf32, #tpu.memory_space<vmem>>, vector<1x128x128xf32>
    %get3A_807 = vector.shape_cast %get3A_806 : vector<1x128x128xf32> to vector<128x128xf32>
    %get3A_808 = arith.constant 62 : index
    %get3A_809 = arith.constant 0 : index
    %get3A_810 = vector.load %arg2[%get3A_808, %get3A_809] : memref<256x128xf32, #tpu.memory_space<vmem>>, vector<1x128xf32>
    %add3A_811 = vector.broadcast %get3A_810 : vector<1x128xf32> to vector<128x128xf32>
    %add3A_812 = arith.addf %get3A_807, %add3A_811 : vector<128x128xf32>
    %min3A_813 = arith.minimumf %max3A_801, %add3A_812 : vector<128x128xf32>
    %max3A_814 = arith.maximumf %max3A_801, %add3A_812 : vector<128x128xf32>
    %max3A_815 = arith.maximumf %max3A_802, %min3A_813 : vector<128x128xf32>
    %get3A_816 = arith.constant 63 : index
    %get3A_817 = arith.constant 0 : index
    %get3A_818 = arith.constant 0 : index
    %get3A_819 = vector.load %arg3[%get3A_816, %get3A_817, %get3A_818] : memref<256x128x128xf32, #tpu.memory_space<vmem>>, vector<1x128x128xf32>
    %get3A_820 = vector.shape_cast %get3A_819 : vector<1x128x128xf32> to vector<128x128xf32>
    %get3A_821 = arith.constant 63 : index
    %get3A_822 = arith.constant 0 : index
    %get3A_823 = vector.load %arg2[%get3A_821, %get3A_822] : memref<256x128xf32, #tpu.memory_space<vmem>>, vector<1x128xf32>
    %add3A_824 = vector.broadcast %get3A_823 : vector<1x128xf32> to vector<128x128xf32>
    %add3A_825 = arith.addf %get3A_820, %add3A_824 : vector<128x128xf32>
    %min3A_826 = arith.minimumf %max3A_814, %add3A_825 : vector<128x128xf32>
    %max3A_827 = arith.maximumf %max3A_814, %add3A_825 : vector<128x128xf32>
    %max3A_828 = arith.maximumf %max3A_815, %min3A_826 : vector<128x128xf32>
    %get3A_829 = arith.constant 64 : index
    %get3A_830 = arith.constant 0 : index
    %get3A_831 = arith.constant 0 : index
    %get3A_832 = vector.load %arg3[%get3A_829, %get3A_830, %get3A_831] : memref<256x128x128xf32, #tpu.memory_space<vmem>>, vector<1x128x128xf32>
    %get3A_833 = vector.shape_cast %get3A_832 : vector<1x128x128xf32> to vector<128x128xf32>
    %get3A_834 = arith.constant 64 : index
    %get3A_835 = arith.constant 0 : index
    %get3A_836 = vector.load %arg2[%get3A_834, %get3A_835] : memref<256x128xf32, #tpu.memory_space<vmem>>, vector<1x128xf32>
    %add3A_837 = vector.broadcast %get3A_836 : vector<1x128xf32> to vector<128x128xf32>
    %add3A_838 = arith.addf %get3A_833, %add3A_837 : vector<128x128xf32>
    %min3A_839 = arith.minimumf %max3A_827, %add3A_838 : vector<128x128xf32>
    %max3A_840 = arith.maximumf %max3A_827, %add3A_838 : vector<128x128xf32>
    %max3A_841 = arith.maximumf %max3A_828, %min3A_839 : vector<128x128xf32>
    %get3A_842 = arith.constant 65 : index
    %get3A_843 = arith.constant 0 : index
    %get3A_844 = arith.constant 0 : index
    %get3A_845 = vector.load %arg3[%get3A_842, %get3A_843, %get3A_844] : memref<256x128x128xf32, #tpu.memory_space<vmem>>, vector<1x128x128xf32>
    %get3A_846 = vector.shape_cast %get3A_845 : vector<1x128x128xf32> to vector<128x128xf32>
    %get3A_847 = arith.constant 65 : index
    %get3A_848 = arith.constant 0 : index
    %get3A_849 = vector.load %arg2[%get3A_847, %get3A_848] : memref<256x128xf32, #tpu.memory_space<vmem>>, vector<1x128xf32>
    %add3A_850 = vector.broadcast %get3A_849 : vector<1x128xf32> to vector<128x128xf32>
    %add3A_851 = arith.addf %get3A_846, %add3A_850 : vector<128x128xf32>
    %min3A_852 = arith.minimumf %max3A_840, %add3A_851 : vector<128x128xf32>
    %max3A_853 = arith.maximumf %max3A_840, %add3A_851 : vector<128x128xf32>
    %max3A_854 = arith.maximumf %max3A_841, %min3A_852 : vector<128x128xf32>
    %get3A_855 = arith.constant 66 : index
    %get3A_856 = arith.constant 0 : index
    %get3A_857 = arith.constant 0 : index
    %get3A_858 = vector.load %arg3[%get3A_855, %get3A_856, %get3A_857] : memref<256x128x128xf32, #tpu.memory_space<vmem>>, vector<1x128x128xf32>
    %get3A_859 = vector.shape_cast %get3A_858 : vector<1x128x128xf32> to vector<128x128xf32>
    %get3A_860 = arith.constant 66 : index
    %get3A_861 = arith.constant 0 : index
    %get3A_862 = vector.load %arg2[%get3A_860, %get3A_861] : memref<256x128xf32, #tpu.memory_space<vmem>>, vector<1x128xf32>
    %add3A_863 = vector.broadcast %get3A_862 : vector<1x128xf32> to vector<128x128xf32>
    %add3A_864 = arith.addf %get3A_859, %add3A_863 : vector<128x128xf32>
    %min3A_865 = arith.minimumf %max3A_853, %add3A_864 : vector<128x128xf32>
    %max3A_866 = arith.maximumf %max3A_853, %add3A_864 : vector<128x128xf32>
    %max3A_867 = arith.maximumf %max3A_854, %min3A_865 : vector<128x128xf32>
    %get3A_868 = arith.constant 67 : index
    %get3A_869 = arith.constant 0 : index
    %get3A_870 = arith.constant 0 : index
    %get3A_871 = vector.load %arg3[%get3A_868, %get3A_869, %get3A_870] : memref<256x128x128xf32, #tpu.memory_space<vmem>>, vector<1x128x128xf32>
    %get3A_872 = vector.shape_cast %get3A_871 : vector<1x128x128xf32> to vector<128x128xf32>
    %get3A_873 = arith.constant 67 : index
    %get3A_874 = arith.constant 0 : index
    %get3A_875 = vector.load %arg2[%get3A_873, %get3A_874] : memref<256x128xf32, #tpu.memory_space<vmem>>, vector<1x128xf32>
    %add3A_876 = vector.broadcast %get3A_875 : vector<1x128xf32> to vector<128x128xf32>
    %add3A_877 = arith.addf %get3A_872, %add3A_876 : vector<128x128xf32>
    %min3A_878 = arith.minimumf %max3A_866, %add3A_877 : vector<128x128xf32>
    %max3A_879 = arith.maximumf %max3A_866, %add3A_877 : vector<128x128xf32>
    %max3A_880 = arith.maximumf %max3A_867, %min3A_878 : vector<128x128xf32>
    %get3A_881 = arith.constant 68 : index
    %get3A_882 = arith.constant 0 : index
    %get3A_883 = arith.constant 0 : index
    %get3A_884 = vector.load %arg3[%get3A_881, %get3A_882, %get3A_883] : memref<256x128x128xf32, #tpu.memory_space<vmem>>, vector<1x128x128xf32>
    %get3A_885 = vector.shape_cast %get3A_884 : vector<1x128x128xf32> to vector<128x128xf32>
    %get3A_886 = arith.constant 68 : index
    %get3A_887 = arith.constant 0 : index
    %get3A_888 = vector.load %arg2[%get3A_886, %get3A_887] : memref<256x128xf32, #tpu.memory_space<vmem>>, vector<1x128xf32>
    %add3A_889 = vector.broadcast %get3A_888 : vector<1x128xf32> to vector<128x128xf32>
    %add3A_890 = arith.addf %get3A_885, %add3A_889 : vector<128x128xf32>
    %min3A_891 = arith.minimumf %max3A_879, %add3A_890 : vector<128x128xf32>
    %max3A_892 = arith.maximumf %max3A_879, %add3A_890 : vector<128x128xf32>
    %max3A_893 = arith.maximumf %max3A_880, %min3A_891 : vector<128x128xf32>
    %get3A_894 = arith.constant 69 : index
    %get3A_895 = arith.constant 0 : index
    %get3A_896 = arith.constant 0 : index
    %get3A_897 = vector.load %arg3[%get3A_894, %get3A_895, %get3A_896] : memref<256x128x128xf32, #tpu.memory_space<vmem>>, vector<1x128x128xf32>
    %get3A_898 = vector.shape_cast %get3A_897 : vector<1x128x128xf32> to vector<128x128xf32>
    %get3A_899 = arith.constant 69 : index
    %get3A_900 = arith.constant 0 : index
    %get3A_901 = vector.load %arg2[%get3A_899, %get3A_900] : memref<256x128xf32, #tpu.memory_space<vmem>>, vector<1x128xf32>
    %add3A_902 = vector.broadcast %get3A_901 : vector<1x128xf32> to vector<128x128xf32>
    %add3A_903 = arith.addf %get3A_898, %add3A_902 : vector<128x128xf32>
    %min3A_904 = arith.minimumf %max3A_892, %add3A_903 : vector<128x128xf32>
    %max3A_905 = arith.maximumf %max3A_892, %add3A_903 : vector<128x128xf32>
    %max3A_906 = arith.maximumf %max3A_893, %min3A_904 : vector<128x128xf32>
    %get3A_907 = arith.constant 70 : index
    %get3A_908 = arith.constant 0 : index
    %get3A_909 = arith.constant 0 : index
    %get3A_910 = vector.load %arg3[%get3A_907, %get3A_908, %get3A_909] : memref<256x128x128xf32, #tpu.memory_space<vmem>>, vector<1x128x128xf32>
    %get3A_911 = vector.shape_cast %get3A_910 : vector<1x128x128xf32> to vector<128x128xf32>
    %get3A_912 = arith.constant 70 : index
    %get3A_913 = arith.constant 0 : index
    %get3A_914 = vector.load %arg2[%get3A_912, %get3A_913] : memref<256x128xf32, #tpu.memory_space<vmem>>, vector<1x128xf32>
    %add3A_915 = vector.broadcast %get3A_914 : vector<1x128xf32> to vector<128x128xf32>
    %add3A_916 = arith.addf %get3A_911, %add3A_915 : vector<128x128xf32>
    %min3A_917 = arith.minimumf %max3A_905, %add3A_916 : vector<128x128xf32>
    %max3A_918 = arith.maximumf %max3A_905, %add3A_916 : vector<128x128xf32>
    %max3A_919 = arith.maximumf %max3A_906, %min3A_917 : vector<128x128xf32>
    %get3A_920 = arith.constant 71 : index
    %get3A_921 = arith.constant 0 : index
    %get3A_922 = arith.constant 0 : index
    %get3A_923 = vector.load %arg3[%get3A_920, %get3A_921, %get3A_922] : memref<256x128x128xf32, #tpu.memory_space<vmem>>, vector<1x128x128xf32>
    %get3A_924 = vector.shape_cast %get3A_923 : vector<1x128x128xf32> to vector<128x128xf32>
    %get3A_925 = arith.constant 71 : index
    %get3A_926 = arith.constant 0 : index
    %get3A_927 = vector.load %arg2[%get3A_925, %get3A_926] : memref<256x128xf32, #tpu.memory_space<vmem>>, vector<1x128xf32>
    %add3A_928 = vector.broadcast %get3A_927 : vector<1x128xf32> to vector<128x128xf32>
    %add3A_929 = arith.addf %get3A_924, %add3A_928 : vector<128x128xf32>
    %min3A_930 = arith.minimumf %max3A_918, %add3A_929 : vector<128x128xf32>
    %max3A_931 = arith.maximumf %max3A_918, %add3A_929 : vector<128x128xf32>
    %max3A_932 = arith.maximumf %max3A_919, %min3A_930 : vector<128x128xf32>
    %get3A_933 = arith.constant 72 : index
    %get3A_934 = arith.constant 0 : index
    %get3A_935 = arith.constant 0 : index
    %get3A_936 = vector.load %arg3[%get3A_933, %get3A_934, %get3A_935] : memref<256x128x128xf32, #tpu.memory_space<vmem>>, vector<1x128x128xf32>
    %get3A_937 = vector.shape_cast %get3A_936 : vector<1x128x128xf32> to vector<128x128xf32>
    %get3A_938 = arith.constant 72 : index
    %get3A_939 = arith.constant 0 : index
    %get3A_940 = vector.load %arg2[%get3A_938, %get3A_939] : memref<256x128xf32, #tpu.memory_space<vmem>>, vector<1x128xf32>
    %add3A_941 = vector.broadcast %get3A_940 : vector<1x128xf32> to vector<128x128xf32>
    %add3A_942 = arith.addf %get3A_937, %add3A_941 : vector<128x128xf32>
    %min3A_943 = arith.minimumf %max3A_931, %add3A_942 : vector<128x128xf32>
    %max3A_944 = arith.maximumf %max3A_931, %add3A_942 : vector<128x128xf32>
    %max3A_945 = arith.maximumf %max3A_932, %min3A_943 : vector<128x128xf32>
    %get3A_946 = arith.constant 73 : index
    %get3A_947 = arith.constant 0 : index
    %get3A_948 = arith.constant 0 : index
    %get3A_949 = vector.load %arg3[%get3A_946, %get3A_947, %get3A_948] : memref<256x128x128xf32, #tpu.memory_space<vmem>>, vector<1x128x128xf32>
    %get3A_950 = vector.shape_cast %get3A_949 : vector<1x128x128xf32> to vector<128x128xf32>
    %get3A_951 = arith.constant 73 : index
    %get3A_952 = arith.constant 0 : index
    %get3A_953 = vector.load %arg2[%get3A_951, %get3A_952] : memref<256x128xf32, #tpu.memory_space<vmem>>, vector<1x128xf32>
    %add3A_954 = vector.broadcast %get3A_953 : vector<1x128xf32> to vector<128x128xf32>
    %add3A_955 = arith.addf %get3A_950, %add3A_954 : vector<128x128xf32>
    %min3A_956 = arith.minimumf %max3A_944, %add3A_955 : vector<128x128xf32>
    %max3A_957 = arith.maximumf %max3A_944, %add3A_955 : vector<128x128xf32>
    %max3A_958 = arith.maximumf %max3A_945, %min3A_956 : vector<128x128xf32>
    %get3A_959 = arith.constant 74 : index
    %get3A_960 = arith.constant 0 : index
    %get3A_961 = arith.constant 0 : index
    %get3A_962 = vector.load %arg3[%get3A_959, %get3A_960, %get3A_961] : memref<256x128x128xf32, #tpu.memory_space<vmem>>, vector<1x128x128xf32>
    %get3A_963 = vector.shape_cast %get3A_962 : vector<1x128x128xf32> to vector<128x128xf32>
    %get3A_964 = arith.constant 74 : index
    %get3A_965 = arith.constant 0 : index
    %get3A_966 = vector.load %arg2[%get3A_964, %get3A_965] : memref<256x128xf32, #tpu.memory_space<vmem>>, vector<1x128xf32>
    %add3A_967 = vector.broadcast %get3A_966 : vector<1x128xf32> to vector<128x128xf32>
    %add3A_968 = arith.addf %get3A_963, %add3A_967 : vector<128x128xf32>
    %min3A_969 = arith.minimumf %max3A_957, %add3A_968 : vector<128x128xf32>
    %max3A_970 = arith.maximumf %max3A_957, %add3A_968 : vector<128x128xf32>
    %max3A_971 = arith.maximumf %max3A_958, %min3A_969 : vector<128x128xf32>
    %get3A_972 = arith.constant 75 : index
    %get3A_973 = arith.constant 0 : index
    %get3A_974 = arith.constant 0 : index
    %get3A_975 = vector.load %arg3[%get3A_972, %get3A_973, %get3A_974] : memref<256x128x128xf32, #tpu.memory_space<vmem>>, vector<1x128x128xf32>
    %get3A_976 = vector.shape_cast %get3A_975 : vector<1x128x128xf32> to vector<128x128xf32>
    %get3A_977 = arith.constant 75 : index
    %get3A_978 = arith.constant 0 : index
    %get3A_979 = vector.load %arg2[%get3A_977, %get3A_978] : memref<256x128xf32, #tpu.memory_space<vmem>>, vector<1x128xf32>
    %add3A_980 = vector.broadcast %get3A_979 : vector<1x128xf32> to vector<128x128xf32>
    %add3A_981 = arith.addf %get3A_976, %add3A_980 : vector<128x128xf32>
    %min3A_982 = arith.minimumf %max3A_970, %add3A_981 : vector<128x128xf32>
    %max3A_983 = arith.maximumf %max3A_970, %add3A_981 : vector<128x128xf32>
    %max3A_984 = arith.maximumf %max3A_971, %min3A_982 : vector<128x128xf32>
    %get3A_985 = arith.constant 76 : index
    %get3A_986 = arith.constant 0 : index
    %get3A_987 = arith.constant 0 : index
    %get3A_988 = vector.load %arg3[%get3A_985, %get3A_986, %get3A_987] : memref<256x128x128xf32, #tpu.memory_space<vmem>>, vector<1x128x128xf32>
    %get3A_989 = vector.shape_cast %get3A_988 : vector<1x128x128xf32> to vector<128x128xf32>
    %get3A_990 = arith.constant 76 : index
    %get3A_991 = arith.constant 0 : index
    %get3A_992 = vector.load %arg2[%get3A_990, %get3A_991] : memref<256x128xf32, #tpu.memory_space<vmem>>, vector<1x128xf32>
    %add3A_993 = vector.broadcast %get3A_992 : vector<1x128xf32> to vector<128x128xf32>
    %add3A_994 = arith.addf %get3A_989, %add3A_993 : vector<128x128xf32>
    %min3A_995 = arith.minimumf %max3A_983, %add3A_994 : vector<128x128xf32>
    %max3A_996 = arith.maximumf %max3A_983, %add3A_994 : vector<128x128xf32>
    %max3A_997 = arith.maximumf %max3A_984, %min3A_995 : vector<128x128xf32>
    %get3A_998 = arith.constant 77 : index
    %get3A_999 = arith.constant 0 : index
    %get3A_1000 = arith.constant 0 : index
    %get3A_1001 = vector.load %arg3[%get3A_998, %get3A_999, %get3A_1000] : memref<256x128x128xf32, #tpu.memory_space<vmem>>, vector<1x128x128xf32>
    %get3A_1002 = vector.shape_cast %get3A_1001 : vector<1x128x128xf32> to vector<128x128xf32>
    %get3A_1003 = arith.constant 77 : index
    %get3A_1004 = arith.constant 0 : index
    %get3A_1005 = vector.load %arg2[%get3A_1003, %get3A_1004] : memref<256x128xf32, #tpu.memory_space<vmem>>, vector<1x128xf32>
    %add3A_1006 = vector.broadcast %get3A_1005 : vector<1x128xf32> to vector<128x128xf32>
    %add3A_1007 = arith.addf %get3A_1002, %add3A_1006 : vector<128x128xf32>
    %min3A_1008 = arith.minimumf %max3A_996, %add3A_1007 : vector<128x128xf32>
    %max3A_1009 = arith.maximumf %max3A_996, %add3A_1007 : vector<128x128xf32>
    %max3A_1010 = arith.maximumf %max3A_997, %min3A_1008 : vector<128x128xf32>
    %get3A_1011 = arith.constant 78 : index
    %get3A_1012 = arith.constant 0 : index
    %get3A_1013 = arith.constant 0 : index
    %get3A_1014 = vector.load %arg3[%get3A_1011, %get3A_1012, %get3A_1013] : memref<256x128x128xf32, #tpu.memory_space<vmem>>, vector<1x128x128xf32>
    %get3A_1015 = vector.shape_cast %get3A_1014 : vector<1x128x128xf32> to vector<128x128xf32>
    %get3A_1016 = arith.constant 78 : index
    %get3A_1017 = arith.constant 0 : index
    %get3A_1018 = vector.load %arg2[%get3A_1016, %get3A_1017] : memref<256x128xf32, #tpu.memory_space<vmem>>, vector<1x128xf32>
    %add3A_1019 = vector.broadcast %get3A_1018 : vector<1x128xf32> to vector<128x128xf32>
    %add3A_1020 = arith.addf %get3A_1015, %add3A_1019 : vector<128x128xf32>
    %min3A_1021 = arith.minimumf %max3A_1009, %add3A_1020 : vector<128x128xf32>
    %max3A_1022 = arith.maximumf %max3A_1009, %add3A_1020 : vector<128x128xf32>
    %max3A_1023 = arith.maximumf %max3A_1010, %min3A_1021 : vector<128x128xf32>
    %get3A_1024 = arith.constant 79 : index
    %get3A_1025 = arith.constant 0 : index
    %get3A_1026 = arith.constant 0 : index
    %get3A_1027 = vector.load %arg3[%get3A_1024, %get3A_1025, %get3A_1026] : memref<256x128x128xf32, #tpu.memory_space<vmem>>, vector<1x128x128xf32>
    %get3A_1028 = vector.shape_cast %get3A_1027 : vector<1x128x128xf32> to vector<128x128xf32>
    %get3A_1029 = arith.constant 79 : index
    %get3A_1030 = arith.constant 0 : index
    %get3A_1031 = vector.load %arg2[%get3A_1029, %get3A_1030] : memref<256x128xf32, #tpu.memory_space<vmem>>, vector<1x128xf32>
    %add3A_1032 = vector.broadcast %get3A_1031 : vector<1x128xf32> to vector<128x128xf32>
    %add3A_1033 = arith.addf %get3A_1028, %add3A_1032 : vector<128x128xf32>
    %min3A_1034 = arith.minimumf %max3A_1022, %add3A_1033 : vector<128x128xf32>
    %max3A_1035 = arith.maximumf %max3A_1022, %add3A_1033 : vector<128x128xf32>
    %max3A_1036 = arith.maximumf %max3A_1023, %min3A_1034 : vector<128x128xf32>
    %get3A_1037 = arith.constant 80 : index
    %get3A_1038 = arith.constant 0 : index
    %get3A_1039 = arith.constant 0 : index
    %get3A_1040 = vector.load %arg3[%get3A_1037, %get3A_1038, %get3A_1039] : memref<256x128x128xf32, #tpu.memory_space<vmem>>, vector<1x128x128xf32>
    %get3A_1041 = vector.shape_cast %get3A_1040 : vector<1x128x128xf32> to vector<128x128xf32>
    %get3A_1042 = arith.constant 80 : index
    %get3A_1043 = arith.constant 0 : index
    %get3A_1044 = vector.load %arg2[%get3A_1042, %get3A_1043] : memref<256x128xf32, #tpu.memory_space<vmem>>, vector<1x128xf32>
    %add3A_1045 = vector.broadcast %get3A_1044 : vector<1x128xf32> to vector<128x128xf32>
    %add3A_1046 = arith.addf %get3A_1041, %add3A_1045 : vector<128x128xf32>
    %min3A_1047 = arith.minimumf %max3A_1035, %add3A_1046 : vector<128x128xf32>
    %max3A_1048 = arith.maximumf %max3A_1035, %add3A_1046 : vector<128x128xf32>
    %max3A_1049 = arith.maximumf %max3A_1036, %min3A_1047 : vector<128x128xf32>
    %get3A_1050 = arith.constant 81 : index
    %get3A_1051 = arith.constant 0 : index
    %get3A_1052 = arith.constant 0 : index
    %get3A_1053 = vector.load %arg3[%get3A_1050, %get3A_1051, %get3A_1052] : memref<256x128x128xf32, #tpu.memory_space<vmem>>, vector<1x128x128xf32>
    %get3A_1054 = vector.shape_cast %get3A_1053 : vector<1x128x128xf32> to vector<128x128xf32>
    %get3A_1055 = arith.constant 81 : index
    %get3A_1056 = arith.constant 0 : index
    %get3A_1057 = vector.load %arg2[%get3A_1055, %get3A_1056] : memref<256x128xf32, #tpu.memory_space<vmem>>, vector<1x128xf32>
    %add3A_1058 = vector.broadcast %get3A_1057 : vector<1x128xf32> to vector<128x128xf32>
    %add3A_1059 = arith.addf %get3A_1054, %add3A_1058 : vector<128x128xf32>
    %min3A_1060 = arith.minimumf %max3A_1048, %add3A_1059 : vector<128x128xf32>
    %max3A_1061 = arith.maximumf %max3A_1048, %add3A_1059 : vector<128x128xf32>
    %max3A_1062 = arith.maximumf %max3A_1049, %min3A_1060 : vector<128x128xf32>
    %get3A_1063 = arith.constant 82 : index
    %get3A_1064 = arith.constant 0 : index
    %get3A_1065 = arith.constant 0 : index
    %get3A_1066 = vector.load %arg3[%get3A_1063, %get3A_1064, %get3A_1065] : memref<256x128x128xf32, #tpu.memory_space<vmem>>, vector<1x128x128xf32>
    %get3A_1067 = vector.shape_cast %get3A_1066 : vector<1x128x128xf32> to vector<128x128xf32>
    %get3A_1068 = arith.constant 82 : index
    %get3A_1069 = arith.constant 0 : index
    %get3A_1070 = vector.load %arg2[%get3A_1068, %get3A_1069] : memref<256x128xf32, #tpu.memory_space<vmem>>, vector<1x128xf32>
    %add3A_1071 = vector.broadcast %get3A_1070 : vector<1x128xf32> to vector<128x128xf32>
    %add3A_1072 = arith.addf %get3A_1067, %add3A_1071 : vector<128x128xf32>
    %min3A_1073 = arith.minimumf %max3A_1061, %add3A_1072 : vector<128x128xf32>
    %max3A_1074 = arith.maximumf %max3A_1061, %add3A_1072 : vector<128x128xf32>
    %max3A_1075 = arith.maximumf %max3A_1062, %min3A_1073 : vector<128x128xf32>
    %get3A_1076 = arith.constant 83 : index
    %get3A_1077 = arith.constant 0 : index
    %get3A_1078 = arith.constant 0 : index
    %get3A_1079 = vector.load %arg3[%get3A_1076, %get3A_1077, %get3A_1078] : memref<256x128x128xf32, #tpu.memory_space<vmem>>, vector<1x128x128xf32>
    %get3A_1080 = vector.shape_cast %get3A_1079 : vector<1x128x128xf32> to vector<128x128xf32>
    %get3A_1081 = arith.constant 83 : index
    %get3A_1082 = arith.constant 0 : index
    %get3A_1083 = vector.load %arg2[%get3A_1081, %get3A_1082] : memref<256x128xf32, #tpu.memory_space<vmem>>, vector<1x128xf32>
    %add3A_1084 = vector.broadcast %get3A_1083 : vector<1x128xf32> to vector<128x128xf32>
    %add3A_1085 = arith.addf %get3A_1080, %add3A_1084 : vector<128x128xf32>
    %min3A_1086 = arith.minimumf %max3A_1074, %add3A_1085 : vector<128x128xf32>
    %max3A_1087 = arith.maximumf %max3A_1074, %add3A_1085 : vector<128x128xf32>
    %max3A_1088 = arith.maximumf %max3A_1075, %min3A_1086 : vector<128x128xf32>
    %get3A_1089 = arith.constant 84 : index
    %get3A_1090 = arith.constant 0 : index
    %get3A_1091 = arith.constant 0 : index
    %get3A_1092 = vector.load %arg3[%get3A_1089, %get3A_1090, %get3A_1091] : memref<256x128x128xf32, #tpu.memory_space<vmem>>, vector<1x128x128xf32>
    %get3A_1093 = vector.shape_cast %get3A_1092 : vector<1x128x128xf32> to vector<128x128xf32>
    %get3A_1094 = arith.constant 84 : index
    %get3A_1095 = arith.constant 0 : index
    %get3A_1096 = vector.load %arg2[%get3A_1094, %get3A_1095] : memref<256x128xf32, #tpu.memory_space<vmem>>, vector<1x128xf32>
    %add3A_1097 = vector.broadcast %get3A_1096 : vector<1x128xf32> to vector<128x128xf32>
    %add3A_1098 = arith.addf %get3A_1093, %add3A_1097 : vector<128x128xf32>
    %min3A_1099 = arith.minimumf %max3A_1087, %add3A_1098 : vector<128x128xf32>
    %max3A_1100 = arith.maximumf %max3A_1087, %add3A_1098 : vector<128x128xf32>
    %max3A_1101 = arith.maximumf %max3A_1088, %min3A_1099 : vector<128x128xf32>
    %get3A_1102 = arith.constant 85 : index
    %get3A_1103 = arith.constant 0 : index
    %get3A_1104 = arith.constant 0 : index
    %get3A_1105 = vector.load %arg3[%get3A_1102, %get3A_1103, %get3A_1104] : memref<256x128x128xf32, #tpu.memory_space<vmem>>, vector<1x128x128xf32>
    %get3A_1106 = vector.shape_cast %get3A_1105 : vector<1x128x128xf32> to vector<128x128xf32>
    %get3A_1107 = arith.constant 85 : index
    %get3A_1108 = arith.constant 0 : index
    %get3A_1109 = vector.load %arg2[%get3A_1107, %get3A_1108] : memref<256x128xf32, #tpu.memory_space<vmem>>, vector<1x128xf32>
    %add3A_1110 = vector.broadcast %get3A_1109 : vector<1x128xf32> to vector<128x128xf32>
    %add3A_1111 = arith.addf %get3A_1106, %add3A_1110 : vector<128x128xf32>
    %min3A_1112 = arith.minimumf %max3A_1100, %add3A_1111 : vector<128x128xf32>
    %max3A_1113 = arith.maximumf %max3A_1100, %add3A_1111 : vector<128x128xf32>
    %max3A_1114 = arith.maximumf %max3A_1101, %min3A_1112 : vector<128x128xf32>
    %get3A_1115 = arith.constant 86 : index
    %get3A_1116 = arith.constant 0 : index
    %get3A_1117 = arith.constant 0 : index
    %get3A_1118 = vector.load %arg3[%get3A_1115, %get3A_1116, %get3A_1117] : memref<256x128x128xf32, #tpu.memory_space<vmem>>, vector<1x128x128xf32>
    %get3A_1119 = vector.shape_cast %get3A_1118 : vector<1x128x128xf32> to vector<128x128xf32>
    %get3A_1120 = arith.constant 86 : index
    %get3A_1121 = arith.constant 0 : index
    %get3A_1122 = vector.load %arg2[%get3A_1120, %get3A_1121] : memref<256x128xf32, #tpu.memory_space<vmem>>, vector<1x128xf32>
    %add3A_1123 = vector.broadcast %get3A_1122 : vector<1x128xf32> to vector<128x128xf32>
    %add3A_1124 = arith.addf %get3A_1119, %add3A_1123 : vector<128x128xf32>
    %min3A_1125 = arith.minimumf %max3A_1113, %add3A_1124 : vector<128x128xf32>
    %max3A_1126 = arith.maximumf %max3A_1113, %add3A_1124 : vector<128x128xf32>
    %max3A_1127 = arith.maximumf %max3A_1114, %min3A_1125 : vector<128x128xf32>
    %get3A_1128 = arith.constant 87 : index
    %get3A_1129 = arith.constant 0 : index
    %get3A_1130 = arith.constant 0 : index
    %get3A_1131 = vector.load %arg3[%get3A_1128, %get3A_1129, %get3A_1130] : memref<256x128x128xf32, #tpu.memory_space<vmem>>, vector<1x128x128xf32>
    %get3A_1132 = vector.shape_cast %get3A_1131 : vector<1x128x128xf32> to vector<128x128xf32>
    %get3A_1133 = arith.constant 87 : index
    %get3A_1134 = arith.constant 0 : index
    %get3A_1135 = vector.load %arg2[%get3A_1133, %get3A_1134] : memref<256x128xf32, #tpu.memory_space<vmem>>, vector<1x128xf32>
    %add3A_1136 = vector.broadcast %get3A_1135 : vector<1x128xf32> to vector<128x128xf32>
    %add3A_1137 = arith.addf %get3A_1132, %add3A_1136 : vector<128x128xf32>
    %min3A_1138 = arith.minimumf %max3A_1126, %add3A_1137 : vector<128x128xf32>
    %max3A_1139 = arith.maximumf %max3A_1126, %add3A_1137 : vector<128x128xf32>
    %max3A_1140 = arith.maximumf %max3A_1127, %min3A_1138 : vector<128x128xf32>
    %get3A_1141 = arith.constant 88 : index
    %get3A_1142 = arith.constant 0 : index
    %get3A_1143 = arith.constant 0 : index
    %get3A_1144 = vector.load %arg3[%get3A_1141, %get3A_1142, %get3A_1143] : memref<256x128x128xf32, #tpu.memory_space<vmem>>, vector<1x128x128xf32>
    %get3A_1145 = vector.shape_cast %get3A_1144 : vector<1x128x128xf32> to vector<128x128xf32>
    %get3A_1146 = arith.constant 88 : index
    %get3A_1147 = arith.constant 0 : index
    %get3A_1148 = vector.load %arg2[%get3A_1146, %get3A_1147] : memref<256x128xf32, #tpu.memory_space<vmem>>, vector<1x128xf32>
    %add3A_1149 = vector.broadcast %get3A_1148 : vector<1x128xf32> to vector<128x128xf32>
    %add3A_1150 = arith.addf %get3A_1145, %add3A_1149 : vector<128x128xf32>
    %min3A_1151 = arith.minimumf %max3A_1139, %add3A_1150 : vector<128x128xf32>
    %max3A_1152 = arith.maximumf %max3A_1139, %add3A_1150 : vector<128x128xf32>
    %max3A_1153 = arith.maximumf %max3A_1140, %min3A_1151 : vector<128x128xf32>
    %get3A_1154 = arith.constant 89 : index
    %get3A_1155 = arith.constant 0 : index
    %get3A_1156 = arith.constant 0 : index
    %get3A_1157 = vector.load %arg3[%get3A_1154, %get3A_1155, %get3A_1156] : memref<256x128x128xf32, #tpu.memory_space<vmem>>, vector<1x128x128xf32>
    %get3A_1158 = vector.shape_cast %get3A_1157 : vector<1x128x128xf32> to vector<128x128xf32>
    %get3A_1159 = arith.constant 89 : index
    %get3A_1160 = arith.constant 0 : index
    %get3A_1161 = vector.load %arg2[%get3A_1159, %get3A_1160] : memref<256x128xf32, #tpu.memory_space<vmem>>, vector<1x128xf32>
    %add3A_1162 = vector.broadcast %get3A_1161 : vector<1x128xf32> to vector<128x128xf32>
    %add3A_1163 = arith.addf %get3A_1158, %add3A_1162 : vector<128x128xf32>
    %min3A_1164 = arith.minimumf %max3A_1152, %add3A_1163 : vector<128x128xf32>
    %max3A_1165 = arith.maximumf %max3A_1152, %add3A_1163 : vector<128x128xf32>
    %max3A_1166 = arith.maximumf %max3A_1153, %min3A_1164 : vector<128x128xf32>
    %get3A_1167 = arith.constant 90 : index
    %get3A_1168 = arith.constant 0 : index
    %get3A_1169 = arith.constant 0 : index
    %get3A_1170 = vector.load %arg3[%get3A_1167, %get3A_1168, %get3A_1169] : memref<256x128x128xf32, #tpu.memory_space<vmem>>, vector<1x128x128xf32>
    %get3A_1171 = vector.shape_cast %get3A_1170 : vector<1x128x128xf32> to vector<128x128xf32>
    %get3A_1172 = arith.constant 90 : index
    %get3A_1173 = arith.constant 0 : index
    %get3A_1174 = vector.load %arg2[%get3A_1172, %get3A_1173] : memref<256x128xf32, #tpu.memory_space<vmem>>, vector<1x128xf32>
    %add3A_1175 = vector.broadcast %get3A_1174 : vector<1x128xf32> to vector<128x128xf32>
    %add3A_1176 = arith.addf %get3A_1171, %add3A_1175 : vector<128x128xf32>
    %min3A_1177 = arith.minimumf %max3A_1165, %add3A_1176 : vector<128x128xf32>
    %max3A_1178 = arith.maximumf %max3A_1165, %add3A_1176 : vector<128x128xf32>
    %max3A_1179 = arith.maximumf %max3A_1166, %min3A_1177 : vector<128x128xf32>
    %get3A_1180 = arith.constant 91 : index
    %get3A_1181 = arith.constant 0 : index
    %get3A_1182 = arith.constant 0 : index
    %get3A_1183 = vector.load %arg3[%get3A_1180, %get3A_1181, %get3A_1182] : memref<256x128x128xf32, #tpu.memory_space<vmem>>, vector<1x128x128xf32>
    %get3A_1184 = vector.shape_cast %get3A_1183 : vector<1x128x128xf32> to vector<128x128xf32>
    %get3A_1185 = arith.constant 91 : index
    %get3A_1186 = arith.constant 0 : index
    %get3A_1187 = vector.load %arg2[%get3A_1185, %get3A_1186] : memref<256x128xf32, #tpu.memory_space<vmem>>, vector<1x128xf32>
    %add3A_1188 = vector.broadcast %get3A_1187 : vector<1x128xf32> to vector<128x128xf32>
    %add3A_1189 = arith.addf %get3A_1184, %add3A_1188 : vector<128x128xf32>
    %min3A_1190 = arith.minimumf %max3A_1178, %add3A_1189 : vector<128x128xf32>
    %max3A_1191 = arith.maximumf %max3A_1178, %add3A_1189 : vector<128x128xf32>
    %max3A_1192 = arith.maximumf %max3A_1179, %min3A_1190 : vector<128x128xf32>
    %get3A_1193 = arith.constant 92 : index
    %get3A_1194 = arith.constant 0 : index
    %get3A_1195 = arith.constant 0 : index
    %get3A_1196 = vector.load %arg3[%get3A_1193, %get3A_1194, %get3A_1195] : memref<256x128x128xf32, #tpu.memory_space<vmem>>, vector<1x128x128xf32>
    %get3A_1197 = vector.shape_cast %get3A_1196 : vector<1x128x128xf32> to vector<128x128xf32>
    %get3A_1198 = arith.constant 92 : index
    %get3A_1199 = arith.constant 0 : index
    %get3A_1200 = vector.load %arg2[%get3A_1198, %get3A_1199] : memref<256x128xf32, #tpu.memory_space<vmem>>, vector<1x128xf32>
    %add3A_1201 = vector.broadcast %get3A_1200 : vector<1x128xf32> to vector<128x128xf32>
    %add3A_1202 = arith.addf %get3A_1197, %add3A_1201 : vector<128x128xf32>
    %min3A_1203 = arith.minimumf %max3A_1191, %add3A_1202 : vector<128x128xf32>
    %max3A_1204 = arith.maximumf %max3A_1191, %add3A_1202 : vector<128x128xf32>
    %max3A_1205 = arith.maximumf %max3A_1192, %min3A_1203 : vector<128x128xf32>
    %get3A_1206 = arith.constant 93 : index
    %get3A_1207 = arith.constant 0 : index
    %get3A_1208 = arith.constant 0 : index
    %get3A_1209 = vector.load %arg3[%get3A_1206, %get3A_1207, %get3A_1208] : memref<256x128x128xf32, #tpu.memory_space<vmem>>, vector<1x128x128xf32>
    %get3A_1210 = vector.shape_cast %get3A_1209 : vector<1x128x128xf32> to vector<128x128xf32>
    %get3A_1211 = arith.constant 93 : index
    %get3A_1212 = arith.constant 0 : index
    %get3A_1213 = vector.load %arg2[%get3A_1211, %get3A_1212] : memref<256x128xf32, #tpu.memory_space<vmem>>, vector<1x128xf32>
    %add3A_1214 = vector.broadcast %get3A_1213 : vector<1x128xf32> to vector<128x128xf32>
    %add3A_1215 = arith.addf %get3A_1210, %add3A_1214 : vector<128x128xf32>
    %min3A_1216 = arith.minimumf %max3A_1204, %add3A_1215 : vector<128x128xf32>
    %max3A_1217 = arith.maximumf %max3A_1204, %add3A_1215 : vector<128x128xf32>
    %max3A_1218 = arith.maximumf %max3A_1205, %min3A_1216 : vector<128x128xf32>
    %get3A_1219 = arith.constant 94 : index
    %get3A_1220 = arith.constant 0 : index
    %get3A_1221 = arith.constant 0 : index
    %get3A_1222 = vector.load %arg3[%get3A_1219, %get3A_1220, %get3A_1221] : memref<256x128x128xf32, #tpu.memory_space<vmem>>, vector<1x128x128xf32>
    %get3A_1223 = vector.shape_cast %get3A_1222 : vector<1x128x128xf32> to vector<128x128xf32>
    %get3A_1224 = arith.constant 94 : index
    %get3A_1225 = arith.constant 0 : index
    %get3A_1226 = vector.load %arg2[%get3A_1224, %get3A_1225] : memref<256x128xf32, #tpu.memory_space<vmem>>, vector<1x128xf32>
    %add3A_1227 = vector.broadcast %get3A_1226 : vector<1x128xf32> to vector<128x128xf32>
    %add3A_1228 = arith.addf %get3A_1223, %add3A_1227 : vector<128x128xf32>
    %min3A_1229 = arith.minimumf %max3A_1217, %add3A_1228 : vector<128x128xf32>
    %max3A_1230 = arith.maximumf %max3A_1217, %add3A_1228 : vector<128x128xf32>
    %max3A_1231 = arith.maximumf %max3A_1218, %min3A_1229 : vector<128x128xf32>
    %get3A_1232 = arith.constant 95 : index
    %get3A_1233 = arith.constant 0 : index
    %get3A_1234 = arith.constant 0 : index
    %get3A_1235 = vector.load %arg3[%get3A_1232, %get3A_1233, %get3A_1234] : memref<256x128x128xf32, #tpu.memory_space<vmem>>, vector<1x128x128xf32>
    %get3A_1236 = vector.shape_cast %get3A_1235 : vector<1x128x128xf32> to vector<128x128xf32>
    %get3A_1237 = arith.constant 95 : index
    %get3A_1238 = arith.constant 0 : index
    %get3A_1239 = vector.load %arg2[%get3A_1237, %get3A_1238] : memref<256x128xf32, #tpu.memory_space<vmem>>, vector<1x128xf32>
    %add3A_1240 = vector.broadcast %get3A_1239 : vector<1x128xf32> to vector<128x128xf32>
    %add3A_1241 = arith.addf %get3A_1236, %add3A_1240 : vector<128x128xf32>
    %min3A_1242 = arith.minimumf %max3A_1230, %add3A_1241 : vector<128x128xf32>
    %max3A_1243 = arith.maximumf %max3A_1230, %add3A_1241 : vector<128x128xf32>
    %max3A_1244 = arith.maximumf %max3A_1231, %min3A_1242 : vector<128x128xf32>
    %get3A_1245 = arith.constant 96 : index
    %get3A_1246 = arith.constant 0 : index
    %get3A_1247 = arith.constant 0 : index
    %get3A_1248 = vector.load %arg3[%get3A_1245, %get3A_1246, %get3A_1247] : memref<256x128x128xf32, #tpu.memory_space<vmem>>, vector<1x128x128xf32>
    %get3A_1249 = vector.shape_cast %get3A_1248 : vector<1x128x128xf32> to vector<128x128xf32>
    %get3A_1250 = arith.constant 96 : index
    %get3A_1251 = arith.constant 0 : index
    %get3A_1252 = vector.load %arg2[%get3A_1250, %get3A_1251] : memref<256x128xf32, #tpu.memory_space<vmem>>, vector<1x128xf32>
    %add3A_1253 = vector.broadcast %get3A_1252 : vector<1x128xf32> to vector<128x128xf32>
    %add3A_1254 = arith.addf %get3A_1249, %add3A_1253 : vector<128x128xf32>
    %min3A_1255 = arith.minimumf %max3A_1243, %add3A_1254 : vector<128x128xf32>
    %max3A_1256 = arith.maximumf %max3A_1243, %add3A_1254 : vector<128x128xf32>
    %max3A_1257 = arith.maximumf %max3A_1244, %min3A_1255 : vector<128x128xf32>
    %get3A_1258 = arith.constant 97 : index
    %get3A_1259 = arith.constant 0 : index
    %get3A_1260 = arith.constant 0 : index
    %get3A_1261 = vector.load %arg3[%get3A_1258, %get3A_1259, %get3A_1260] : memref<256x128x128xf32, #tpu.memory_space<vmem>>, vector<1x128x128xf32>
    %get3A_1262 = vector.shape_cast %get3A_1261 : vector<1x128x128xf32> to vector<128x128xf32>
    %get3A_1263 = arith.constant 97 : index
    %get3A_1264 = arith.constant 0 : index
    %get3A_1265 = vector.load %arg2[%get3A_1263, %get3A_1264] : memref<256x128xf32, #tpu.memory_space<vmem>>, vector<1x128xf32>
    %add3A_1266 = vector.broadcast %get3A_1265 : vector<1x128xf32> to vector<128x128xf32>
    %add3A_1267 = arith.addf %get3A_1262, %add3A_1266 : vector<128x128xf32>
    %min3A_1268 = arith.minimumf %max3A_1256, %add3A_1267 : vector<128x128xf32>
    %max3A_1269 = arith.maximumf %max3A_1256, %add3A_1267 : vector<128x128xf32>
    %max3A_1270 = arith.maximumf %max3A_1257, %min3A_1268 : vector<128x128xf32>
    %get3A_1271 = arith.constant 98 : index
    %get3A_1272 = arith.constant 0 : index
    %get3A_1273 = arith.constant 0 : index
    %get3A_1274 = vector.load %arg3[%get3A_1271, %get3A_1272, %get3A_1273] : memref<256x128x128xf32, #tpu.memory_space<vmem>>, vector<1x128x128xf32>
    %get3A_1275 = vector.shape_cast %get3A_1274 : vector<1x128x128xf32> to vector<128x128xf32>
    %get3A_1276 = arith.constant 98 : index
    %get3A_1277 = arith.constant 0 : index
    %get3A_1278 = vector.load %arg2[%get3A_1276, %get3A_1277] : memref<256x128xf32, #tpu.memory_space<vmem>>, vector<1x128xf32>
    %add3A_1279 = vector.broadcast %get3A_1278 : vector<1x128xf32> to vector<128x128xf32>
    %add3A_1280 = arith.addf %get3A_1275, %add3A_1279 : vector<128x128xf32>
    %min3A_1281 = arith.minimumf %max3A_1269, %add3A_1280 : vector<128x128xf32>
    %max3A_1282 = arith.maximumf %max3A_1269, %add3A_1280 : vector<128x128xf32>
    %max3A_1283 = arith.maximumf %max3A_1270, %min3A_1281 : vector<128x128xf32>
    %get3A_1284 = arith.constant 99 : index
    %get3A_1285 = arith.constant 0 : index
    %get3A_1286 = arith.constant 0 : index
    %get3A_1287 = vector.load %arg3[%get3A_1284, %get3A_1285, %get3A_1286] : memref<256x128x128xf32, #tpu.memory_space<vmem>>, vector<1x128x128xf32>
    %get3A_1288 = vector.shape_cast %get3A_1287 : vector<1x128x128xf32> to vector<128x128xf32>
    %get3A_1289 = arith.constant 99 : index
    %get3A_1290 = arith.constant 0 : index
    %get3A_1291 = vector.load %arg2[%get3A_1289, %get3A_1290] : memref<256x128xf32, #tpu.memory_space<vmem>>, vector<1x128xf32>
    %add3A_1292 = vector.broadcast %get3A_1291 : vector<1x128xf32> to vector<128x128xf32>
    %add3A_1293 = arith.addf %get3A_1288, %add3A_1292 : vector<128x128xf32>
    %min3A_1294 = arith.minimumf %max3A_1282, %add3A_1293 : vector<128x128xf32>
    %max3A_1295 = arith.maximumf %max3A_1282, %add3A_1293 : vector<128x128xf32>
    %max3A_1296 = arith.maximumf %max3A_1283, %min3A_1294 : vector<128x128xf32>
    %get3A_1297 = arith.constant 100 : index
    %get3A_1298 = arith.constant 0 : index
    %get3A_1299 = arith.constant 0 : index
    %get3A_1300 = vector.load %arg3[%get3A_1297, %get3A_1298, %get3A_1299] : memref<256x128x128xf32, #tpu.memory_space<vmem>>, vector<1x128x128xf32>
    %get3A_1301 = vector.shape_cast %get3A_1300 : vector<1x128x128xf32> to vector<128x128xf32>
    %get3A_1302 = arith.constant 100 : index
    %get3A_1303 = arith.constant 0 : index
    %get3A_1304 = vector.load %arg2[%get3A_1302, %get3A_1303] : memref<256x128xf32, #tpu.memory_space<vmem>>, vector<1x128xf32>
    %add3A_1305 = vector.broadcast %get3A_1304 : vector<1x128xf32> to vector<128x128xf32>
    %add3A_1306 = arith.addf %get3A_1301, %add3A_1305 : vector<128x128xf32>
    %min3A_1307 = arith.minimumf %max3A_1295, %add3A_1306 : vector<128x128xf32>
    %max3A_1308 = arith.maximumf %max3A_1295, %add3A_1306 : vector<128x128xf32>
    %max3A_1309 = arith.maximumf %max3A_1296, %min3A_1307 : vector<128x128xf32>
    %get3A_1310 = arith.constant 101 : index
    %get3A_1311 = arith.constant 0 : index
    %get3A_1312 = arith.constant 0 : index
    %get3A_1313 = vector.load %arg3[%get3A_1310, %get3A_1311, %get3A_1312] : memref<256x128x128xf32, #tpu.memory_space<vmem>>, vector<1x128x128xf32>
    %get3A_1314 = vector.shape_cast %get3A_1313 : vector<1x128x128xf32> to vector<128x128xf32>
    %get3A_1315 = arith.constant 101 : index
    %get3A_1316 = arith.constant 0 : index
    %get3A_1317 = vector.load %arg2[%get3A_1315, %get3A_1316] : memref<256x128xf32, #tpu.memory_space<vmem>>, vector<1x128xf32>
    %add3A_1318 = vector.broadcast %get3A_1317 : vector<1x128xf32> to vector<128x128xf32>
    %add3A_1319 = arith.addf %get3A_1314, %add3A_1318 : vector<128x128xf32>
    %min3A_1320 = arith.minimumf %max3A_1308, %add3A_1319 : vector<128x128xf32>
    %max3A_1321 = arith.maximumf %max3A_1308, %add3A_1319 : vector<128x128xf32>
    %max3A_1322 = arith.maximumf %max3A_1309, %min3A_1320 : vector<128x128xf32>
    %get3A_1323 = arith.constant 102 : index
    %get3A_1324 = arith.constant 0 : index
    %get3A_1325 = arith.constant 0 : index
    %get3A_1326 = vector.load %arg3[%get3A_1323, %get3A_1324, %get3A_1325] : memref<256x128x128xf32, #tpu.memory_space<vmem>>, vector<1x128x128xf32>
    %get3A_1327 = vector.shape_cast %get3A_1326 : vector<1x128x128xf32> to vector<128x128xf32>
    %get3A_1328 = arith.constant 102 : index
    %get3A_1329 = arith.constant 0 : index
    %get3A_1330 = vector.load %arg2[%get3A_1328, %get3A_1329] : memref<256x128xf32, #tpu.memory_space<vmem>>, vector<1x128xf32>
    %add3A_1331 = vector.broadcast %get3A_1330 : vector<1x128xf32> to vector<128x128xf32>
    %add3A_1332 = arith.addf %get3A_1327, %add3A_1331 : vector<128x128xf32>
    %min3A_1333 = arith.minimumf %max3A_1321, %add3A_1332 : vector<128x128xf32>
    %max3A_1334 = arith.maximumf %max3A_1321, %add3A_1332 : vector<128x128xf32>
    %max3A_1335 = arith.maximumf %max3A_1322, %min3A_1333 : vector<128x128xf32>
    %get3A_1336 = arith.constant 103 : index
    %get3A_1337 = arith.constant 0 : index
    %get3A_1338 = arith.constant 0 : index
    %get3A_1339 = vector.load %arg3[%get3A_1336, %get3A_1337, %get3A_1338] : memref<256x128x128xf32, #tpu.memory_space<vmem>>, vector<1x128x128xf32>
    %get3A_1340 = vector.shape_cast %get3A_1339 : vector<1x128x128xf32> to vector<128x128xf32>
    %get3A_1341 = arith.constant 103 : index
    %get3A_1342 = arith.constant 0 : index
    %get3A_1343 = vector.load %arg2[%get3A_1341, %get3A_1342] : memref<256x128xf32, #tpu.memory_space<vmem>>, vector<1x128xf32>
    %add3A_1344 = vector.broadcast %get3A_1343 : vector<1x128xf32> to vector<128x128xf32>
    %add3A_1345 = arith.addf %get3A_1340, %add3A_1344 : vector<128x128xf32>
    %min3A_1346 = arith.minimumf %max3A_1334, %add3A_1345 : vector<128x128xf32>
    %max3A_1347 = arith.maximumf %max3A_1334, %add3A_1345 : vector<128x128xf32>
    %max3A_1348 = arith.maximumf %max3A_1335, %min3A_1346 : vector<128x128xf32>
    %get3A_1349 = arith.constant 104 : index
    %get3A_1350 = arith.constant 0 : index
    %get3A_1351 = arith.constant 0 : index
    %get3A_1352 = vector.load %arg3[%get3A_1349, %get3A_1350, %get3A_1351] : memref<256x128x128xf32, #tpu.memory_space<vmem>>, vector<1x128x128xf32>
    %get3A_1353 = vector.shape_cast %get3A_1352 : vector<1x128x128xf32> to vector<128x128xf32>
    %get3A_1354 = arith.constant 104 : index
    %get3A_1355 = arith.constant 0 : index
    %get3A_1356 = vector.load %arg2[%get3A_1354, %get3A_1355] : memref<256x128xf32, #tpu.memory_space<vmem>>, vector<1x128xf32>
    %add3A_1357 = vector.broadcast %get3A_1356 : vector<1x128xf32> to vector<128x128xf32>
    %add3A_1358 = arith.addf %get3A_1353, %add3A_1357 : vector<128x128xf32>
    %min3A_1359 = arith.minimumf %max3A_1347, %add3A_1358 : vector<128x128xf32>
    %max3A_1360 = arith.maximumf %max3A_1347, %add3A_1358 : vector<128x128xf32>
    %max3A_1361 = arith.maximumf %max3A_1348, %min3A_1359 : vector<128x128xf32>
    %get3A_1362 = arith.constant 105 : index
    %get3A_1363 = arith.constant 0 : index
    %get3A_1364 = arith.constant 0 : index
    %get3A_1365 = vector.load %arg3[%get3A_1362, %get3A_1363, %get3A_1364] : memref<256x128x128xf32, #tpu.memory_space<vmem>>, vector<1x128x128xf32>
    %get3A_1366 = vector.shape_cast %get3A_1365 : vector<1x128x128xf32> to vector<128x128xf32>
    %get3A_1367 = arith.constant 105 : index
    %get3A_1368 = arith.constant 0 : index
    %get3A_1369 = vector.load %arg2[%get3A_1367, %get3A_1368] : memref<256x128xf32, #tpu.memory_space<vmem>>, vector<1x128xf32>
    %add3A_1370 = vector.broadcast %get3A_1369 : vector<1x128xf32> to vector<128x128xf32>
    %add3A_1371 = arith.addf %get3A_1366, %add3A_1370 : vector<128x128xf32>
    %min3A_1372 = arith.minimumf %max3A_1360, %add3A_1371 : vector<128x128xf32>
    %max3A_1373 = arith.maximumf %max3A_1360, %add3A_1371 : vector<128x128xf32>
    %max3A_1374 = arith.maximumf %max3A_1361, %min3A_1372 : vector<128x128xf32>
    %get3A_1375 = arith.constant 106 : index
    %get3A_1376 = arith.constant 0 : index
    %get3A_1377 = arith.constant 0 : index
    %get3A_1378 = vector.load %arg3[%get3A_1375, %get3A_1376, %get3A_1377] : memref<256x128x128xf32, #tpu.memory_space<vmem>>, vector<1x128x128xf32>
    %get3A_1379 = vector.shape_cast %get3A_1378 : vector<1x128x128xf32> to vector<128x128xf32>
    %get3A_1380 = arith.constant 106 : index
    %get3A_1381 = arith.constant 0 : index
    %get3A_1382 = vector.load %arg2[%get3A_1380, %get3A_1381] : memref<256x128xf32, #tpu.memory_space<vmem>>, vector<1x128xf32>
    %add3A_1383 = vector.broadcast %get3A_1382 : vector<1x128xf32> to vector<128x128xf32>
    %add3A_1384 = arith.addf %get3A_1379, %add3A_1383 : vector<128x128xf32>
    %min3A_1385 = arith.minimumf %max3A_1373, %add3A_1384 : vector<128x128xf32>
    %max3A_1386 = arith.maximumf %max3A_1373, %add3A_1384 : vector<128x128xf32>
    %max3A_1387 = arith.maximumf %max3A_1374, %min3A_1385 : vector<128x128xf32>
    %get3A_1388 = arith.constant 107 : index
    %get3A_1389 = arith.constant 0 : index
    %get3A_1390 = arith.constant 0 : index
    %get3A_1391 = vector.load %arg3[%get3A_1388, %get3A_1389, %get3A_1390] : memref<256x128x128xf32, #tpu.memory_space<vmem>>, vector<1x128x128xf32>
    %get3A_1392 = vector.shape_cast %get3A_1391 : vector<1x128x128xf32> to vector<128x128xf32>
    %get3A_1393 = arith.constant 107 : index
    %get3A_1394 = arith.constant 0 : index
    %get3A_1395 = vector.load %arg2[%get3A_1393, %get3A_1394] : memref<256x128xf32, #tpu.memory_space<vmem>>, vector<1x128xf32>
    %add3A_1396 = vector.broadcast %get3A_1395 : vector<1x128xf32> to vector<128x128xf32>
    %add3A_1397 = arith.addf %get3A_1392, %add3A_1396 : vector<128x128xf32>
    %min3A_1398 = arith.minimumf %max3A_1386, %add3A_1397 : vector<128x128xf32>
    %max3A_1399 = arith.maximumf %max3A_1386, %add3A_1397 : vector<128x128xf32>
    %max3A_1400 = arith.maximumf %max3A_1387, %min3A_1398 : vector<128x128xf32>
    %get3A_1401 = arith.constant 108 : index
    %get3A_1402 = arith.constant 0 : index
    %get3A_1403 = arith.constant 0 : index
    %get3A_1404 = vector.load %arg3[%get3A_1401, %get3A_1402, %get3A_1403] : memref<256x128x128xf32, #tpu.memory_space<vmem>>, vector<1x128x128xf32>
    %get3A_1405 = vector.shape_cast %get3A_1404 : vector<1x128x128xf32> to vector<128x128xf32>
    %get3A_1406 = arith.constant 108 : index
    %get3A_1407 = arith.constant 0 : index
    %get3A_1408 = vector.load %arg2[%get3A_1406, %get3A_1407] : memref<256x128xf32, #tpu.memory_space<vmem>>, vector<1x128xf32>
    %add3A_1409 = vector.broadcast %get3A_1408 : vector<1x128xf32> to vector<128x128xf32>
    %add3A_1410 = arith.addf %get3A_1405, %add3A_1409 : vector<128x128xf32>
    %min3A_1411 = arith.minimumf %max3A_1399, %add3A_1410 : vector<128x128xf32>
    %max3A_1412 = arith.maximumf %max3A_1399, %add3A_1410 : vector<128x128xf32>
    %max3A_1413 = arith.maximumf %max3A_1400, %min3A_1411 : vector<128x128xf32>
    %get3A_1414 = arith.constant 109 : index
    %get3A_1415 = arith.constant 0 : index
    %get3A_1416 = arith.constant 0 : index
    %get3A_1417 = vector.load %arg3[%get3A_1414, %get3A_1415, %get3A_1416] : memref<256x128x128xf32, #tpu.memory_space<vmem>>, vector<1x128x128xf32>
    %get3A_1418 = vector.shape_cast %get3A_1417 : vector<1x128x128xf32> to vector<128x128xf32>
    %get3A_1419 = arith.constant 109 : index
    %get3A_1420 = arith.constant 0 : index
    %get3A_1421 = vector.load %arg2[%get3A_1419, %get3A_1420] : memref<256x128xf32, #tpu.memory_space<vmem>>, vector<1x128xf32>
    %add3A_1422 = vector.broadcast %get3A_1421 : vector<1x128xf32> to vector<128x128xf32>
    %add3A_1423 = arith.addf %get3A_1418, %add3A_1422 : vector<128x128xf32>
    %min3A_1424 = arith.minimumf %max3A_1412, %add3A_1423 : vector<128x128xf32>
    %max3A_1425 = arith.maximumf %max3A_1412, %add3A_1423 : vector<128x128xf32>
    %max3A_1426 = arith.maximumf %max3A_1413, %min3A_1424 : vector<128x128xf32>
    %get3A_1427 = arith.constant 110 : index
    %get3A_1428 = arith.constant 0 : index
    %get3A_1429 = arith.constant 0 : index
    %get3A_1430 = vector.load %arg3[%get3A_1427, %get3A_1428, %get3A_1429] : memref<256x128x128xf32, #tpu.memory_space<vmem>>, vector<1x128x128xf32>
    %get3A_1431 = vector.shape_cast %get3A_1430 : vector<1x128x128xf32> to vector<128x128xf32>
    %get3A_1432 = arith.constant 110 : index
    %get3A_1433 = arith.constant 0 : index
    %get3A_1434 = vector.load %arg2[%get3A_1432, %get3A_1433] : memref<256x128xf32, #tpu.memory_space<vmem>>, vector<1x128xf32>
    %add3A_1435 = vector.broadcast %get3A_1434 : vector<1x128xf32> to vector<128x128xf32>
    %add3A_1436 = arith.addf %get3A_1431, %add3A_1435 : vector<128x128xf32>
    %min3A_1437 = arith.minimumf %max3A_1425, %add3A_1436 : vector<128x128xf32>
    %max3A_1438 = arith.maximumf %max3A_1425, %add3A_1436 : vector<128x128xf32>
    %max3A_1439 = arith.maximumf %max3A_1426, %min3A_1437 : vector<128x128xf32>
    %get3A_1440 = arith.constant 111 : index
    %get3A_1441 = arith.constant 0 : index
    %get3A_1442 = arith.constant 0 : index
    %get3A_1443 = vector.load %arg3[%get3A_1440, %get3A_1441, %get3A_1442] : memref<256x128x128xf32, #tpu.memory_space<vmem>>, vector<1x128x128xf32>
    %get3A_1444 = vector.shape_cast %get3A_1443 : vector<1x128x128xf32> to vector<128x128xf32>
    %get3A_1445 = arith.constant 111 : index
    %get3A_1446 = arith.constant 0 : index
    %get3A_1447 = vector.load %arg2[%get3A_1445, %get3A_1446] : memref<256x128xf32, #tpu.memory_space<vmem>>, vector<1x128xf32>
    %add3A_1448 = vector.broadcast %get3A_1447 : vector<1x128xf32> to vector<128x128xf32>
    %add3A_1449 = arith.addf %get3A_1444, %add3A_1448 : vector<128x128xf32>
    %min3A_1450 = arith.minimumf %max3A_1438, %add3A_1449 : vector<128x128xf32>
    %max3A_1451 = arith.maximumf %max3A_1438, %add3A_1449 : vector<128x128xf32>
    %max3A_1452 = arith.maximumf %max3A_1439, %min3A_1450 : vector<128x128xf32>
    %get3A_1453 = arith.constant 112 : index
    %get3A_1454 = arith.constant 0 : index
    %get3A_1455 = arith.constant 0 : index
    %get3A_1456 = vector.load %arg3[%get3A_1453, %get3A_1454, %get3A_1455] : memref<256x128x128xf32, #tpu.memory_space<vmem>>, vector<1x128x128xf32>
    %get3A_1457 = vector.shape_cast %get3A_1456 : vector<1x128x128xf32> to vector<128x128xf32>
    %get3A_1458 = arith.constant 112 : index
    %get3A_1459 = arith.constant 0 : index
    %get3A_1460 = vector.load %arg2[%get3A_1458, %get3A_1459] : memref<256x128xf32, #tpu.memory_space<vmem>>, vector<1x128xf32>
    %add3A_1461 = vector.broadcast %get3A_1460 : vector<1x128xf32> to vector<128x128xf32>
    %add3A_1462 = arith.addf %get3A_1457, %add3A_1461 : vector<128x128xf32>
    %min3A_1463 = arith.minimumf %max3A_1451, %add3A_1462 : vector<128x128xf32>
    %max3A_1464 = arith.maximumf %max3A_1451, %add3A_1462 : vector<128x128xf32>
    %max3A_1465 = arith.maximumf %max3A_1452, %min3A_1463 : vector<128x128xf32>
    %get3A_1466 = arith.constant 113 : index
    %get3A_1467 = arith.constant 0 : index
    %get3A_1468 = arith.constant 0 : index
    %get3A_1469 = vector.load %arg3[%get3A_1466, %get3A_1467, %get3A_1468] : memref<256x128x128xf32, #tpu.memory_space<vmem>>, vector<1x128x128xf32>
    %get3A_1470 = vector.shape_cast %get3A_1469 : vector<1x128x128xf32> to vector<128x128xf32>
    %get3A_1471 = arith.constant 113 : index
    %get3A_1472 = arith.constant 0 : index
    %get3A_1473 = vector.load %arg2[%get3A_1471, %get3A_1472] : memref<256x128xf32, #tpu.memory_space<vmem>>, vector<1x128xf32>
    %add3A_1474 = vector.broadcast %get3A_1473 : vector<1x128xf32> to vector<128x128xf32>
    %add3A_1475 = arith.addf %get3A_1470, %add3A_1474 : vector<128x128xf32>
    %min3A_1476 = arith.minimumf %max3A_1464, %add3A_1475 : vector<128x128xf32>
    %max3A_1477 = arith.maximumf %max3A_1464, %add3A_1475 : vector<128x128xf32>
    %max3A_1478 = arith.maximumf %max3A_1465, %min3A_1476 : vector<128x128xf32>
    %get3A_1479 = arith.constant 114 : index
    %get3A_1480 = arith.constant 0 : index
    %get3A_1481 = arith.constant 0 : index
    %get3A_1482 = vector.load %arg3[%get3A_1479, %get3A_1480, %get3A_1481] : memref<256x128x128xf32, #tpu.memory_space<vmem>>, vector<1x128x128xf32>
    %get3A_1483 = vector.shape_cast %get3A_1482 : vector<1x128x128xf32> to vector<128x128xf32>
    %get3A_1484 = arith.constant 114 : index
    %get3A_1485 = arith.constant 0 : index
    %get3A_1486 = vector.load %arg2[%get3A_1484, %get3A_1485] : memref<256x128xf32, #tpu.memory_space<vmem>>, vector<1x128xf32>
    %add3A_1487 = vector.broadcast %get3A_1486 : vector<1x128xf32> to vector<128x128xf32>
    %add3A_1488 = arith.addf %get3A_1483, %add3A_1487 : vector<128x128xf32>
    %min3A_1489 = arith.minimumf %max3A_1477, %add3A_1488 : vector<128x128xf32>
    %max3A_1490 = arith.maximumf %max3A_1477, %add3A_1488 : vector<128x128xf32>
    %max3A_1491 = arith.maximumf %max3A_1478, %min3A_1489 : vector<128x128xf32>
    %get3A_1492 = arith.constant 115 : index
    %get3A_1493 = arith.constant 0 : index
    %get3A_1494 = arith.constant 0 : index
    %get3A_1495 = vector.load %arg3[%get3A_1492, %get3A_1493, %get3A_1494] : memref<256x128x128xf32, #tpu.memory_space<vmem>>, vector<1x128x128xf32>
    %get3A_1496 = vector.shape_cast %get3A_1495 : vector<1x128x128xf32> to vector<128x128xf32>
    %get3A_1497 = arith.constant 115 : index
    %get3A_1498 = arith.constant 0 : index
    %get3A_1499 = vector.load %arg2[%get3A_1497, %get3A_1498] : memref<256x128xf32, #tpu.memory_space<vmem>>, vector<1x128xf32>
    %add3A_1500 = vector.broadcast %get3A_1499 : vector<1x128xf32> to vector<128x128xf32>
    %add3A_1501 = arith.addf %get3A_1496, %add3A_1500 : vector<128x128xf32>
    %min3A_1502 = arith.minimumf %max3A_1490, %add3A_1501 : vector<128x128xf32>
    %max3A_1503 = arith.maximumf %max3A_1490, %add3A_1501 : vector<128x128xf32>
    %max3A_1504 = arith.maximumf %max3A_1491, %min3A_1502 : vector<128x128xf32>
    %get3A_1505 = arith.constant 116 : index
    %get3A_1506 = arith.constant 0 : index
    %get3A_1507 = arith.constant 0 : index
    %get3A_1508 = vector.load %arg3[%get3A_1505, %get3A_1506, %get3A_1507] : memref<256x128x128xf32, #tpu.memory_space<vmem>>, vector<1x128x128xf32>
    %get3A_1509 = vector.shape_cast %get3A_1508 : vector<1x128x128xf32> to vector<128x128xf32>
    %get3A_1510 = arith.constant 116 : index
    %get3A_1511 = arith.constant 0 : index
    %get3A_1512 = vector.load %arg2[%get3A_1510, %get3A_1511] : memref<256x128xf32, #tpu.memory_space<vmem>>, vector<1x128xf32>
    %add3A_1513 = vector.broadcast %get3A_1512 : vector<1x128xf32> to vector<128x128xf32>
    %add3A_1514 = arith.addf %get3A_1509, %add3A_1513 : vector<128x128xf32>
    %min3A_1515 = arith.minimumf %max3A_1503, %add3A_1514 : vector<128x128xf32>
    %max3A_1516 = arith.maximumf %max3A_1503, %add3A_1514 : vector<128x128xf32>
    %max3A_1517 = arith.maximumf %max3A_1504, %min3A_1515 : vector<128x128xf32>
    %get3A_1518 = arith.constant 117 : index
    %get3A_1519 = arith.constant 0 : index
    %get3A_1520 = arith.constant 0 : index
    %get3A_1521 = vector.load %arg3[%get3A_1518, %get3A_1519, %get3A_1520] : memref<256x128x128xf32, #tpu.memory_space<vmem>>, vector<1x128x128xf32>
    %get3A_1522 = vector.shape_cast %get3A_1521 : vector<1x128x128xf32> to vector<128x128xf32>
    %get3A_1523 = arith.constant 117 : index
    %get3A_1524 = arith.constant 0 : index
    %get3A_1525 = vector.load %arg2[%get3A_1523, %get3A_1524] : memref<256x128xf32, #tpu.memory_space<vmem>>, vector<1x128xf32>
    %add3A_1526 = vector.broadcast %get3A_1525 : vector<1x128xf32> to vector<128x128xf32>
    %add3A_1527 = arith.addf %get3A_1522, %add3A_1526 : vector<128x128xf32>
    %min3A_1528 = arith.minimumf %max3A_1516, %add3A_1527 : vector<128x128xf32>
    %max3A_1529 = arith.maximumf %max3A_1516, %add3A_1527 : vector<128x128xf32>
    %max3A_1530 = arith.maximumf %max3A_1517, %min3A_1528 : vector<128x128xf32>
    %get3A_1531 = arith.constant 118 : index
    %get3A_1532 = arith.constant 0 : index
    %get3A_1533 = arith.constant 0 : index
    %get3A_1534 = vector.load %arg3[%get3A_1531, %get3A_1532, %get3A_1533] : memref<256x128x128xf32, #tpu.memory_space<vmem>>, vector<1x128x128xf32>
    %get3A_1535 = vector.shape_cast %get3A_1534 : vector<1x128x128xf32> to vector<128x128xf32>
    %get3A_1536 = arith.constant 118 : index
    %get3A_1537 = arith.constant 0 : index
    %get3A_1538 = vector.load %arg2[%get3A_1536, %get3A_1537] : memref<256x128xf32, #tpu.memory_space<vmem>>, vector<1x128xf32>
    %add3A_1539 = vector.broadcast %get3A_1538 : vector<1x128xf32> to vector<128x128xf32>
    %add3A_1540 = arith.addf %get3A_1535, %add3A_1539 : vector<128x128xf32>
    %min3A_1541 = arith.minimumf %max3A_1529, %add3A_1540 : vector<128x128xf32>
    %max3A_1542 = arith.maximumf %max3A_1529, %add3A_1540 : vector<128x128xf32>
    %max3A_1543 = arith.maximumf %max3A_1530, %min3A_1541 : vector<128x128xf32>
    %get3A_1544 = arith.constant 119 : index
    %get3A_1545 = arith.constant 0 : index
    %get3A_1546 = arith.constant 0 : index
    %get3A_1547 = vector.load %arg3[%get3A_1544, %get3A_1545, %get3A_1546] : memref<256x128x128xf32, #tpu.memory_space<vmem>>, vector<1x128x128xf32>
    %get3A_1548 = vector.shape_cast %get3A_1547 : vector<1x128x128xf32> to vector<128x128xf32>
    %get3A_1549 = arith.constant 119 : index
    %get3A_1550 = arith.constant 0 : index
    %get3A_1551 = vector.load %arg2[%get3A_1549, %get3A_1550] : memref<256x128xf32, #tpu.memory_space<vmem>>, vector<1x128xf32>
    %add3A_1552 = vector.broadcast %get3A_1551 : vector<1x128xf32> to vector<128x128xf32>
    %add3A_1553 = arith.addf %get3A_1548, %add3A_1552 : vector<128x128xf32>
    %min3A_1554 = arith.minimumf %max3A_1542, %add3A_1553 : vector<128x128xf32>
    %max3A_1555 = arith.maximumf %max3A_1542, %add3A_1553 : vector<128x128xf32>
    %max3A_1556 = arith.maximumf %max3A_1543, %min3A_1554 : vector<128x128xf32>
    %get3A_1557 = arith.constant 120 : index
    %get3A_1558 = arith.constant 0 : index
    %get3A_1559 = arith.constant 0 : index
    %get3A_1560 = vector.load %arg3[%get3A_1557, %get3A_1558, %get3A_1559] : memref<256x128x128xf32, #tpu.memory_space<vmem>>, vector<1x128x128xf32>
    %get3A_1561 = vector.shape_cast %get3A_1560 : vector<1x128x128xf32> to vector<128x128xf32>
    %get3A_1562 = arith.constant 120 : index
    %get3A_1563 = arith.constant 0 : index
    %get3A_1564 = vector.load %arg2[%get3A_1562, %get3A_1563] : memref<256x128xf32, #tpu.memory_space<vmem>>, vector<1x128xf32>
    %add3A_1565 = vector.broadcast %get3A_1564 : vector<1x128xf32> to vector<128x128xf32>
    %add3A_1566 = arith.addf %get3A_1561, %add3A_1565 : vector<128x128xf32>
    %min3A_1567 = arith.minimumf %max3A_1555, %add3A_1566 : vector<128x128xf32>
    %max3A_1568 = arith.maximumf %max3A_1555, %add3A_1566 : vector<128x128xf32>
    %max3A_1569 = arith.maximumf %max3A_1556, %min3A_1567 : vector<128x128xf32>
    %get3A_1570 = arith.constant 121 : index
    %get3A_1571 = arith.constant 0 : index
    %get3A_1572 = arith.constant 0 : index
    %get3A_1573 = vector.load %arg3[%get3A_1570, %get3A_1571, %get3A_1572] : memref<256x128x128xf32, #tpu.memory_space<vmem>>, vector<1x128x128xf32>
    %get3A_1574 = vector.shape_cast %get3A_1573 : vector<1x128x128xf32> to vector<128x128xf32>
    %get3A_1575 = arith.constant 121 : index
    %get3A_1576 = arith.constant 0 : index
    %get3A_1577 = vector.load %arg2[%get3A_1575, %get3A_1576] : memref<256x128xf32, #tpu.memory_space<vmem>>, vector<1x128xf32>
    %add3A_1578 = vector.broadcast %get3A_1577 : vector<1x128xf32> to vector<128x128xf32>
    %add3A_1579 = arith.addf %get3A_1574, %add3A_1578 : vector<128x128xf32>
    %min3A_1580 = arith.minimumf %max3A_1568, %add3A_1579 : vector<128x128xf32>
    %max3A_1581 = arith.maximumf %max3A_1568, %add3A_1579 : vector<128x128xf32>
    %max3A_1582 = arith.maximumf %max3A_1569, %min3A_1580 : vector<128x128xf32>
    %get3A_1583 = arith.constant 122 : index
    %get3A_1584 = arith.constant 0 : index
    %get3A_1585 = arith.constant 0 : index
    %get3A_1586 = vector.load %arg3[%get3A_1583, %get3A_1584, %get3A_1585] : memref<256x128x128xf32, #tpu.memory_space<vmem>>, vector<1x128x128xf32>
    %get3A_1587 = vector.shape_cast %get3A_1586 : vector<1x128x128xf32> to vector<128x128xf32>
    %get3A_1588 = arith.constant 122 : index
    %get3A_1589 = arith.constant 0 : index
    %get3A_1590 = vector.load %arg2[%get3A_1588, %get3A_1589] : memref<256x128xf32, #tpu.memory_space<vmem>>, vector<1x128xf32>
    %add3A_1591 = vector.broadcast %get3A_1590 : vector<1x128xf32> to vector<128x128xf32>
    %add3A_1592 = arith.addf %get3A_1587, %add3A_1591 : vector<128x128xf32>
    %min3A_1593 = arith.minimumf %max3A_1581, %add3A_1592 : vector<128x128xf32>
    %max3A_1594 = arith.maximumf %max3A_1581, %add3A_1592 : vector<128x128xf32>
    %max3A_1595 = arith.maximumf %max3A_1582, %min3A_1593 : vector<128x128xf32>
    %get3A_1596 = arith.constant 123 : index
    %get3A_1597 = arith.constant 0 : index
    %get3A_1598 = arith.constant 0 : index
    %get3A_1599 = vector.load %arg3[%get3A_1596, %get3A_1597, %get3A_1598] : memref<256x128x128xf32, #tpu.memory_space<vmem>>, vector<1x128x128xf32>
    %get3A_1600 = vector.shape_cast %get3A_1599 : vector<1x128x128xf32> to vector<128x128xf32>
    %get3A_1601 = arith.constant 123 : index
    %get3A_1602 = arith.constant 0 : index
    %get3A_1603 = vector.load %arg2[%get3A_1601, %get3A_1602] : memref<256x128xf32, #tpu.memory_space<vmem>>, vector<1x128xf32>
    %add3A_1604 = vector.broadcast %get3A_1603 : vector<1x128xf32> to vector<128x128xf32>
    %add3A_1605 = arith.addf %get3A_1600, %add3A_1604 : vector<128x128xf32>
    %min3A_1606 = arith.minimumf %max3A_1594, %add3A_1605 : vector<128x128xf32>
    %max3A_1607 = arith.maximumf %max3A_1594, %add3A_1605 : vector<128x128xf32>
    %max3A_1608 = arith.maximumf %max3A_1595, %min3A_1606 : vector<128x128xf32>
    %get3A_1609 = arith.constant 124 : index
    %get3A_1610 = arith.constant 0 : index
    %get3A_1611 = arith.constant 0 : index
    %get3A_1612 = vector.load %arg3[%get3A_1609, %get3A_1610, %get3A_1611] : memref<256x128x128xf32, #tpu.memory_space<vmem>>, vector<1x128x128xf32>
    %get3A_1613 = vector.shape_cast %get3A_1612 : vector<1x128x128xf32> to vector<128x128xf32>
    %get3A_1614 = arith.constant 124 : index
    %get3A_1615 = arith.constant 0 : index
    %get3A_1616 = vector.load %arg2[%get3A_1614, %get3A_1615] : memref<256x128xf32, #tpu.memory_space<vmem>>, vector<1x128xf32>
    %add3A_1617 = vector.broadcast %get3A_1616 : vector<1x128xf32> to vector<128x128xf32>
    %add3A_1618 = arith.addf %get3A_1613, %add3A_1617 : vector<128x128xf32>
    %min3A_1619 = arith.minimumf %max3A_1607, %add3A_1618 : vector<128x128xf32>
    %max3A_1620 = arith.maximumf %max3A_1607, %add3A_1618 : vector<128x128xf32>
    %max3A_1621 = arith.maximumf %max3A_1608, %min3A_1619 : vector<128x128xf32>
    %get3A_1622 = arith.constant 125 : index
    %get3A_1623 = arith.constant 0 : index
    %get3A_1624 = arith.constant 0 : index
    %get3A_1625 = vector.load %arg3[%get3A_1622, %get3A_1623, %get3A_1624] : memref<256x128x128xf32, #tpu.memory_space<vmem>>, vector<1x128x128xf32>
    %get3A_1626 = vector.shape_cast %get3A_1625 : vector<1x128x128xf32> to vector<128x128xf32>
    %get3A_1627 = arith.constant 125 : index
    %get3A_1628 = arith.constant 0 : index
    %get3A_1629 = vector.load %arg2[%get3A_1627, %get3A_1628] : memref<256x128xf32, #tpu.memory_space<vmem>>, vector<1x128xf32>
    %add3A_1630 = vector.broadcast %get3A_1629 : vector<1x128xf32> to vector<128x128xf32>
    %add3A_1631 = arith.addf %get3A_1626, %add3A_1630 : vector<128x128xf32>
    %min3A_1632 = arith.minimumf %max3A_1620, %add3A_1631 : vector<128x128xf32>
    %max3A_1633 = arith.maximumf %max3A_1620, %add3A_1631 : vector<128x128xf32>
    %max3A_1634 = arith.maximumf %max3A_1621, %min3A_1632 : vector<128x128xf32>
    %get3A_1635 = arith.constant 126 : index
    %get3A_1636 = arith.constant 0 : index
    %get3A_1637 = arith.constant 0 : index
    %get3A_1638 = vector.load %arg3[%get3A_1635, %get3A_1636, %get3A_1637] : memref<256x128x128xf32, #tpu.memory_space<vmem>>, vector<1x128x128xf32>
    %get3A_1639 = vector.shape_cast %get3A_1638 : vector<1x128x128xf32> to vector<128x128xf32>
    %get3A_1640 = arith.constant 126 : index
    %get3A_1641 = arith.constant 0 : index
    %get3A_1642 = vector.load %arg2[%get3A_1640, %get3A_1641] : memref<256x128xf32, #tpu.memory_space<vmem>>, vector<1x128xf32>
    %add3A_1643 = vector.broadcast %get3A_1642 : vector<1x128xf32> to vector<128x128xf32>
    %add3A_1644 = arith.addf %get3A_1639, %add3A_1643 : vector<128x128xf32>
    %min3A_1645 = arith.minimumf %max3A_1633, %add3A_1644 : vector<128x128xf32>
    %max3A_1646 = arith.maximumf %max3A_1633, %add3A_1644 : vector<128x128xf32>
    %max3A_1647 = arith.maximumf %max3A_1634, %min3A_1645 : vector<128x128xf32>
    %get3A_1648 = arith.constant 127 : index
    %get3A_1649 = arith.constant 0 : index
    %get3A_1650 = arith.constant 0 : index
    %get3A_1651 = vector.load %arg3[%get3A_1648, %get3A_1649, %get3A_1650] : memref<256x128x128xf32, #tpu.memory_space<vmem>>, vector<1x128x128xf32>
    %get3A_1652 = vector.shape_cast %get3A_1651 : vector<1x128x128xf32> to vector<128x128xf32>
    %get3A_1653 = arith.constant 127 : index
    %get3A_1654 = arith.constant 0 : index
    %get3A_1655 = vector.load %arg2[%get3A_1653, %get3A_1654] : memref<256x128xf32, #tpu.memory_space<vmem>>, vector<1x128xf32>
    %add3A_1656 = vector.broadcast %get3A_1655 : vector<1x128xf32> to vector<128x128xf32>
    %add3A_1657 = arith.addf %get3A_1652, %add3A_1656 : vector<128x128xf32>
    %min3A_1658 = arith.minimumf %max3A_1646, %add3A_1657 : vector<128x128xf32>
    %max3A_1659 = arith.maximumf %max3A_1646, %add3A_1657 : vector<128x128xf32>
    %max3A_1660 = arith.maximumf %max3A_1647, %min3A_1658 : vector<128x128xf32>
    %get3A_1661 = arith.constant 128 : index
    %get3A_1662 = arith.constant 0 : index
    %get3A_1663 = arith.constant 0 : index
    %get3A_1664 = vector.load %arg3[%get3A_1661, %get3A_1662, %get3A_1663] : memref<256x128x128xf32, #tpu.memory_space<vmem>>, vector<1x128x128xf32>
    %get3A_1665 = vector.shape_cast %get3A_1664 : vector<1x128x128xf32> to vector<128x128xf32>
    %get3A_1666 = arith.constant 128 : index
    %get3A_1667 = arith.constant 0 : index
    %get3A_1668 = vector.load %arg2[%get3A_1666, %get3A_1667] : memref<256x128xf32, #tpu.memory_space<vmem>>, vector<1x128xf32>
    %add3A_1669 = vector.broadcast %get3A_1668 : vector<1x128xf32> to vector<128x128xf32>
    %add3A_1670 = arith.addf %get3A_1665, %add3A_1669 : vector<128x128xf32>
    %min3A_1671 = arith.minimumf %max3A_1659, %add3A_1670 : vector<128x128xf32>
    %max3A_1672 = arith.maximumf %max3A_1659, %add3A_1670 : vector<128x128xf32>
    %max3A_1673 = arith.maximumf %max3A_1660, %min3A_1671 : vector<128x128xf32>
    %get3A_1674 = arith.constant 129 : index
    %get3A_1675 = arith.constant 0 : index
    %get3A_1676 = arith.constant 0 : index
    %get3A_1677 = vector.load %arg3[%get3A_1674, %get3A_1675, %get3A_1676] : memref<256x128x128xf32, #tpu.memory_space<vmem>>, vector<1x128x128xf32>
    %get3A_1678 = vector.shape_cast %get3A_1677 : vector<1x128x128xf32> to vector<128x128xf32>
    %get3A_1679 = arith.constant 129 : index
    %get3A_1680 = arith.constant 0 : index
    %get3A_1681 = vector.load %arg2[%get3A_1679, %get3A_1680] : memref<256x128xf32, #tpu.memory_space<vmem>>, vector<1x128xf32>
    %add3A_1682 = vector.broadcast %get3A_1681 : vector<1x128xf32> to vector<128x128xf32>
    %add3A_1683 = arith.addf %get3A_1678, %add3A_1682 : vector<128x128xf32>
    %min3A_1684 = arith.minimumf %max3A_1672, %add3A_1683 : vector<128x128xf32>
    %max3A_1685 = arith.maximumf %max3A_1672, %add3A_1683 : vector<128x128xf32>
    %max3A_1686 = arith.maximumf %max3A_1673, %min3A_1684 : vector<128x128xf32>
    %get3A_1687 = arith.constant 130 : index
    %get3A_1688 = arith.constant 0 : index
    %get3A_1689 = arith.constant 0 : index
    %get3A_1690 = vector.load %arg3[%get3A_1687, %get3A_1688, %get3A_1689] : memref<256x128x128xf32, #tpu.memory_space<vmem>>, vector<1x128x128xf32>
    %get3A_1691 = vector.shape_cast %get3A_1690 : vector<1x128x128xf32> to vector<128x128xf32>
    %get3A_1692 = arith.constant 130 : index
    %get3A_1693 = arith.constant 0 : index
    %get3A_1694 = vector.load %arg2[%get3A_1692, %get3A_1693] : memref<256x128xf32, #tpu.memory_space<vmem>>, vector<1x128xf32>
    %add3A_1695 = vector.broadcast %get3A_1694 : vector<1x128xf32> to vector<128x128xf32>
    %add3A_1696 = arith.addf %get3A_1691, %add3A_1695 : vector<128x128xf32>
    %min3A_1697 = arith.minimumf %max3A_1685, %add3A_1696 : vector<128x128xf32>
    %max3A_1698 = arith.maximumf %max3A_1685, %add3A_1696 : vector<128x128xf32>
    %max3A_1699 = arith.maximumf %max3A_1686, %min3A_1697 : vector<128x128xf32>
    %get3A_1700 = arith.constant 131 : index
    %get3A_1701 = arith.constant 0 : index
    %get3A_1702 = arith.constant 0 : index
    %get3A_1703 = vector.load %arg3[%get3A_1700, %get3A_1701, %get3A_1702] : memref<256x128x128xf32, #tpu.memory_space<vmem>>, vector<1x128x128xf32>
    %get3A_1704 = vector.shape_cast %get3A_1703 : vector<1x128x128xf32> to vector<128x128xf32>
    %get3A_1705 = arith.constant 131 : index
    %get3A_1706 = arith.constant 0 : index
    %get3A_1707 = vector.load %arg2[%get3A_1705, %get3A_1706] : memref<256x128xf32, #tpu.memory_space<vmem>>, vector<1x128xf32>
    %add3A_1708 = vector.broadcast %get3A_1707 : vector<1x128xf32> to vector<128x128xf32>
    %add3A_1709 = arith.addf %get3A_1704, %add3A_1708 : vector<128x128xf32>
    %min3A_1710 = arith.minimumf %max3A_1698, %add3A_1709 : vector<128x128xf32>
    %max3A_1711 = arith.maximumf %max3A_1698, %add3A_1709 : vector<128x128xf32>
    %max3A_1712 = arith.maximumf %max3A_1699, %min3A_1710 : vector<128x128xf32>
    %get3A_1713 = arith.constant 132 : index
    %get3A_1714 = arith.constant 0 : index
    %get3A_1715 = arith.constant 0 : index
    %get3A_1716 = vector.load %arg3[%get3A_1713, %get3A_1714, %get3A_1715] : memref<256x128x128xf32, #tpu.memory_space<vmem>>, vector<1x128x128xf32>
    %get3A_1717 = vector.shape_cast %get3A_1716 : vector<1x128x128xf32> to vector<128x128xf32>
    %get3A_1718 = arith.constant 132 : index
    %get3A_1719 = arith.constant 0 : index
    %get3A_1720 = vector.load %arg2[%get3A_1718, %get3A_1719] : memref<256x128xf32, #tpu.memory_space<vmem>>, vector<1x128xf32>
    %add3A_1721 = vector.broadcast %get3A_1720 : vector<1x128xf32> to vector<128x128xf32>
    %add3A_1722 = arith.addf %get3A_1717, %add3A_1721 : vector<128x128xf32>
    %min3A_1723 = arith.minimumf %max3A_1711, %add3A_1722 : vector<128x128xf32>
    %max3A_1724 = arith.maximumf %max3A_1711, %add3A_1722 : vector<128x128xf32>
    %max3A_1725 = arith.maximumf %max3A_1712, %min3A_1723 : vector<128x128xf32>
    %get3A_1726 = arith.constant 133 : index
    %get3A_1727 = arith.constant 0 : index
    %get3A_1728 = arith.constant 0 : index
    %get3A_1729 = vector.load %arg3[%get3A_1726, %get3A_1727, %get3A_1728] : memref<256x128x128xf32, #tpu.memory_space<vmem>>, vector<1x128x128xf32>
    %get3A_1730 = vector.shape_cast %get3A_1729 : vector<1x128x128xf32> to vector<128x128xf32>
    %get3A_1731 = arith.constant 133 : index
    %get3A_1732 = arith.constant 0 : index
    %get3A_1733 = vector.load %arg2[%get3A_1731, %get3A_1732] : memref<256x128xf32, #tpu.memory_space<vmem>>, vector<1x128xf32>
    %add3A_1734 = vector.broadcast %get3A_1733 : vector<1x128xf32> to vector<128x128xf32>
    %add3A_1735 = arith.addf %get3A_1730, %add3A_1734 : vector<128x128xf32>
    %min3A_1736 = arith.minimumf %max3A_1724, %add3A_1735 : vector<128x128xf32>
    %max3A_1737 = arith.maximumf %max3A_1724, %add3A_1735 : vector<128x128xf32>
    %max3A_1738 = arith.maximumf %max3A_1725, %min3A_1736 : vector<128x128xf32>
    %get3A_1739 = arith.constant 134 : index
    %get3A_1740 = arith.constant 0 : index
    %get3A_1741 = arith.constant 0 : index
    %get3A_1742 = vector.load %arg3[%get3A_1739, %get3A_1740, %get3A_1741] : memref<256x128x128xf32, #tpu.memory_space<vmem>>, vector<1x128x128xf32>
    %get3A_1743 = vector.shape_cast %get3A_1742 : vector<1x128x128xf32> to vector<128x128xf32>
    %get3A_1744 = arith.constant 134 : index
    %get3A_1745 = arith.constant 0 : index
    %get3A_1746 = vector.load %arg2[%get3A_1744, %get3A_1745] : memref<256x128xf32, #tpu.memory_space<vmem>>, vector<1x128xf32>
    %add3A_1747 = vector.broadcast %get3A_1746 : vector<1x128xf32> to vector<128x128xf32>
    %add3A_1748 = arith.addf %get3A_1743, %add3A_1747 : vector<128x128xf32>
    %min3A_1749 = arith.minimumf %max3A_1737, %add3A_1748 : vector<128x128xf32>
    %max3A_1750 = arith.maximumf %max3A_1737, %add3A_1748 : vector<128x128xf32>
    %max3A_1751 = arith.maximumf %max3A_1738, %min3A_1749 : vector<128x128xf32>
    %get3A_1752 = arith.constant 135 : index
    %get3A_1753 = arith.constant 0 : index
    %get3A_1754 = arith.constant 0 : index
    %get3A_1755 = vector.load %arg3[%get3A_1752, %get3A_1753, %get3A_1754] : memref<256x128x128xf32, #tpu.memory_space<vmem>>, vector<1x128x128xf32>
    %get3A_1756 = vector.shape_cast %get3A_1755 : vector<1x128x128xf32> to vector<128x128xf32>
    %get3A_1757 = arith.constant 135 : index
    %get3A_1758 = arith.constant 0 : index
    %get3A_1759 = vector.load %arg2[%get3A_1757, %get3A_1758] : memref<256x128xf32, #tpu.memory_space<vmem>>, vector<1x128xf32>
    %add3A_1760 = vector.broadcast %get3A_1759 : vector<1x128xf32> to vector<128x128xf32>
    %add3A_1761 = arith.addf %get3A_1756, %add3A_1760 : vector<128x128xf32>
    %min3A_1762 = arith.minimumf %max3A_1750, %add3A_1761 : vector<128x128xf32>
    %max3A_1763 = arith.maximumf %max3A_1750, %add3A_1761 : vector<128x128xf32>
    %max3A_1764 = arith.maximumf %max3A_1751, %min3A_1762 : vector<128x128xf32>
    %get3A_1765 = arith.constant 136 : index
    %get3A_1766 = arith.constant 0 : index
    %get3A_1767 = arith.constant 0 : index
    %get3A_1768 = vector.load %arg3[%get3A_1765, %get3A_1766, %get3A_1767] : memref<256x128x128xf32, #tpu.memory_space<vmem>>, vector<1x128x128xf32>
    %get3A_1769 = vector.shape_cast %get3A_1768 : vector<1x128x128xf32> to vector<128x128xf32>
    %get3A_1770 = arith.constant 136 : index
    %get3A_1771 = arith.constant 0 : index
    %get3A_1772 = vector.load %arg2[%get3A_1770, %get3A_1771] : memref<256x128xf32, #tpu.memory_space<vmem>>, vector<1x128xf32>
    %add3A_1773 = vector.broadcast %get3A_1772 : vector<1x128xf32> to vector<128x128xf32>
    %add3A_1774 = arith.addf %get3A_1769, %add3A_1773 : vector<128x128xf32>
    %min3A_1775 = arith.minimumf %max3A_1763, %add3A_1774 : vector<128x128xf32>
    %max3A_1776 = arith.maximumf %max3A_1763, %add3A_1774 : vector<128x128xf32>
    %max3A_1777 = arith.maximumf %max3A_1764, %min3A_1775 : vector<128x128xf32>
    %get3A_1778 = arith.constant 137 : index
    %get3A_1779 = arith.constant 0 : index
    %get3A_1780 = arith.constant 0 : index
    %get3A_1781 = vector.load %arg3[%get3A_1778, %get3A_1779, %get3A_1780] : memref<256x128x128xf32, #tpu.memory_space<vmem>>, vector<1x128x128xf32>
    %get3A_1782 = vector.shape_cast %get3A_1781 : vector<1x128x128xf32> to vector<128x128xf32>
    %get3A_1783 = arith.constant 137 : index
    %get3A_1784 = arith.constant 0 : index
    %get3A_1785 = vector.load %arg2[%get3A_1783, %get3A_1784] : memref<256x128xf32, #tpu.memory_space<vmem>>, vector<1x128xf32>
    %add3A_1786 = vector.broadcast %get3A_1785 : vector<1x128xf32> to vector<128x128xf32>
    %add3A_1787 = arith.addf %get3A_1782, %add3A_1786 : vector<128x128xf32>
    %min3A_1788 = arith.minimumf %max3A_1776, %add3A_1787 : vector<128x128xf32>
    %max3A_1789 = arith.maximumf %max3A_1776, %add3A_1787 : vector<128x128xf32>
    %max3A_1790 = arith.maximumf %max3A_1777, %min3A_1788 : vector<128x128xf32>
    %get3A_1791 = arith.constant 138 : index
    %get3A_1792 = arith.constant 0 : index
    %get3A_1793 = arith.constant 0 : index
    %get3A_1794 = vector.load %arg3[%get3A_1791, %get3A_1792, %get3A_1793] : memref<256x128x128xf32, #tpu.memory_space<vmem>>, vector<1x128x128xf32>
    %get3A_1795 = vector.shape_cast %get3A_1794 : vector<1x128x128xf32> to vector<128x128xf32>
    %get3A_1796 = arith.constant 138 : index
    %get3A_1797 = arith.constant 0 : index
    %get3A_1798 = vector.load %arg2[%get3A_1796, %get3A_1797] : memref<256x128xf32, #tpu.memory_space<vmem>>, vector<1x128xf32>
    %add3A_1799 = vector.broadcast %get3A_1798 : vector<1x128xf32> to vector<128x128xf32>
    %add3A_1800 = arith.addf %get3A_1795, %add3A_1799 : vector<128x128xf32>
    %min3A_1801 = arith.minimumf %max3A_1789, %add3A_1800 : vector<128x128xf32>
    %max3A_1802 = arith.maximumf %max3A_1789, %add3A_1800 : vector<128x128xf32>
    %max3A_1803 = arith.maximumf %max3A_1790, %min3A_1801 : vector<128x128xf32>
    %get3A_1804 = arith.constant 139 : index
    %get3A_1805 = arith.constant 0 : index
    %get3A_1806 = arith.constant 0 : index
    %get3A_1807 = vector.load %arg3[%get3A_1804, %get3A_1805, %get3A_1806] : memref<256x128x128xf32, #tpu.memory_space<vmem>>, vector<1x128x128xf32>
    %get3A_1808 = vector.shape_cast %get3A_1807 : vector<1x128x128xf32> to vector<128x128xf32>
    %get3A_1809 = arith.constant 139 : index
    %get3A_1810 = arith.constant 0 : index
    %get3A_1811 = vector.load %arg2[%get3A_1809, %get3A_1810] : memref<256x128xf32, #tpu.memory_space<vmem>>, vector<1x128xf32>
    %add3A_1812 = vector.broadcast %get3A_1811 : vector<1x128xf32> to vector<128x128xf32>
    %add3A_1813 = arith.addf %get3A_1808, %add3A_1812 : vector<128x128xf32>
    %min3A_1814 = arith.minimumf %max3A_1802, %add3A_1813 : vector<128x128xf32>
    %max3A_1815 = arith.maximumf %max3A_1802, %add3A_1813 : vector<128x128xf32>
    %max3A_1816 = arith.maximumf %max3A_1803, %min3A_1814 : vector<128x128xf32>
    %get3A_1817 = arith.constant 140 : index
    %get3A_1818 = arith.constant 0 : index
    %get3A_1819 = arith.constant 0 : index
    %get3A_1820 = vector.load %arg3[%get3A_1817, %get3A_1818, %get3A_1819] : memref<256x128x128xf32, #tpu.memory_space<vmem>>, vector<1x128x128xf32>
    %get3A_1821 = vector.shape_cast %get3A_1820 : vector<1x128x128xf32> to vector<128x128xf32>
    %get3A_1822 = arith.constant 140 : index
    %get3A_1823 = arith.constant 0 : index
    %get3A_1824 = vector.load %arg2[%get3A_1822, %get3A_1823] : memref<256x128xf32, #tpu.memory_space<vmem>>, vector<1x128xf32>
    %add3A_1825 = vector.broadcast %get3A_1824 : vector<1x128xf32> to vector<128x128xf32>
    %add3A_1826 = arith.addf %get3A_1821, %add3A_1825 : vector<128x128xf32>
    %min3A_1827 = arith.minimumf %max3A_1815, %add3A_1826 : vector<128x128xf32>
    %max3A_1828 = arith.maximumf %max3A_1815, %add3A_1826 : vector<128x128xf32>
    %max3A_1829 = arith.maximumf %max3A_1816, %min3A_1827 : vector<128x128xf32>
    %get3A_1830 = arith.constant 141 : index
    %get3A_1831 = arith.constant 0 : index
    %get3A_1832 = arith.constant 0 : index
    %get3A_1833 = vector.load %arg3[%get3A_1830, %get3A_1831, %get3A_1832] : memref<256x128x128xf32, #tpu.memory_space<vmem>>, vector<1x128x128xf32>
    %get3A_1834 = vector.shape_cast %get3A_1833 : vector<1x128x128xf32> to vector<128x128xf32>
    %get3A_1835 = arith.constant 141 : index
    %get3A_1836 = arith.constant 0 : index
    %get3A_1837 = vector.load %arg2[%get3A_1835, %get3A_1836] : memref<256x128xf32, #tpu.memory_space<vmem>>, vector<1x128xf32>
    %add3A_1838 = vector.broadcast %get3A_1837 : vector<1x128xf32> to vector<128x128xf32>
    %add3A_1839 = arith.addf %get3A_1834, %add3A_1838 : vector<128x128xf32>
    %min3A_1840 = arith.minimumf %max3A_1828, %add3A_1839 : vector<128x128xf32>
    %max3A_1841 = arith.maximumf %max3A_1828, %add3A_1839 : vector<128x128xf32>
    %max3A_1842 = arith.maximumf %max3A_1829, %min3A_1840 : vector<128x128xf32>
    %get3A_1843 = arith.constant 142 : index
    %get3A_1844 = arith.constant 0 : index
    %get3A_1845 = arith.constant 0 : index
    %get3A_1846 = vector.load %arg3[%get3A_1843, %get3A_1844, %get3A_1845] : memref<256x128x128xf32, #tpu.memory_space<vmem>>, vector<1x128x128xf32>
    %get3A_1847 = vector.shape_cast %get3A_1846 : vector<1x128x128xf32> to vector<128x128xf32>
    %get3A_1848 = arith.constant 142 : index
    %get3A_1849 = arith.constant 0 : index
    %get3A_1850 = vector.load %arg2[%get3A_1848, %get3A_1849] : memref<256x128xf32, #tpu.memory_space<vmem>>, vector<1x128xf32>
    %add3A_1851 = vector.broadcast %get3A_1850 : vector<1x128xf32> to vector<128x128xf32>
    %add3A_1852 = arith.addf %get3A_1847, %add3A_1851 : vector<128x128xf32>
    %min3A_1853 = arith.minimumf %max3A_1841, %add3A_1852 : vector<128x128xf32>
    %max3A_1854 = arith.maximumf %max3A_1841, %add3A_1852 : vector<128x128xf32>
    %max3A_1855 = arith.maximumf %max3A_1842, %min3A_1853 : vector<128x128xf32>
    %get3A_1856 = arith.constant 143 : index
    %get3A_1857 = arith.constant 0 : index
    %get3A_1858 = arith.constant 0 : index
    %get3A_1859 = vector.load %arg3[%get3A_1856, %get3A_1857, %get3A_1858] : memref<256x128x128xf32, #tpu.memory_space<vmem>>, vector<1x128x128xf32>
    %get3A_1860 = vector.shape_cast %get3A_1859 : vector<1x128x128xf32> to vector<128x128xf32>
    %get3A_1861 = arith.constant 143 : index
    %get3A_1862 = arith.constant 0 : index
    %get3A_1863 = vector.load %arg2[%get3A_1861, %get3A_1862] : memref<256x128xf32, #tpu.memory_space<vmem>>, vector<1x128xf32>
    %add3A_1864 = vector.broadcast %get3A_1863 : vector<1x128xf32> to vector<128x128xf32>
    %add3A_1865 = arith.addf %get3A_1860, %add3A_1864 : vector<128x128xf32>
    %min3A_1866 = arith.minimumf %max3A_1854, %add3A_1865 : vector<128x128xf32>
    %max3A_1867 = arith.maximumf %max3A_1854, %add3A_1865 : vector<128x128xf32>
    %max3A_1868 = arith.maximumf %max3A_1855, %min3A_1866 : vector<128x128xf32>
    %get3A_1869 = arith.constant 144 : index
    %get3A_1870 = arith.constant 0 : index
    %get3A_1871 = arith.constant 0 : index
    %get3A_1872 = vector.load %arg3[%get3A_1869, %get3A_1870, %get3A_1871] : memref<256x128x128xf32, #tpu.memory_space<vmem>>, vector<1x128x128xf32>
    %get3A_1873 = vector.shape_cast %get3A_1872 : vector<1x128x128xf32> to vector<128x128xf32>
    %get3A_1874 = arith.constant 144 : index
    %get3A_1875 = arith.constant 0 : index
    %get3A_1876 = vector.load %arg2[%get3A_1874, %get3A_1875] : memref<256x128xf32, #tpu.memory_space<vmem>>, vector<1x128xf32>
    %add3A_1877 = vector.broadcast %get3A_1876 : vector<1x128xf32> to vector<128x128xf32>
    %add3A_1878 = arith.addf %get3A_1873, %add3A_1877 : vector<128x128xf32>
    %min3A_1879 = arith.minimumf %max3A_1867, %add3A_1878 : vector<128x128xf32>
    %max3A_1880 = arith.maximumf %max3A_1867, %add3A_1878 : vector<128x128xf32>
    %max3A_1881 = arith.maximumf %max3A_1868, %min3A_1879 : vector<128x128xf32>
    %get3A_1882 = arith.constant 145 : index
    %get3A_1883 = arith.constant 0 : index
    %get3A_1884 = arith.constant 0 : index
    %get3A_1885 = vector.load %arg3[%get3A_1882, %get3A_1883, %get3A_1884] : memref<256x128x128xf32, #tpu.memory_space<vmem>>, vector<1x128x128xf32>
    %get3A_1886 = vector.shape_cast %get3A_1885 : vector<1x128x128xf32> to vector<128x128xf32>
    %get3A_1887 = arith.constant 145 : index
    %get3A_1888 = arith.constant 0 : index
    %get3A_1889 = vector.load %arg2[%get3A_1887, %get3A_1888] : memref<256x128xf32, #tpu.memory_space<vmem>>, vector<1x128xf32>
    %add3A_1890 = vector.broadcast %get3A_1889 : vector<1x128xf32> to vector<128x128xf32>
    %add3A_1891 = arith.addf %get3A_1886, %add3A_1890 : vector<128x128xf32>
    %min3A_1892 = arith.minimumf %max3A_1880, %add3A_1891 : vector<128x128xf32>
    %max3A_1893 = arith.maximumf %max3A_1880, %add3A_1891 : vector<128x128xf32>
    %max3A_1894 = arith.maximumf %max3A_1881, %min3A_1892 : vector<128x128xf32>
    %get3A_1895 = arith.constant 146 : index
    %get3A_1896 = arith.constant 0 : index
    %get3A_1897 = arith.constant 0 : index
    %get3A_1898 = vector.load %arg3[%get3A_1895, %get3A_1896, %get3A_1897] : memref<256x128x128xf32, #tpu.memory_space<vmem>>, vector<1x128x128xf32>
    %get3A_1899 = vector.shape_cast %get3A_1898 : vector<1x128x128xf32> to vector<128x128xf32>
    %get3A_1900 = arith.constant 146 : index
    %get3A_1901 = arith.constant 0 : index
    %get3A_1902 = vector.load %arg2[%get3A_1900, %get3A_1901] : memref<256x128xf32, #tpu.memory_space<vmem>>, vector<1x128xf32>
    %add3A_1903 = vector.broadcast %get3A_1902 : vector<1x128xf32> to vector<128x128xf32>
    %add3A_1904 = arith.addf %get3A_1899, %add3A_1903 : vector<128x128xf32>
    %min3A_1905 = arith.minimumf %max3A_1893, %add3A_1904 : vector<128x128xf32>
    %max3A_1906 = arith.maximumf %max3A_1893, %add3A_1904 : vector<128x128xf32>
    %max3A_1907 = arith.maximumf %max3A_1894, %min3A_1905 : vector<128x128xf32>
    %get3A_1908 = arith.constant 147 : index
    %get3A_1909 = arith.constant 0 : index
    %get3A_1910 = arith.constant 0 : index
    %get3A_1911 = vector.load %arg3[%get3A_1908, %get3A_1909, %get3A_1910] : memref<256x128x128xf32, #tpu.memory_space<vmem>>, vector<1x128x128xf32>
    %get3A_1912 = vector.shape_cast %get3A_1911 : vector<1x128x128xf32> to vector<128x128xf32>
    %get3A_1913 = arith.constant 147 : index
    %get3A_1914 = arith.constant 0 : index
    %get3A_1915 = vector.load %arg2[%get3A_1913, %get3A_1914] : memref<256x128xf32, #tpu.memory_space<vmem>>, vector<1x128xf32>
    %add3A_1916 = vector.broadcast %get3A_1915 : vector<1x128xf32> to vector<128x128xf32>
    %add3A_1917 = arith.addf %get3A_1912, %add3A_1916 : vector<128x128xf32>
    %min3A_1918 = arith.minimumf %max3A_1906, %add3A_1917 : vector<128x128xf32>
    %max3A_1919 = arith.maximumf %max3A_1906, %add3A_1917 : vector<128x128xf32>
    %max3A_1920 = arith.maximumf %max3A_1907, %min3A_1918 : vector<128x128xf32>
    %get3A_1921 = arith.constant 148 : index
    %get3A_1922 = arith.constant 0 : index
    %get3A_1923 = arith.constant 0 : index
    %get3A_1924 = vector.load %arg3[%get3A_1921, %get3A_1922, %get3A_1923] : memref<256x128x128xf32, #tpu.memory_space<vmem>>, vector<1x128x128xf32>
    %get3A_1925 = vector.shape_cast %get3A_1924 : vector<1x128x128xf32> to vector<128x128xf32>
    %get3A_1926 = arith.constant 148 : index
    %get3A_1927 = arith.constant 0 : index
    %get3A_1928 = vector.load %arg2[%get3A_1926, %get3A_1927] : memref<256x128xf32, #tpu.memory_space<vmem>>, vector<1x128xf32>
    %add3A_1929 = vector.broadcast %get3A_1928 : vector<1x128xf32> to vector<128x128xf32>
    %add3A_1930 = arith.addf %get3A_1925, %add3A_1929 : vector<128x128xf32>
    %min3A_1931 = arith.minimumf %max3A_1919, %add3A_1930 : vector<128x128xf32>
    %max3A_1932 = arith.maximumf %max3A_1919, %add3A_1930 : vector<128x128xf32>
    %max3A_1933 = arith.maximumf %max3A_1920, %min3A_1931 : vector<128x128xf32>
    %get3A_1934 = arith.constant 149 : index
    %get3A_1935 = arith.constant 0 : index
    %get3A_1936 = arith.constant 0 : index
    %get3A_1937 = vector.load %arg3[%get3A_1934, %get3A_1935, %get3A_1936] : memref<256x128x128xf32, #tpu.memory_space<vmem>>, vector<1x128x128xf32>
    %get3A_1938 = vector.shape_cast %get3A_1937 : vector<1x128x128xf32> to vector<128x128xf32>
    %get3A_1939 = arith.constant 149 : index
    %get3A_1940 = arith.constant 0 : index
    %get3A_1941 = vector.load %arg2[%get3A_1939, %get3A_1940] : memref<256x128xf32, #tpu.memory_space<vmem>>, vector<1x128xf32>
    %add3A_1942 = vector.broadcast %get3A_1941 : vector<1x128xf32> to vector<128x128xf32>
    %add3A_1943 = arith.addf %get3A_1938, %add3A_1942 : vector<128x128xf32>
    %min3A_1944 = arith.minimumf %max3A_1932, %add3A_1943 : vector<128x128xf32>
    %max3A_1945 = arith.maximumf %max3A_1932, %add3A_1943 : vector<128x128xf32>
    %max3A_1946 = arith.maximumf %max3A_1933, %min3A_1944 : vector<128x128xf32>
    %get3A_1947 = arith.constant 150 : index
    %get3A_1948 = arith.constant 0 : index
    %get3A_1949 = arith.constant 0 : index
    %get3A_1950 = vector.load %arg3[%get3A_1947, %get3A_1948, %get3A_1949] : memref<256x128x128xf32, #tpu.memory_space<vmem>>, vector<1x128x128xf32>
    %get3A_1951 = vector.shape_cast %get3A_1950 : vector<1x128x128xf32> to vector<128x128xf32>
    %get3A_1952 = arith.constant 150 : index
    %get3A_1953 = arith.constant 0 : index
    %get3A_1954 = vector.load %arg2[%get3A_1952, %get3A_1953] : memref<256x128xf32, #tpu.memory_space<vmem>>, vector<1x128xf32>
    %add3A_1955 = vector.broadcast %get3A_1954 : vector<1x128xf32> to vector<128x128xf32>
    %add3A_1956 = arith.addf %get3A_1951, %add3A_1955 : vector<128x128xf32>
    %min3A_1957 = arith.minimumf %max3A_1945, %add3A_1956 : vector<128x128xf32>
    %max3A_1958 = arith.maximumf %max3A_1945, %add3A_1956 : vector<128x128xf32>
    %max3A_1959 = arith.maximumf %max3A_1946, %min3A_1957 : vector<128x128xf32>
    %get3A_1960 = arith.constant 151 : index
    %get3A_1961 = arith.constant 0 : index
    %get3A_1962 = arith.constant 0 : index
    %get3A_1963 = vector.load %arg3[%get3A_1960, %get3A_1961, %get3A_1962] : memref<256x128x128xf32, #tpu.memory_space<vmem>>, vector<1x128x128xf32>
    %get3A_1964 = vector.shape_cast %get3A_1963 : vector<1x128x128xf32> to vector<128x128xf32>
    %get3A_1965 = arith.constant 151 : index
    %get3A_1966 = arith.constant 0 : index
    %get3A_1967 = vector.load %arg2[%get3A_1965, %get3A_1966] : memref<256x128xf32, #tpu.memory_space<vmem>>, vector<1x128xf32>
    %add3A_1968 = vector.broadcast %get3A_1967 : vector<1x128xf32> to vector<128x128xf32>
    %add3A_1969 = arith.addf %get3A_1964, %add3A_1968 : vector<128x128xf32>
    %min3A_1970 = arith.minimumf %max3A_1958, %add3A_1969 : vector<128x128xf32>
    %max3A_1971 = arith.maximumf %max3A_1958, %add3A_1969 : vector<128x128xf32>
    %max3A_1972 = arith.maximumf %max3A_1959, %min3A_1970 : vector<128x128xf32>
    %get3A_1973 = arith.constant 152 : index
    %get3A_1974 = arith.constant 0 : index
    %get3A_1975 = arith.constant 0 : index
    %get3A_1976 = vector.load %arg3[%get3A_1973, %get3A_1974, %get3A_1975] : memref<256x128x128xf32, #tpu.memory_space<vmem>>, vector<1x128x128xf32>
    %get3A_1977 = vector.shape_cast %get3A_1976 : vector<1x128x128xf32> to vector<128x128xf32>
    %get3A_1978 = arith.constant 152 : index
    %get3A_1979 = arith.constant 0 : index
    %get3A_1980 = vector.load %arg2[%get3A_1978, %get3A_1979] : memref<256x128xf32, #tpu.memory_space<vmem>>, vector<1x128xf32>
    %add3A_1981 = vector.broadcast %get3A_1980 : vector<1x128xf32> to vector<128x128xf32>
    %add3A_1982 = arith.addf %get3A_1977, %add3A_1981 : vector<128x128xf32>
    %min3A_1983 = arith.minimumf %max3A_1971, %add3A_1982 : vector<128x128xf32>
    %max3A_1984 = arith.maximumf %max3A_1971, %add3A_1982 : vector<128x128xf32>
    %max3A_1985 = arith.maximumf %max3A_1972, %min3A_1983 : vector<128x128xf32>
    %get3A_1986 = arith.constant 153 : index
    %get3A_1987 = arith.constant 0 : index
    %get3A_1988 = arith.constant 0 : index
    %get3A_1989 = vector.load %arg3[%get3A_1986, %get3A_1987, %get3A_1988] : memref<256x128x128xf32, #tpu.memory_space<vmem>>, vector<1x128x128xf32>
    %get3A_1990 = vector.shape_cast %get3A_1989 : vector<1x128x128xf32> to vector<128x128xf32>
    %get3A_1991 = arith.constant 153 : index
    %get3A_1992 = arith.constant 0 : index
    %get3A_1993 = vector.load %arg2[%get3A_1991, %get3A_1992] : memref<256x128xf32, #tpu.memory_space<vmem>>, vector<1x128xf32>
    %add3A_1994 = vector.broadcast %get3A_1993 : vector<1x128xf32> to vector<128x128xf32>
    %add3A_1995 = arith.addf %get3A_1990, %add3A_1994 : vector<128x128xf32>
    %min3A_1996 = arith.minimumf %max3A_1984, %add3A_1995 : vector<128x128xf32>
    %max3A_1997 = arith.maximumf %max3A_1984, %add3A_1995 : vector<128x128xf32>
    %max3A_1998 = arith.maximumf %max3A_1985, %min3A_1996 : vector<128x128xf32>
    %get3A_1999 = arith.constant 154 : index
    %get3A_2000 = arith.constant 0 : index
    %get3A_2001 = arith.constant 0 : index
    %get3A_2002 = vector.load %arg3[%get3A_1999, %get3A_2000, %get3A_2001] : memref<256x128x128xf32, #tpu.memory_space<vmem>>, vector<1x128x128xf32>
    %get3A_2003 = vector.shape_cast %get3A_2002 : vector<1x128x128xf32> to vector<128x128xf32>
    %get3A_2004 = arith.constant 154 : index
    %get3A_2005 = arith.constant 0 : index
    %get3A_2006 = vector.load %arg2[%get3A_2004, %get3A_2005] : memref<256x128xf32, #tpu.memory_space<vmem>>, vector<1x128xf32>
    %add3A_2007 = vector.broadcast %get3A_2006 : vector<1x128xf32> to vector<128x128xf32>
    %add3A_2008 = arith.addf %get3A_2003, %add3A_2007 : vector<128x128xf32>
    %min3A_2009 = arith.minimumf %max3A_1997, %add3A_2008 : vector<128x128xf32>
    %max3A_2010 = arith.maximumf %max3A_1997, %add3A_2008 : vector<128x128xf32>
    %max3A_2011 = arith.maximumf %max3A_1998, %min3A_2009 : vector<128x128xf32>
    %get3A_2012 = arith.constant 155 : index
    %get3A_2013 = arith.constant 0 : index
    %get3A_2014 = arith.constant 0 : index
    %get3A_2015 = vector.load %arg3[%get3A_2012, %get3A_2013, %get3A_2014] : memref<256x128x128xf32, #tpu.memory_space<vmem>>, vector<1x128x128xf32>
    %get3A_2016 = vector.shape_cast %get3A_2015 : vector<1x128x128xf32> to vector<128x128xf32>
    %get3A_2017 = arith.constant 155 : index
    %get3A_2018 = arith.constant 0 : index
    %get3A_2019 = vector.load %arg2[%get3A_2017, %get3A_2018] : memref<256x128xf32, #tpu.memory_space<vmem>>, vector<1x128xf32>
    %add3A_2020 = vector.broadcast %get3A_2019 : vector<1x128xf32> to vector<128x128xf32>
    %add3A_2021 = arith.addf %get3A_2016, %add3A_2020 : vector<128x128xf32>
    %min3A_2022 = arith.minimumf %max3A_2010, %add3A_2021 : vector<128x128xf32>
    %max3A_2023 = arith.maximumf %max3A_2010, %add3A_2021 : vector<128x128xf32>
    %max3A_2024 = arith.maximumf %max3A_2011, %min3A_2022 : vector<128x128xf32>
    %get3A_2025 = arith.constant 156 : index
    %get3A_2026 = arith.constant 0 : index
    %get3A_2027 = arith.constant 0 : index
    %get3A_2028 = vector.load %arg3[%get3A_2025, %get3A_2026, %get3A_2027] : memref<256x128x128xf32, #tpu.memory_space<vmem>>, vector<1x128x128xf32>
    %get3A_2029 = vector.shape_cast %get3A_2028 : vector<1x128x128xf32> to vector<128x128xf32>
    %get3A_2030 = arith.constant 156 : index
    %get3A_2031 = arith.constant 0 : index
    %get3A_2032 = vector.load %arg2[%get3A_2030, %get3A_2031] : memref<256x128xf32, #tpu.memory_space<vmem>>, vector<1x128xf32>
    %add3A_2033 = vector.broadcast %get3A_2032 : vector<1x128xf32> to vector<128x128xf32>
    %add3A_2034 = arith.addf %get3A_2029, %add3A_2033 : vector<128x128xf32>
    %min3A_2035 = arith.minimumf %max3A_2023, %add3A_2034 : vector<128x128xf32>
    %max3A_2036 = arith.maximumf %max3A_2023, %add3A_2034 : vector<128x128xf32>
    %max3A_2037 = arith.maximumf %max3A_2024, %min3A_2035 : vector<128x128xf32>
    %get3A_2038 = arith.constant 157 : index
    %get3A_2039 = arith.constant 0 : index
    %get3A_2040 = arith.constant 0 : index
    %get3A_2041 = vector.load %arg3[%get3A_2038, %get3A_2039, %get3A_2040] : memref<256x128x128xf32, #tpu.memory_space<vmem>>, vector<1x128x128xf32>
    %get3A_2042 = vector.shape_cast %get3A_2041 : vector<1x128x128xf32> to vector<128x128xf32>
    %get3A_2043 = arith.constant 157 : index
    %get3A_2044 = arith.constant 0 : index
    %get3A_2045 = vector.load %arg2[%get3A_2043, %get3A_2044] : memref<256x128xf32, #tpu.memory_space<vmem>>, vector<1x128xf32>
    %add3A_2046 = vector.broadcast %get3A_2045 : vector<1x128xf32> to vector<128x128xf32>
    %add3A_2047 = arith.addf %get3A_2042, %add3A_2046 : vector<128x128xf32>
    %min3A_2048 = arith.minimumf %max3A_2036, %add3A_2047 : vector<128x128xf32>
    %max3A_2049 = arith.maximumf %max3A_2036, %add3A_2047 : vector<128x128xf32>
    %max3A_2050 = arith.maximumf %max3A_2037, %min3A_2048 : vector<128x128xf32>
    %get3A_2051 = arith.constant 158 : index
    %get3A_2052 = arith.constant 0 : index
    %get3A_2053 = arith.constant 0 : index
    %get3A_2054 = vector.load %arg3[%get3A_2051, %get3A_2052, %get3A_2053] : memref<256x128x128xf32, #tpu.memory_space<vmem>>, vector<1x128x128xf32>
    %get3A_2055 = vector.shape_cast %get3A_2054 : vector<1x128x128xf32> to vector<128x128xf32>
    %get3A_2056 = arith.constant 158 : index
    %get3A_2057 = arith.constant 0 : index
    %get3A_2058 = vector.load %arg2[%get3A_2056, %get3A_2057] : memref<256x128xf32, #tpu.memory_space<vmem>>, vector<1x128xf32>
    %add3A_2059 = vector.broadcast %get3A_2058 : vector<1x128xf32> to vector<128x128xf32>
    %add3A_2060 = arith.addf %get3A_2055, %add3A_2059 : vector<128x128xf32>
    %min3A_2061 = arith.minimumf %max3A_2049, %add3A_2060 : vector<128x128xf32>
    %max3A_2062 = arith.maximumf %max3A_2049, %add3A_2060 : vector<128x128xf32>
    %max3A_2063 = arith.maximumf %max3A_2050, %min3A_2061 : vector<128x128xf32>
    %get3A_2064 = arith.constant 159 : index
    %get3A_2065 = arith.constant 0 : index
    %get3A_2066 = arith.constant 0 : index
    %get3A_2067 = vector.load %arg3[%get3A_2064, %get3A_2065, %get3A_2066] : memref<256x128x128xf32, #tpu.memory_space<vmem>>, vector<1x128x128xf32>
    %get3A_2068 = vector.shape_cast %get3A_2067 : vector<1x128x128xf32> to vector<128x128xf32>
    %get3A_2069 = arith.constant 159 : index
    %get3A_2070 = arith.constant 0 : index
    %get3A_2071 = vector.load %arg2[%get3A_2069, %get3A_2070] : memref<256x128xf32, #tpu.memory_space<vmem>>, vector<1x128xf32>
    %add3A_2072 = vector.broadcast %get3A_2071 : vector<1x128xf32> to vector<128x128xf32>
    %add3A_2073 = arith.addf %get3A_2068, %add3A_2072 : vector<128x128xf32>
    %min3A_2074 = arith.minimumf %max3A_2062, %add3A_2073 : vector<128x128xf32>
    %max3A_2075 = arith.maximumf %max3A_2062, %add3A_2073 : vector<128x128xf32>
    %max3A_2076 = arith.maximumf %max3A_2063, %min3A_2074 : vector<128x128xf32>
    %get3A_2077 = arith.constant 160 : index
    %get3A_2078 = arith.constant 0 : index
    %get3A_2079 = arith.constant 0 : index
    %get3A_2080 = vector.load %arg3[%get3A_2077, %get3A_2078, %get3A_2079] : memref<256x128x128xf32, #tpu.memory_space<vmem>>, vector<1x128x128xf32>
    %get3A_2081 = vector.shape_cast %get3A_2080 : vector<1x128x128xf32> to vector<128x128xf32>
    %get3A_2082 = arith.constant 160 : index
    %get3A_2083 = arith.constant 0 : index
    %get3A_2084 = vector.load %arg2[%get3A_2082, %get3A_2083] : memref<256x128xf32, #tpu.memory_space<vmem>>, vector<1x128xf32>
    %add3A_2085 = vector.broadcast %get3A_2084 : vector<1x128xf32> to vector<128x128xf32>
    %add3A_2086 = arith.addf %get3A_2081, %add3A_2085 : vector<128x128xf32>
    %min3A_2087 = arith.minimumf %max3A_2075, %add3A_2086 : vector<128x128xf32>
    %max3A_2088 = arith.maximumf %max3A_2075, %add3A_2086 : vector<128x128xf32>
    %max3A_2089 = arith.maximumf %max3A_2076, %min3A_2087 : vector<128x128xf32>
    %get3A_2090 = arith.constant 161 : index
    %get3A_2091 = arith.constant 0 : index
    %get3A_2092 = arith.constant 0 : index
    %get3A_2093 = vector.load %arg3[%get3A_2090, %get3A_2091, %get3A_2092] : memref<256x128x128xf32, #tpu.memory_space<vmem>>, vector<1x128x128xf32>
    %get3A_2094 = vector.shape_cast %get3A_2093 : vector<1x128x128xf32> to vector<128x128xf32>
    %get3A_2095 = arith.constant 161 : index
    %get3A_2096 = arith.constant 0 : index
    %get3A_2097 = vector.load %arg2[%get3A_2095, %get3A_2096] : memref<256x128xf32, #tpu.memory_space<vmem>>, vector<1x128xf32>
    %add3A_2098 = vector.broadcast %get3A_2097 : vector<1x128xf32> to vector<128x128xf32>
    %add3A_2099 = arith.addf %get3A_2094, %add3A_2098 : vector<128x128xf32>
    %min3A_2100 = arith.minimumf %max3A_2088, %add3A_2099 : vector<128x128xf32>
    %max3A_2101 = arith.maximumf %max3A_2088, %add3A_2099 : vector<128x128xf32>
    %max3A_2102 = arith.maximumf %max3A_2089, %min3A_2100 : vector<128x128xf32>
    %get3A_2103 = arith.constant 162 : index
    %get3A_2104 = arith.constant 0 : index
    %get3A_2105 = arith.constant 0 : index
    %get3A_2106 = vector.load %arg3[%get3A_2103, %get3A_2104, %get3A_2105] : memref<256x128x128xf32, #tpu.memory_space<vmem>>, vector<1x128x128xf32>
    %get3A_2107 = vector.shape_cast %get3A_2106 : vector<1x128x128xf32> to vector<128x128xf32>
    %get3A_2108 = arith.constant 162 : index
    %get3A_2109 = arith.constant 0 : index
    %get3A_2110 = vector.load %arg2[%get3A_2108, %get3A_2109] : memref<256x128xf32, #tpu.memory_space<vmem>>, vector<1x128xf32>
    %add3A_2111 = vector.broadcast %get3A_2110 : vector<1x128xf32> to vector<128x128xf32>
    %add3A_2112 = arith.addf %get3A_2107, %add3A_2111 : vector<128x128xf32>
    %min3A_2113 = arith.minimumf %max3A_2101, %add3A_2112 : vector<128x128xf32>
    %max3A_2114 = arith.maximumf %max3A_2101, %add3A_2112 : vector<128x128xf32>
    %max3A_2115 = arith.maximumf %max3A_2102, %min3A_2113 : vector<128x128xf32>
    %get3A_2116 = arith.constant 163 : index
    %get3A_2117 = arith.constant 0 : index
    %get3A_2118 = arith.constant 0 : index
    %get3A_2119 = vector.load %arg3[%get3A_2116, %get3A_2117, %get3A_2118] : memref<256x128x128xf32, #tpu.memory_space<vmem>>, vector<1x128x128xf32>
    %get3A_2120 = vector.shape_cast %get3A_2119 : vector<1x128x128xf32> to vector<128x128xf32>
    %get3A_2121 = arith.constant 163 : index
    %get3A_2122 = arith.constant 0 : index
    %get3A_2123 = vector.load %arg2[%get3A_2121, %get3A_2122] : memref<256x128xf32, #tpu.memory_space<vmem>>, vector<1x128xf32>
    %add3A_2124 = vector.broadcast %get3A_2123 : vector<1x128xf32> to vector<128x128xf32>
    %add3A_2125 = arith.addf %get3A_2120, %add3A_2124 : vector<128x128xf32>
    %min3A_2126 = arith.minimumf %max3A_2114, %add3A_2125 : vector<128x128xf32>
    %max3A_2127 = arith.maximumf %max3A_2114, %add3A_2125 : vector<128x128xf32>
    %max3A_2128 = arith.maximumf %max3A_2115, %min3A_2126 : vector<128x128xf32>
    %get3A_2129 = arith.constant 164 : index
    %get3A_2130 = arith.constant 0 : index
    %get3A_2131 = arith.constant 0 : index
    %get3A_2132 = vector.load %arg3[%get3A_2129, %get3A_2130, %get3A_2131] : memref<256x128x128xf32, #tpu.memory_space<vmem>>, vector<1x128x128xf32>
    %get3A_2133 = vector.shape_cast %get3A_2132 : vector<1x128x128xf32> to vector<128x128xf32>
    %get3A_2134 = arith.constant 164 : index
    %get3A_2135 = arith.constant 0 : index
    %get3A_2136 = vector.load %arg2[%get3A_2134, %get3A_2135] : memref<256x128xf32, #tpu.memory_space<vmem>>, vector<1x128xf32>
    %add3A_2137 = vector.broadcast %get3A_2136 : vector<1x128xf32> to vector<128x128xf32>
    %add3A_2138 = arith.addf %get3A_2133, %add3A_2137 : vector<128x128xf32>
    %min3A_2139 = arith.minimumf %max3A_2127, %add3A_2138 : vector<128x128xf32>
    %max3A_2140 = arith.maximumf %max3A_2127, %add3A_2138 : vector<128x128xf32>
    %max3A_2141 = arith.maximumf %max3A_2128, %min3A_2139 : vector<128x128xf32>
    %get3A_2142 = arith.constant 165 : index
    %get3A_2143 = arith.constant 0 : index
    %get3A_2144 = arith.constant 0 : index
    %get3A_2145 = vector.load %arg3[%get3A_2142, %get3A_2143, %get3A_2144] : memref<256x128x128xf32, #tpu.memory_space<vmem>>, vector<1x128x128xf32>
    %get3A_2146 = vector.shape_cast %get3A_2145 : vector<1x128x128xf32> to vector<128x128xf32>
    %get3A_2147 = arith.constant 165 : index
    %get3A_2148 = arith.constant 0 : index
    %get3A_2149 = vector.load %arg2[%get3A_2147, %get3A_2148] : memref<256x128xf32, #tpu.memory_space<vmem>>, vector<1x128xf32>
    %add3A_2150 = vector.broadcast %get3A_2149 : vector<1x128xf32> to vector<128x128xf32>
    %add3A_2151 = arith.addf %get3A_2146, %add3A_2150 : vector<128x128xf32>
    %min3A_2152 = arith.minimumf %max3A_2140, %add3A_2151 : vector<128x128xf32>
    %max3A_2153 = arith.maximumf %max3A_2140, %add3A_2151 : vector<128x128xf32>
    %max3A_2154 = arith.maximumf %max3A_2141, %min3A_2152 : vector<128x128xf32>
    %get3A_2155 = arith.constant 166 : index
    %get3A_2156 = arith.constant 0 : index
    %get3A_2157 = arith.constant 0 : index
    %get3A_2158 = vector.load %arg3[%get3A_2155, %get3A_2156, %get3A_2157] : memref<256x128x128xf32, #tpu.memory_space<vmem>>, vector<1x128x128xf32>
    %get3A_2159 = vector.shape_cast %get3A_2158 : vector<1x128x128xf32> to vector<128x128xf32>
    %get3A_2160 = arith.constant 166 : index
    %get3A_2161 = arith.constant 0 : index
    %get3A_2162 = vector.load %arg2[%get3A_2160, %get3A_2161] : memref<256x128xf32, #tpu.memory_space<vmem>>, vector<1x128xf32>
    %add3A_2163 = vector.broadcast %get3A_2162 : vector<1x128xf32> to vector<128x128xf32>
    %add3A_2164 = arith.addf %get3A_2159, %add3A_2163 : vector<128x128xf32>
    %min3A_2165 = arith.minimumf %max3A_2153, %add3A_2164 : vector<128x128xf32>
    %max3A_2166 = arith.maximumf %max3A_2153, %add3A_2164 : vector<128x128xf32>
    %max3A_2167 = arith.maximumf %max3A_2154, %min3A_2165 : vector<128x128xf32>
    %get3A_2168 = arith.constant 167 : index
    %get3A_2169 = arith.constant 0 : index
    %get3A_2170 = arith.constant 0 : index
    %get3A_2171 = vector.load %arg3[%get3A_2168, %get3A_2169, %get3A_2170] : memref<256x128x128xf32, #tpu.memory_space<vmem>>, vector<1x128x128xf32>
    %get3A_2172 = vector.shape_cast %get3A_2171 : vector<1x128x128xf32> to vector<128x128xf32>
    %get3A_2173 = arith.constant 167 : index
    %get3A_2174 = arith.constant 0 : index
    %get3A_2175 = vector.load %arg2[%get3A_2173, %get3A_2174] : memref<256x128xf32, #tpu.memory_space<vmem>>, vector<1x128xf32>
    %add3A_2176 = vector.broadcast %get3A_2175 : vector<1x128xf32> to vector<128x128xf32>
    %add3A_2177 = arith.addf %get3A_2172, %add3A_2176 : vector<128x128xf32>
    %min3A_2178 = arith.minimumf %max3A_2166, %add3A_2177 : vector<128x128xf32>
    %max3A_2179 = arith.maximumf %max3A_2166, %add3A_2177 : vector<128x128xf32>
    %max3A_2180 = arith.maximumf %max3A_2167, %min3A_2178 : vector<128x128xf32>
    %get3A_2181 = arith.constant 168 : index
    %get3A_2182 = arith.constant 0 : index
    %get3A_2183 = arith.constant 0 : index
    %get3A_2184 = vector.load %arg3[%get3A_2181, %get3A_2182, %get3A_2183] : memref<256x128x128xf32, #tpu.memory_space<vmem>>, vector<1x128x128xf32>
    %get3A_2185 = vector.shape_cast %get3A_2184 : vector<1x128x128xf32> to vector<128x128xf32>
    %get3A_2186 = arith.constant 168 : index
    %get3A_2187 = arith.constant 0 : index
    %get3A_2188 = vector.load %arg2[%get3A_2186, %get3A_2187] : memref<256x128xf32, #tpu.memory_space<vmem>>, vector<1x128xf32>
    %add3A_2189 = vector.broadcast %get3A_2188 : vector<1x128xf32> to vector<128x128xf32>
    %add3A_2190 = arith.addf %get3A_2185, %add3A_2189 : vector<128x128xf32>
    %min3A_2191 = arith.minimumf %max3A_2179, %add3A_2190 : vector<128x128xf32>
    %max3A_2192 = arith.maximumf %max3A_2179, %add3A_2190 : vector<128x128xf32>
    %max3A_2193 = arith.maximumf %max3A_2180, %min3A_2191 : vector<128x128xf32>
    %get3A_2194 = arith.constant 169 : index
    %get3A_2195 = arith.constant 0 : index
    %get3A_2196 = arith.constant 0 : index
    %get3A_2197 = vector.load %arg3[%get3A_2194, %get3A_2195, %get3A_2196] : memref<256x128x128xf32, #tpu.memory_space<vmem>>, vector<1x128x128xf32>
    %get3A_2198 = vector.shape_cast %get3A_2197 : vector<1x128x128xf32> to vector<128x128xf32>
    %get3A_2199 = arith.constant 169 : index
    %get3A_2200 = arith.constant 0 : index
    %get3A_2201 = vector.load %arg2[%get3A_2199, %get3A_2200] : memref<256x128xf32, #tpu.memory_space<vmem>>, vector<1x128xf32>
    %add3A_2202 = vector.broadcast %get3A_2201 : vector<1x128xf32> to vector<128x128xf32>
    %add3A_2203 = arith.addf %get3A_2198, %add3A_2202 : vector<128x128xf32>
    %min3A_2204 = arith.minimumf %max3A_2192, %add3A_2203 : vector<128x128xf32>
    %max3A_2205 = arith.maximumf %max3A_2192, %add3A_2203 : vector<128x128xf32>
    %max3A_2206 = arith.maximumf %max3A_2193, %min3A_2204 : vector<128x128xf32>
    %get3A_2207 = arith.constant 170 : index
    %get3A_2208 = arith.constant 0 : index
    %get3A_2209 = arith.constant 0 : index
    %get3A_2210 = vector.load %arg3[%get3A_2207, %get3A_2208, %get3A_2209] : memref<256x128x128xf32, #tpu.memory_space<vmem>>, vector<1x128x128xf32>
    %get3A_2211 = vector.shape_cast %get3A_2210 : vector<1x128x128xf32> to vector<128x128xf32>
    %get3A_2212 = arith.constant 170 : index
    %get3A_2213 = arith.constant 0 : index
    %get3A_2214 = vector.load %arg2[%get3A_2212, %get3A_2213] : memref<256x128xf32, #tpu.memory_space<vmem>>, vector<1x128xf32>
    %add3A_2215 = vector.broadcast %get3A_2214 : vector<1x128xf32> to vector<128x128xf32>
    %add3A_2216 = arith.addf %get3A_2211, %add3A_2215 : vector<128x128xf32>
    %min3A_2217 = arith.minimumf %max3A_2205, %add3A_2216 : vector<128x128xf32>
    %max3A_2218 = arith.maximumf %max3A_2205, %add3A_2216 : vector<128x128xf32>
    %max3A_2219 = arith.maximumf %max3A_2206, %min3A_2217 : vector<128x128xf32>
    %get3A_2220 = arith.constant 171 : index
    %get3A_2221 = arith.constant 0 : index
    %get3A_2222 = arith.constant 0 : index
    %get3A_2223 = vector.load %arg3[%get3A_2220, %get3A_2221, %get3A_2222] : memref<256x128x128xf32, #tpu.memory_space<vmem>>, vector<1x128x128xf32>
    %get3A_2224 = vector.shape_cast %get3A_2223 : vector<1x128x128xf32> to vector<128x128xf32>
    %get3A_2225 = arith.constant 171 : index
    %get3A_2226 = arith.constant 0 : index
    %get3A_2227 = vector.load %arg2[%get3A_2225, %get3A_2226] : memref<256x128xf32, #tpu.memory_space<vmem>>, vector<1x128xf32>
    %add3A_2228 = vector.broadcast %get3A_2227 : vector<1x128xf32> to vector<128x128xf32>
    %add3A_2229 = arith.addf %get3A_2224, %add3A_2228 : vector<128x128xf32>
    %min3A_2230 = arith.minimumf %max3A_2218, %add3A_2229 : vector<128x128xf32>
    %max3A_2231 = arith.maximumf %max3A_2218, %add3A_2229 : vector<128x128xf32>
    %max3A_2232 = arith.maximumf %max3A_2219, %min3A_2230 : vector<128x128xf32>
    %get3A_2233 = arith.constant 172 : index
    %get3A_2234 = arith.constant 0 : index
    %get3A_2235 = arith.constant 0 : index
    %get3A_2236 = vector.load %arg3[%get3A_2233, %get3A_2234, %get3A_2235] : memref<256x128x128xf32, #tpu.memory_space<vmem>>, vector<1x128x128xf32>
    %get3A_2237 = vector.shape_cast %get3A_2236 : vector<1x128x128xf32> to vector<128x128xf32>
    %get3A_2238 = arith.constant 172 : index
    %get3A_2239 = arith.constant 0 : index
    %get3A_2240 = vector.load %arg2[%get3A_2238, %get3A_2239] : memref<256x128xf32, #tpu.memory_space<vmem>>, vector<1x128xf32>
    %add3A_2241 = vector.broadcast %get3A_2240 : vector<1x128xf32> to vector<128x128xf32>
    %add3A_2242 = arith.addf %get3A_2237, %add3A_2241 : vector<128x128xf32>
    %min3A_2243 = arith.minimumf %max3A_2231, %add3A_2242 : vector<128x128xf32>
    %max3A_2244 = arith.maximumf %max3A_2231, %add3A_2242 : vector<128x128xf32>
    %max3A_2245 = arith.maximumf %max3A_2232, %min3A_2243 : vector<128x128xf32>
    %get3A_2246 = arith.constant 173 : index
    %get3A_2247 = arith.constant 0 : index
    %get3A_2248 = arith.constant 0 : index
    %get3A_2249 = vector.load %arg3[%get3A_2246, %get3A_2247, %get3A_2248] : memref<256x128x128xf32, #tpu.memory_space<vmem>>, vector<1x128x128xf32>
    %get3A_2250 = vector.shape_cast %get3A_2249 : vector<1x128x128xf32> to vector<128x128xf32>
    %get3A_2251 = arith.constant 173 : index
    %get3A_2252 = arith.constant 0 : index
    %get3A_2253 = vector.load %arg2[%get3A_2251, %get3A_2252] : memref<256x128xf32, #tpu.memory_space<vmem>>, vector<1x128xf32>
    %add3A_2254 = vector.broadcast %get3A_2253 : vector<1x128xf32> to vector<128x128xf32>
    %add3A_2255 = arith.addf %get3A_2250, %add3A_2254 : vector<128x128xf32>
    %min3A_2256 = arith.minimumf %max3A_2244, %add3A_2255 : vector<128x128xf32>
    %max3A_2257 = arith.maximumf %max3A_2244, %add3A_2255 : vector<128x128xf32>
    %max3A_2258 = arith.maximumf %max3A_2245, %min3A_2256 : vector<128x128xf32>
    %get3A_2259 = arith.constant 174 : index
    %get3A_2260 = arith.constant 0 : index
    %get3A_2261 = arith.constant 0 : index
    %get3A_2262 = vector.load %arg3[%get3A_2259, %get3A_2260, %get3A_2261] : memref<256x128x128xf32, #tpu.memory_space<vmem>>, vector<1x128x128xf32>
    %get3A_2263 = vector.shape_cast %get3A_2262 : vector<1x128x128xf32> to vector<128x128xf32>
    %get3A_2264 = arith.constant 174 : index
    %get3A_2265 = arith.constant 0 : index
    %get3A_2266 = vector.load %arg2[%get3A_2264, %get3A_2265] : memref<256x128xf32, #tpu.memory_space<vmem>>, vector<1x128xf32>
    %add3A_2267 = vector.broadcast %get3A_2266 : vector<1x128xf32> to vector<128x128xf32>
    %add3A_2268 = arith.addf %get3A_2263, %add3A_2267 : vector<128x128xf32>
    %min3A_2269 = arith.minimumf %max3A_2257, %add3A_2268 : vector<128x128xf32>
    %max3A_2270 = arith.maximumf %max3A_2257, %add3A_2268 : vector<128x128xf32>
    %max3A_2271 = arith.maximumf %max3A_2258, %min3A_2269 : vector<128x128xf32>
    %get3A_2272 = arith.constant 175 : index
    %get3A_2273 = arith.constant 0 : index
    %get3A_2274 = arith.constant 0 : index
    %get3A_2275 = vector.load %arg3[%get3A_2272, %get3A_2273, %get3A_2274] : memref<256x128x128xf32, #tpu.memory_space<vmem>>, vector<1x128x128xf32>
    %get3A_2276 = vector.shape_cast %get3A_2275 : vector<1x128x128xf32> to vector<128x128xf32>
    %get3A_2277 = arith.constant 175 : index
    %get3A_2278 = arith.constant 0 : index
    %get3A_2279 = vector.load %arg2[%get3A_2277, %get3A_2278] : memref<256x128xf32, #tpu.memory_space<vmem>>, vector<1x128xf32>
    %add3A_2280 = vector.broadcast %get3A_2279 : vector<1x128xf32> to vector<128x128xf32>
    %add3A_2281 = arith.addf %get3A_2276, %add3A_2280 : vector<128x128xf32>
    %min3A_2282 = arith.minimumf %max3A_2270, %add3A_2281 : vector<128x128xf32>
    %max3A_2283 = arith.maximumf %max3A_2270, %add3A_2281 : vector<128x128xf32>
    %max3A_2284 = arith.maximumf %max3A_2271, %min3A_2282 : vector<128x128xf32>
    %get3A_2285 = arith.constant 176 : index
    %get3A_2286 = arith.constant 0 : index
    %get3A_2287 = arith.constant 0 : index
    %get3A_2288 = vector.load %arg3[%get3A_2285, %get3A_2286, %get3A_2287] : memref<256x128x128xf32, #tpu.memory_space<vmem>>, vector<1x128x128xf32>
    %get3A_2289 = vector.shape_cast %get3A_2288 : vector<1x128x128xf32> to vector<128x128xf32>
    %get3A_2290 = arith.constant 176 : index
    %get3A_2291 = arith.constant 0 : index
    %get3A_2292 = vector.load %arg2[%get3A_2290, %get3A_2291] : memref<256x128xf32, #tpu.memory_space<vmem>>, vector<1x128xf32>
    %add3A_2293 = vector.broadcast %get3A_2292 : vector<1x128xf32> to vector<128x128xf32>
    %add3A_2294 = arith.addf %get3A_2289, %add3A_2293 : vector<128x128xf32>
    %min3A_2295 = arith.minimumf %max3A_2283, %add3A_2294 : vector<128x128xf32>
    %max3A_2296 = arith.maximumf %max3A_2283, %add3A_2294 : vector<128x128xf32>
    %max3A_2297 = arith.maximumf %max3A_2284, %min3A_2295 : vector<128x128xf32>
    %get3A_2298 = arith.constant 177 : index
    %get3A_2299 = arith.constant 0 : index
    %get3A_2300 = arith.constant 0 : index
    %get3A_2301 = vector.load %arg3[%get3A_2298, %get3A_2299, %get3A_2300] : memref<256x128x128xf32, #tpu.memory_space<vmem>>, vector<1x128x128xf32>
    %get3A_2302 = vector.shape_cast %get3A_2301 : vector<1x128x128xf32> to vector<128x128xf32>
    %get3A_2303 = arith.constant 177 : index
    %get3A_2304 = arith.constant 0 : index
    %get3A_2305 = vector.load %arg2[%get3A_2303, %get3A_2304] : memref<256x128xf32, #tpu.memory_space<vmem>>, vector<1x128xf32>
    %add3A_2306 = vector.broadcast %get3A_2305 : vector<1x128xf32> to vector<128x128xf32>
    %add3A_2307 = arith.addf %get3A_2302, %add3A_2306 : vector<128x128xf32>
    %min3A_2308 = arith.minimumf %max3A_2296, %add3A_2307 : vector<128x128xf32>
    %max3A_2309 = arith.maximumf %max3A_2296, %add3A_2307 : vector<128x128xf32>
    %max3A_2310 = arith.maximumf %max3A_2297, %min3A_2308 : vector<128x128xf32>
    %get3A_2311 = arith.constant 178 : index
    %get3A_2312 = arith.constant 0 : index
    %get3A_2313 = arith.constant 0 : index
    %get3A_2314 = vector.load %arg3[%get3A_2311, %get3A_2312, %get3A_2313] : memref<256x128x128xf32, #tpu.memory_space<vmem>>, vector<1x128x128xf32>
    %get3A_2315 = vector.shape_cast %get3A_2314 : vector<1x128x128xf32> to vector<128x128xf32>
    %get3A_2316 = arith.constant 178 : index
    %get3A_2317 = arith.constant 0 : index
    %get3A_2318 = vector.load %arg2[%get3A_2316, %get3A_2317] : memref<256x128xf32, #tpu.memory_space<vmem>>, vector<1x128xf32>
    %add3A_2319 = vector.broadcast %get3A_2318 : vector<1x128xf32> to vector<128x128xf32>
    %add3A_2320 = arith.addf %get3A_2315, %add3A_2319 : vector<128x128xf32>
    %min3A_2321 = arith.minimumf %max3A_2309, %add3A_2320 : vector<128x128xf32>
    %max3A_2322 = arith.maximumf %max3A_2309, %add3A_2320 : vector<128x128xf32>
    %max3A_2323 = arith.maximumf %max3A_2310, %min3A_2321 : vector<128x128xf32>
    %get3A_2324 = arith.constant 179 : index
    %get3A_2325 = arith.constant 0 : index
    %get3A_2326 = arith.constant 0 : index
    %get3A_2327 = vector.load %arg3[%get3A_2324, %get3A_2325, %get3A_2326] : memref<256x128x128xf32, #tpu.memory_space<vmem>>, vector<1x128x128xf32>
    %get3A_2328 = vector.shape_cast %get3A_2327 : vector<1x128x128xf32> to vector<128x128xf32>
    %get3A_2329 = arith.constant 179 : index
    %get3A_2330 = arith.constant 0 : index
    %get3A_2331 = vector.load %arg2[%get3A_2329, %get3A_2330] : memref<256x128xf32, #tpu.memory_space<vmem>>, vector<1x128xf32>
    %add3A_2332 = vector.broadcast %get3A_2331 : vector<1x128xf32> to vector<128x128xf32>
    %add3A_2333 = arith.addf %get3A_2328, %add3A_2332 : vector<128x128xf32>
    %min3A_2334 = arith.minimumf %max3A_2322, %add3A_2333 : vector<128x128xf32>
    %max3A_2335 = arith.maximumf %max3A_2322, %add3A_2333 : vector<128x128xf32>
    %max3A_2336 = arith.maximumf %max3A_2323, %min3A_2334 : vector<128x128xf32>
    %get3A_2337 = arith.constant 180 : index
    %get3A_2338 = arith.constant 0 : index
    %get3A_2339 = arith.constant 0 : index
    %get3A_2340 = vector.load %arg3[%get3A_2337, %get3A_2338, %get3A_2339] : memref<256x128x128xf32, #tpu.memory_space<vmem>>, vector<1x128x128xf32>
    %get3A_2341 = vector.shape_cast %get3A_2340 : vector<1x128x128xf32> to vector<128x128xf32>
    %get3A_2342 = arith.constant 180 : index
    %get3A_2343 = arith.constant 0 : index
    %get3A_2344 = vector.load %arg2[%get3A_2342, %get3A_2343] : memref<256x128xf32, #tpu.memory_space<vmem>>, vector<1x128xf32>
    %add3A_2345 = vector.broadcast %get3A_2344 : vector<1x128xf32> to vector<128x128xf32>
    %add3A_2346 = arith.addf %get3A_2341, %add3A_2345 : vector<128x128xf32>
    %min3A_2347 = arith.minimumf %max3A_2335, %add3A_2346 : vector<128x128xf32>
    %max3A_2348 = arith.maximumf %max3A_2335, %add3A_2346 : vector<128x128xf32>
    %max3A_2349 = arith.maximumf %max3A_2336, %min3A_2347 : vector<128x128xf32>
    %get3A_2350 = arith.constant 181 : index
    %get3A_2351 = arith.constant 0 : index
    %get3A_2352 = arith.constant 0 : index
    %get3A_2353 = vector.load %arg3[%get3A_2350, %get3A_2351, %get3A_2352] : memref<256x128x128xf32, #tpu.memory_space<vmem>>, vector<1x128x128xf32>
    %get3A_2354 = vector.shape_cast %get3A_2353 : vector<1x128x128xf32> to vector<128x128xf32>
    %get3A_2355 = arith.constant 181 : index
    %get3A_2356 = arith.constant 0 : index
    %get3A_2357 = vector.load %arg2[%get3A_2355, %get3A_2356] : memref<256x128xf32, #tpu.memory_space<vmem>>, vector<1x128xf32>
    %add3A_2358 = vector.broadcast %get3A_2357 : vector<1x128xf32> to vector<128x128xf32>
    %add3A_2359 = arith.addf %get3A_2354, %add3A_2358 : vector<128x128xf32>
    %min3A_2360 = arith.minimumf %max3A_2348, %add3A_2359 : vector<128x128xf32>
    %max3A_2361 = arith.maximumf %max3A_2348, %add3A_2359 : vector<128x128xf32>
    %max3A_2362 = arith.maximumf %max3A_2349, %min3A_2360 : vector<128x128xf32>
    %get3A_2363 = arith.constant 182 : index
    %get3A_2364 = arith.constant 0 : index
    %get3A_2365 = arith.constant 0 : index
    %get3A_2366 = vector.load %arg3[%get3A_2363, %get3A_2364, %get3A_2365] : memref<256x128x128xf32, #tpu.memory_space<vmem>>, vector<1x128x128xf32>
    %get3A_2367 = vector.shape_cast %get3A_2366 : vector<1x128x128xf32> to vector<128x128xf32>
    %get3A_2368 = arith.constant 182 : index
    %get3A_2369 = arith.constant 0 : index
    %get3A_2370 = vector.load %arg2[%get3A_2368, %get3A_2369] : memref<256x128xf32, #tpu.memory_space<vmem>>, vector<1x128xf32>
    %add3A_2371 = vector.broadcast %get3A_2370 : vector<1x128xf32> to vector<128x128xf32>
    %add3A_2372 = arith.addf %get3A_2367, %add3A_2371 : vector<128x128xf32>
    %min3A_2373 = arith.minimumf %max3A_2361, %add3A_2372 : vector<128x128xf32>
    %max3A_2374 = arith.maximumf %max3A_2361, %add3A_2372 : vector<128x128xf32>
    %max3A_2375 = arith.maximumf %max3A_2362, %min3A_2373 : vector<128x128xf32>
    %get3A_2376 = arith.constant 183 : index
    %get3A_2377 = arith.constant 0 : index
    %get3A_2378 = arith.constant 0 : index
    %get3A_2379 = vector.load %arg3[%get3A_2376, %get3A_2377, %get3A_2378] : memref<256x128x128xf32, #tpu.memory_space<vmem>>, vector<1x128x128xf32>
    %get3A_2380 = vector.shape_cast %get3A_2379 : vector<1x128x128xf32> to vector<128x128xf32>
    %get3A_2381 = arith.constant 183 : index
    %get3A_2382 = arith.constant 0 : index
    %get3A_2383 = vector.load %arg2[%get3A_2381, %get3A_2382] : memref<256x128xf32, #tpu.memory_space<vmem>>, vector<1x128xf32>
    %add3A_2384 = vector.broadcast %get3A_2383 : vector<1x128xf32> to vector<128x128xf32>
    %add3A_2385 = arith.addf %get3A_2380, %add3A_2384 : vector<128x128xf32>
    %min3A_2386 = arith.minimumf %max3A_2374, %add3A_2385 : vector<128x128xf32>
    %max3A_2387 = arith.maximumf %max3A_2374, %add3A_2385 : vector<128x128xf32>
    %max3A_2388 = arith.maximumf %max3A_2375, %min3A_2386 : vector<128x128xf32>
    %get3A_2389 = arith.constant 184 : index
    %get3A_2390 = arith.constant 0 : index
    %get3A_2391 = arith.constant 0 : index
    %get3A_2392 = vector.load %arg3[%get3A_2389, %get3A_2390, %get3A_2391] : memref<256x128x128xf32, #tpu.memory_space<vmem>>, vector<1x128x128xf32>
    %get3A_2393 = vector.shape_cast %get3A_2392 : vector<1x128x128xf32> to vector<128x128xf32>
    %get3A_2394 = arith.constant 184 : index
    %get3A_2395 = arith.constant 0 : index
    %get3A_2396 = vector.load %arg2[%get3A_2394, %get3A_2395] : memref<256x128xf32, #tpu.memory_space<vmem>>, vector<1x128xf32>
    %add3A_2397 = vector.broadcast %get3A_2396 : vector<1x128xf32> to vector<128x128xf32>
    %add3A_2398 = arith.addf %get3A_2393, %add3A_2397 : vector<128x128xf32>
    %min3A_2399 = arith.minimumf %max3A_2387, %add3A_2398 : vector<128x128xf32>
    %max3A_2400 = arith.maximumf %max3A_2387, %add3A_2398 : vector<128x128xf32>
    %max3A_2401 = arith.maximumf %max3A_2388, %min3A_2399 : vector<128x128xf32>
    %get3A_2402 = arith.constant 185 : index
    %get3A_2403 = arith.constant 0 : index
    %get3A_2404 = arith.constant 0 : index
    %get3A_2405 = vector.load %arg3[%get3A_2402, %get3A_2403, %get3A_2404] : memref<256x128x128xf32, #tpu.memory_space<vmem>>, vector<1x128x128xf32>
    %get3A_2406 = vector.shape_cast %get3A_2405 : vector<1x128x128xf32> to vector<128x128xf32>
    %get3A_2407 = arith.constant 185 : index
    %get3A_2408 = arith.constant 0 : index
    %get3A_2409 = vector.load %arg2[%get3A_2407, %get3A_2408] : memref<256x128xf32, #tpu.memory_space<vmem>>, vector<1x128xf32>
    %add3A_2410 = vector.broadcast %get3A_2409 : vector<1x128xf32> to vector<128x128xf32>
    %add3A_2411 = arith.addf %get3A_2406, %add3A_2410 : vector<128x128xf32>
    %min3A_2412 = arith.minimumf %max3A_2400, %add3A_2411 : vector<128x128xf32>
    %max3A_2413 = arith.maximumf %max3A_2400, %add3A_2411 : vector<128x128xf32>
    %max3A_2414 = arith.maximumf %max3A_2401, %min3A_2412 : vector<128x128xf32>
    %get3A_2415 = arith.constant 186 : index
    %get3A_2416 = arith.constant 0 : index
    %get3A_2417 = arith.constant 0 : index
    %get3A_2418 = vector.load %arg3[%get3A_2415, %get3A_2416, %get3A_2417] : memref<256x128x128xf32, #tpu.memory_space<vmem>>, vector<1x128x128xf32>
    %get3A_2419 = vector.shape_cast %get3A_2418 : vector<1x128x128xf32> to vector<128x128xf32>
    %get3A_2420 = arith.constant 186 : index
    %get3A_2421 = arith.constant 0 : index
    %get3A_2422 = vector.load %arg2[%get3A_2420, %get3A_2421] : memref<256x128xf32, #tpu.memory_space<vmem>>, vector<1x128xf32>
    %add3A_2423 = vector.broadcast %get3A_2422 : vector<1x128xf32> to vector<128x128xf32>
    %add3A_2424 = arith.addf %get3A_2419, %add3A_2423 : vector<128x128xf32>
    %min3A_2425 = arith.minimumf %max3A_2413, %add3A_2424 : vector<128x128xf32>
    %max3A_2426 = arith.maximumf %max3A_2413, %add3A_2424 : vector<128x128xf32>
    %max3A_2427 = arith.maximumf %max3A_2414, %min3A_2425 : vector<128x128xf32>
    %get3A_2428 = arith.constant 187 : index
    %get3A_2429 = arith.constant 0 : index
    %get3A_2430 = arith.constant 0 : index
    %get3A_2431 = vector.load %arg3[%get3A_2428, %get3A_2429, %get3A_2430] : memref<256x128x128xf32, #tpu.memory_space<vmem>>, vector<1x128x128xf32>
    %get3A_2432 = vector.shape_cast %get3A_2431 : vector<1x128x128xf32> to vector<128x128xf32>
    %get3A_2433 = arith.constant 187 : index
    %get3A_2434 = arith.constant 0 : index
    %get3A_2435 = vector.load %arg2[%get3A_2433, %get3A_2434] : memref<256x128xf32, #tpu.memory_space<vmem>>, vector<1x128xf32>
    %add3A_2436 = vector.broadcast %get3A_2435 : vector<1x128xf32> to vector<128x128xf32>
    %add3A_2437 = arith.addf %get3A_2432, %add3A_2436 : vector<128x128xf32>
    %min3A_2438 = arith.minimumf %max3A_2426, %add3A_2437 : vector<128x128xf32>
    %max3A_2439 = arith.maximumf %max3A_2426, %add3A_2437 : vector<128x128xf32>
    %max3A_2440 = arith.maximumf %max3A_2427, %min3A_2438 : vector<128x128xf32>
    %get3A_2441 = arith.constant 188 : index
    %get3A_2442 = arith.constant 0 : index
    %get3A_2443 = arith.constant 0 : index
    %get3A_2444 = vector.load %arg3[%get3A_2441, %get3A_2442, %get3A_2443] : memref<256x128x128xf32, #tpu.memory_space<vmem>>, vector<1x128x128xf32>
    %get3A_2445 = vector.shape_cast %get3A_2444 : vector<1x128x128xf32> to vector<128x128xf32>
    %get3A_2446 = arith.constant 188 : index
    %get3A_2447 = arith.constant 0 : index
    %get3A_2448 = vector.load %arg2[%get3A_2446, %get3A_2447] : memref<256x128xf32, #tpu.memory_space<vmem>>, vector<1x128xf32>
    %add3A_2449 = vector.broadcast %get3A_2448 : vector<1x128xf32> to vector<128x128xf32>
    %add3A_2450 = arith.addf %get3A_2445, %add3A_2449 : vector<128x128xf32>
    %min3A_2451 = arith.minimumf %max3A_2439, %add3A_2450 : vector<128x128xf32>
    %max3A_2452 = arith.maximumf %max3A_2439, %add3A_2450 : vector<128x128xf32>
    %max3A_2453 = arith.maximumf %max3A_2440, %min3A_2451 : vector<128x128xf32>
    %get3A_2454 = arith.constant 189 : index
    %get3A_2455 = arith.constant 0 : index
    %get3A_2456 = arith.constant 0 : index
    %get3A_2457 = vector.load %arg3[%get3A_2454, %get3A_2455, %get3A_2456] : memref<256x128x128xf32, #tpu.memory_space<vmem>>, vector<1x128x128xf32>
    %get3A_2458 = vector.shape_cast %get3A_2457 : vector<1x128x128xf32> to vector<128x128xf32>
    %get3A_2459 = arith.constant 189 : index
    %get3A_2460 = arith.constant 0 : index
    %get3A_2461 = vector.load %arg2[%get3A_2459, %get3A_2460] : memref<256x128xf32, #tpu.memory_space<vmem>>, vector<1x128xf32>
    %add3A_2462 = vector.broadcast %get3A_2461 : vector<1x128xf32> to vector<128x128xf32>
    %add3A_2463 = arith.addf %get3A_2458, %add3A_2462 : vector<128x128xf32>
    %min3A_2464 = arith.minimumf %max3A_2452, %add3A_2463 : vector<128x128xf32>
    %max3A_2465 = arith.maximumf %max3A_2452, %add3A_2463 : vector<128x128xf32>
    %max3A_2466 = arith.maximumf %max3A_2453, %min3A_2464 : vector<128x128xf32>
    %get3A_2467 = arith.constant 190 : index
    %get3A_2468 = arith.constant 0 : index
    %get3A_2469 = arith.constant 0 : index
    %get3A_2470 = vector.load %arg3[%get3A_2467, %get3A_2468, %get3A_2469] : memref<256x128x128xf32, #tpu.memory_space<vmem>>, vector<1x128x128xf32>
    %get3A_2471 = vector.shape_cast %get3A_2470 : vector<1x128x128xf32> to vector<128x128xf32>
    %get3A_2472 = arith.constant 190 : index
    %get3A_2473 = arith.constant 0 : index
    %get3A_2474 = vector.load %arg2[%get3A_2472, %get3A_2473] : memref<256x128xf32, #tpu.memory_space<vmem>>, vector<1x128xf32>
    %add3A_2475 = vector.broadcast %get3A_2474 : vector<1x128xf32> to vector<128x128xf32>
    %add3A_2476 = arith.addf %get3A_2471, %add3A_2475 : vector<128x128xf32>
    %min3A_2477 = arith.minimumf %max3A_2465, %add3A_2476 : vector<128x128xf32>
    %max3A_2478 = arith.maximumf %max3A_2465, %add3A_2476 : vector<128x128xf32>
    %max3A_2479 = arith.maximumf %max3A_2466, %min3A_2477 : vector<128x128xf32>
    %get3A_2480 = arith.constant 191 : index
    %get3A_2481 = arith.constant 0 : index
    %get3A_2482 = arith.constant 0 : index
    %get3A_2483 = vector.load %arg3[%get3A_2480, %get3A_2481, %get3A_2482] : memref<256x128x128xf32, #tpu.memory_space<vmem>>, vector<1x128x128xf32>
    %get3A_2484 = vector.shape_cast %get3A_2483 : vector<1x128x128xf32> to vector<128x128xf32>
    %get3A_2485 = arith.constant 191 : index
    %get3A_2486 = arith.constant 0 : index
    %get3A_2487 = vector.load %arg2[%get3A_2485, %get3A_2486] : memref<256x128xf32, #tpu.memory_space<vmem>>, vector<1x128xf32>
    %add3A_2488 = vector.broadcast %get3A_2487 : vector<1x128xf32> to vector<128x128xf32>
    %add3A_2489 = arith.addf %get3A_2484, %add3A_2488 : vector<128x128xf32>
    %min3A_2490 = arith.minimumf %max3A_2478, %add3A_2489 : vector<128x128xf32>
    %max3A_2491 = arith.maximumf %max3A_2478, %add3A_2489 : vector<128x128xf32>
    %max3A_2492 = arith.maximumf %max3A_2479, %min3A_2490 : vector<128x128xf32>
    %get3A_2493 = arith.constant 192 : index
    %get3A_2494 = arith.constant 0 : index
    %get3A_2495 = arith.constant 0 : index
    %get3A_2496 = vector.load %arg3[%get3A_2493, %get3A_2494, %get3A_2495] : memref<256x128x128xf32, #tpu.memory_space<vmem>>, vector<1x128x128xf32>
    %get3A_2497 = vector.shape_cast %get3A_2496 : vector<1x128x128xf32> to vector<128x128xf32>
    %get3A_2498 = arith.constant 192 : index
    %get3A_2499 = arith.constant 0 : index
    %get3A_2500 = vector.load %arg2[%get3A_2498, %get3A_2499] : memref<256x128xf32, #tpu.memory_space<vmem>>, vector<1x128xf32>
    %add3A_2501 = vector.broadcast %get3A_2500 : vector<1x128xf32> to vector<128x128xf32>
    %add3A_2502 = arith.addf %get3A_2497, %add3A_2501 : vector<128x128xf32>
    %min3A_2503 = arith.minimumf %max3A_2491, %add3A_2502 : vector<128x128xf32>
    %max3A_2504 = arith.maximumf %max3A_2491, %add3A_2502 : vector<128x128xf32>
    %max3A_2505 = arith.maximumf %max3A_2492, %min3A_2503 : vector<128x128xf32>
    %get3A_2506 = arith.constant 193 : index
    %get3A_2507 = arith.constant 0 : index
    %get3A_2508 = arith.constant 0 : index
    %get3A_2509 = vector.load %arg3[%get3A_2506, %get3A_2507, %get3A_2508] : memref<256x128x128xf32, #tpu.memory_space<vmem>>, vector<1x128x128xf32>
    %get3A_2510 = vector.shape_cast %get3A_2509 : vector<1x128x128xf32> to vector<128x128xf32>
    %get3A_2511 = arith.constant 193 : index
    %get3A_2512 = arith.constant 0 : index
    %get3A_2513 = vector.load %arg2[%get3A_2511, %get3A_2512] : memref<256x128xf32, #tpu.memory_space<vmem>>, vector<1x128xf32>
    %add3A_2514 = vector.broadcast %get3A_2513 : vector<1x128xf32> to vector<128x128xf32>
    %add3A_2515 = arith.addf %get3A_2510, %add3A_2514 : vector<128x128xf32>
    %min3A_2516 = arith.minimumf %max3A_2504, %add3A_2515 : vector<128x128xf32>
    %max3A_2517 = arith.maximumf %max3A_2504, %add3A_2515 : vector<128x128xf32>
    %max3A_2518 = arith.maximumf %max3A_2505, %min3A_2516 : vector<128x128xf32>
    %get3A_2519 = arith.constant 194 : index
    %get3A_2520 = arith.constant 0 : index
    %get3A_2521 = arith.constant 0 : index
    %get3A_2522 = vector.load %arg3[%get3A_2519, %get3A_2520, %get3A_2521] : memref<256x128x128xf32, #tpu.memory_space<vmem>>, vector<1x128x128xf32>
    %get3A_2523 = vector.shape_cast %get3A_2522 : vector<1x128x128xf32> to vector<128x128xf32>
    %get3A_2524 = arith.constant 194 : index
    %get3A_2525 = arith.constant 0 : index
    %get3A_2526 = vector.load %arg2[%get3A_2524, %get3A_2525] : memref<256x128xf32, #tpu.memory_space<vmem>>, vector<1x128xf32>
    %add3A_2527 = vector.broadcast %get3A_2526 : vector<1x128xf32> to vector<128x128xf32>
    %add3A_2528 = arith.addf %get3A_2523, %add3A_2527 : vector<128x128xf32>
    %min3A_2529 = arith.minimumf %max3A_2517, %add3A_2528 : vector<128x128xf32>
    %max3A_2530 = arith.maximumf %max3A_2517, %add3A_2528 : vector<128x128xf32>
    %max3A_2531 = arith.maximumf %max3A_2518, %min3A_2529 : vector<128x128xf32>
    %get3A_2532 = arith.constant 195 : index
    %get3A_2533 = arith.constant 0 : index
    %get3A_2534 = arith.constant 0 : index
    %get3A_2535 = vector.load %arg3[%get3A_2532, %get3A_2533, %get3A_2534] : memref<256x128x128xf32, #tpu.memory_space<vmem>>, vector<1x128x128xf32>
    %get3A_2536 = vector.shape_cast %get3A_2535 : vector<1x128x128xf32> to vector<128x128xf32>
    %get3A_2537 = arith.constant 195 : index
    %get3A_2538 = arith.constant 0 : index
    %get3A_2539 = vector.load %arg2[%get3A_2537, %get3A_2538] : memref<256x128xf32, #tpu.memory_space<vmem>>, vector<1x128xf32>
    %add3A_2540 = vector.broadcast %get3A_2539 : vector<1x128xf32> to vector<128x128xf32>
    %add3A_2541 = arith.addf %get3A_2536, %add3A_2540 : vector<128x128xf32>
    %min3A_2542 = arith.minimumf %max3A_2530, %add3A_2541 : vector<128x128xf32>
    %max3A_2543 = arith.maximumf %max3A_2530, %add3A_2541 : vector<128x128xf32>
    %max3A_2544 = arith.maximumf %max3A_2531, %min3A_2542 : vector<128x128xf32>
    %get3A_2545 = arith.constant 196 : index
    %get3A_2546 = arith.constant 0 : index
    %get3A_2547 = arith.constant 0 : index
    %get3A_2548 = vector.load %arg3[%get3A_2545, %get3A_2546, %get3A_2547] : memref<256x128x128xf32, #tpu.memory_space<vmem>>, vector<1x128x128xf32>
    %get3A_2549 = vector.shape_cast %get3A_2548 : vector<1x128x128xf32> to vector<128x128xf32>
    %get3A_2550 = arith.constant 196 : index
    %get3A_2551 = arith.constant 0 : index
    %get3A_2552 = vector.load %arg2[%get3A_2550, %get3A_2551] : memref<256x128xf32, #tpu.memory_space<vmem>>, vector<1x128xf32>
    %add3A_2553 = vector.broadcast %get3A_2552 : vector<1x128xf32> to vector<128x128xf32>
    %add3A_2554 = arith.addf %get3A_2549, %add3A_2553 : vector<128x128xf32>
    %min3A_2555 = arith.minimumf %max3A_2543, %add3A_2554 : vector<128x128xf32>
    %max3A_2556 = arith.maximumf %max3A_2543, %add3A_2554 : vector<128x128xf32>
    %max3A_2557 = arith.maximumf %max3A_2544, %min3A_2555 : vector<128x128xf32>
    %get3A_2558 = arith.constant 197 : index
    %get3A_2559 = arith.constant 0 : index
    %get3A_2560 = arith.constant 0 : index
    %get3A_2561 = vector.load %arg3[%get3A_2558, %get3A_2559, %get3A_2560] : memref<256x128x128xf32, #tpu.memory_space<vmem>>, vector<1x128x128xf32>
    %get3A_2562 = vector.shape_cast %get3A_2561 : vector<1x128x128xf32> to vector<128x128xf32>
    %get3A_2563 = arith.constant 197 : index
    %get3A_2564 = arith.constant 0 : index
    %get3A_2565 = vector.load %arg2[%get3A_2563, %get3A_2564] : memref<256x128xf32, #tpu.memory_space<vmem>>, vector<1x128xf32>
    %add3A_2566 = vector.broadcast %get3A_2565 : vector<1x128xf32> to vector<128x128xf32>
    %add3A_2567 = arith.addf %get3A_2562, %add3A_2566 : vector<128x128xf32>
    %min3A_2568 = arith.minimumf %max3A_2556, %add3A_2567 : vector<128x128xf32>
    %max3A_2569 = arith.maximumf %max3A_2556, %add3A_2567 : vector<128x128xf32>
    %max3A_2570 = arith.maximumf %max3A_2557, %min3A_2568 : vector<128x128xf32>
    %get3A_2571 = arith.constant 198 : index
    %get3A_2572 = arith.constant 0 : index
    %get3A_2573 = arith.constant 0 : index
    %get3A_2574 = vector.load %arg3[%get3A_2571, %get3A_2572, %get3A_2573] : memref<256x128x128xf32, #tpu.memory_space<vmem>>, vector<1x128x128xf32>
    %get3A_2575 = vector.shape_cast %get3A_2574 : vector<1x128x128xf32> to vector<128x128xf32>
    %get3A_2576 = arith.constant 198 : index
    %get3A_2577 = arith.constant 0 : index
    %get3A_2578 = vector.load %arg2[%get3A_2576, %get3A_2577] : memref<256x128xf32, #tpu.memory_space<vmem>>, vector<1x128xf32>
    %add3A_2579 = vector.broadcast %get3A_2578 : vector<1x128xf32> to vector<128x128xf32>
    %add3A_2580 = arith.addf %get3A_2575, %add3A_2579 : vector<128x128xf32>
    %min3A_2581 = arith.minimumf %max3A_2569, %add3A_2580 : vector<128x128xf32>
    %max3A_2582 = arith.maximumf %max3A_2569, %add3A_2580 : vector<128x128xf32>
    %max3A_2583 = arith.maximumf %max3A_2570, %min3A_2581 : vector<128x128xf32>
    %get3A_2584 = arith.constant 199 : index
    %get3A_2585 = arith.constant 0 : index
    %get3A_2586 = arith.constant 0 : index
    %get3A_2587 = vector.load %arg3[%get3A_2584, %get3A_2585, %get3A_2586] : memref<256x128x128xf32, #tpu.memory_space<vmem>>, vector<1x128x128xf32>
    %get3A_2588 = vector.shape_cast %get3A_2587 : vector<1x128x128xf32> to vector<128x128xf32>
    %get3A_2589 = arith.constant 199 : index
    %get3A_2590 = arith.constant 0 : index
    %get3A_2591 = vector.load %arg2[%get3A_2589, %get3A_2590] : memref<256x128xf32, #tpu.memory_space<vmem>>, vector<1x128xf32>
    %add3A_2592 = vector.broadcast %get3A_2591 : vector<1x128xf32> to vector<128x128xf32>
    %add3A_2593 = arith.addf %get3A_2588, %add3A_2592 : vector<128x128xf32>
    %min3A_2594 = arith.minimumf %max3A_2582, %add3A_2593 : vector<128x128xf32>
    %max3A_2595 = arith.maximumf %max3A_2582, %add3A_2593 : vector<128x128xf32>
    %max3A_2596 = arith.maximumf %max3A_2583, %min3A_2594 : vector<128x128xf32>
    %get3A_2597 = arith.constant 200 : index
    %get3A_2598 = arith.constant 0 : index
    %get3A_2599 = arith.constant 0 : index
    %get3A_2600 = vector.load %arg3[%get3A_2597, %get3A_2598, %get3A_2599] : memref<256x128x128xf32, #tpu.memory_space<vmem>>, vector<1x128x128xf32>
    %get3A_2601 = vector.shape_cast %get3A_2600 : vector<1x128x128xf32> to vector<128x128xf32>
    %get3A_2602 = arith.constant 200 : index
    %get3A_2603 = arith.constant 0 : index
    %get3A_2604 = vector.load %arg2[%get3A_2602, %get3A_2603] : memref<256x128xf32, #tpu.memory_space<vmem>>, vector<1x128xf32>
    %add3A_2605 = vector.broadcast %get3A_2604 : vector<1x128xf32> to vector<128x128xf32>
    %add3A_2606 = arith.addf %get3A_2601, %add3A_2605 : vector<128x128xf32>
    %min3A_2607 = arith.minimumf %max3A_2595, %add3A_2606 : vector<128x128xf32>
    %max3A_2608 = arith.maximumf %max3A_2595, %add3A_2606 : vector<128x128xf32>
    %max3A_2609 = arith.maximumf %max3A_2596, %min3A_2607 : vector<128x128xf32>
    %get3A_2610 = arith.constant 201 : index
    %get3A_2611 = arith.constant 0 : index
    %get3A_2612 = arith.constant 0 : index
    %get3A_2613 = vector.load %arg3[%get3A_2610, %get3A_2611, %get3A_2612] : memref<256x128x128xf32, #tpu.memory_space<vmem>>, vector<1x128x128xf32>
    %get3A_2614 = vector.shape_cast %get3A_2613 : vector<1x128x128xf32> to vector<128x128xf32>
    %get3A_2615 = arith.constant 201 : index
    %get3A_2616 = arith.constant 0 : index
    %get3A_2617 = vector.load %arg2[%get3A_2615, %get3A_2616] : memref<256x128xf32, #tpu.memory_space<vmem>>, vector<1x128xf32>
    %add3A_2618 = vector.broadcast %get3A_2617 : vector<1x128xf32> to vector<128x128xf32>
    %add3A_2619 = arith.addf %get3A_2614, %add3A_2618 : vector<128x128xf32>
    %min3A_2620 = arith.minimumf %max3A_2608, %add3A_2619 : vector<128x128xf32>
    %max3A_2621 = arith.maximumf %max3A_2608, %add3A_2619 : vector<128x128xf32>
    %max3A_2622 = arith.maximumf %max3A_2609, %min3A_2620 : vector<128x128xf32>
    %get3A_2623 = arith.constant 202 : index
    %get3A_2624 = arith.constant 0 : index
    %get3A_2625 = arith.constant 0 : index
    %get3A_2626 = vector.load %arg3[%get3A_2623, %get3A_2624, %get3A_2625] : memref<256x128x128xf32, #tpu.memory_space<vmem>>, vector<1x128x128xf32>
    %get3A_2627 = vector.shape_cast %get3A_2626 : vector<1x128x128xf32> to vector<128x128xf32>
    %get3A_2628 = arith.constant 202 : index
    %get3A_2629 = arith.constant 0 : index
    %get3A_2630 = vector.load %arg2[%get3A_2628, %get3A_2629] : memref<256x128xf32, #tpu.memory_space<vmem>>, vector<1x128xf32>
    %add3A_2631 = vector.broadcast %get3A_2630 : vector<1x128xf32> to vector<128x128xf32>
    %add3A_2632 = arith.addf %get3A_2627, %add3A_2631 : vector<128x128xf32>
    %min3A_2633 = arith.minimumf %max3A_2621, %add3A_2632 : vector<128x128xf32>
    %max3A_2634 = arith.maximumf %max3A_2621, %add3A_2632 : vector<128x128xf32>
    %max3A_2635 = arith.maximumf %max3A_2622, %min3A_2633 : vector<128x128xf32>
    %get3A_2636 = arith.constant 203 : index
    %get3A_2637 = arith.constant 0 : index
    %get3A_2638 = arith.constant 0 : index
    %get3A_2639 = vector.load %arg3[%get3A_2636, %get3A_2637, %get3A_2638] : memref<256x128x128xf32, #tpu.memory_space<vmem>>, vector<1x128x128xf32>
    %get3A_2640 = vector.shape_cast %get3A_2639 : vector<1x128x128xf32> to vector<128x128xf32>
    %get3A_2641 = arith.constant 203 : index
    %get3A_2642 = arith.constant 0 : index
    %get3A_2643 = vector.load %arg2[%get3A_2641, %get3A_2642] : memref<256x128xf32, #tpu.memory_space<vmem>>, vector<1x128xf32>
    %add3A_2644 = vector.broadcast %get3A_2643 : vector<1x128xf32> to vector<128x128xf32>
    %add3A_2645 = arith.addf %get3A_2640, %add3A_2644 : vector<128x128xf32>
    %min3A_2646 = arith.minimumf %max3A_2634, %add3A_2645 : vector<128x128xf32>
    %max3A_2647 = arith.maximumf %max3A_2634, %add3A_2645 : vector<128x128xf32>
    %max3A_2648 = arith.maximumf %max3A_2635, %min3A_2646 : vector<128x128xf32>
    %get3A_2649 = arith.constant 204 : index
    %get3A_2650 = arith.constant 0 : index
    %get3A_2651 = arith.constant 0 : index
    %get3A_2652 = vector.load %arg3[%get3A_2649, %get3A_2650, %get3A_2651] : memref<256x128x128xf32, #tpu.memory_space<vmem>>, vector<1x128x128xf32>
    %get3A_2653 = vector.shape_cast %get3A_2652 : vector<1x128x128xf32> to vector<128x128xf32>
    %get3A_2654 = arith.constant 204 : index
    %get3A_2655 = arith.constant 0 : index
    %get3A_2656 = vector.load %arg2[%get3A_2654, %get3A_2655] : memref<256x128xf32, #tpu.memory_space<vmem>>, vector<1x128xf32>
    %add3A_2657 = vector.broadcast %get3A_2656 : vector<1x128xf32> to vector<128x128xf32>
    %add3A_2658 = arith.addf %get3A_2653, %add3A_2657 : vector<128x128xf32>
    %min3A_2659 = arith.minimumf %max3A_2647, %add3A_2658 : vector<128x128xf32>
    %max3A_2660 = arith.maximumf %max3A_2647, %add3A_2658 : vector<128x128xf32>
    %max3A_2661 = arith.maximumf %max3A_2648, %min3A_2659 : vector<128x128xf32>
    %get3A_2662 = arith.constant 205 : index
    %get3A_2663 = arith.constant 0 : index
    %get3A_2664 = arith.constant 0 : index
    %get3A_2665 = vector.load %arg3[%get3A_2662, %get3A_2663, %get3A_2664] : memref<256x128x128xf32, #tpu.memory_space<vmem>>, vector<1x128x128xf32>
    %get3A_2666 = vector.shape_cast %get3A_2665 : vector<1x128x128xf32> to vector<128x128xf32>
    %get3A_2667 = arith.constant 205 : index
    %get3A_2668 = arith.constant 0 : index
    %get3A_2669 = vector.load %arg2[%get3A_2667, %get3A_2668] : memref<256x128xf32, #tpu.memory_space<vmem>>, vector<1x128xf32>
    %add3A_2670 = vector.broadcast %get3A_2669 : vector<1x128xf32> to vector<128x128xf32>
    %add3A_2671 = arith.addf %get3A_2666, %add3A_2670 : vector<128x128xf32>
    %min3A_2672 = arith.minimumf %max3A_2660, %add3A_2671 : vector<128x128xf32>
    %max3A_2673 = arith.maximumf %max3A_2660, %add3A_2671 : vector<128x128xf32>
    %max3A_2674 = arith.maximumf %max3A_2661, %min3A_2672 : vector<128x128xf32>
    %get3A_2675 = arith.constant 206 : index
    %get3A_2676 = arith.constant 0 : index
    %get3A_2677 = arith.constant 0 : index
    %get3A_2678 = vector.load %arg3[%get3A_2675, %get3A_2676, %get3A_2677] : memref<256x128x128xf32, #tpu.memory_space<vmem>>, vector<1x128x128xf32>
    %get3A_2679 = vector.shape_cast %get3A_2678 : vector<1x128x128xf32> to vector<128x128xf32>
    %get3A_2680 = arith.constant 206 : index
    %get3A_2681 = arith.constant 0 : index
    %get3A_2682 = vector.load %arg2[%get3A_2680, %get3A_2681] : memref<256x128xf32, #tpu.memory_space<vmem>>, vector<1x128xf32>
    %add3A_2683 = vector.broadcast %get3A_2682 : vector<1x128xf32> to vector<128x128xf32>
    %add3A_2684 = arith.addf %get3A_2679, %add3A_2683 : vector<128x128xf32>
    %min3A_2685 = arith.minimumf %max3A_2673, %add3A_2684 : vector<128x128xf32>
    %max3A_2686 = arith.maximumf %max3A_2673, %add3A_2684 : vector<128x128xf32>
    %max3A_2687 = arith.maximumf %max3A_2674, %min3A_2685 : vector<128x128xf32>
    %get3A_2688 = arith.constant 207 : index
    %get3A_2689 = arith.constant 0 : index
    %get3A_2690 = arith.constant 0 : index
    %get3A_2691 = vector.load %arg3[%get3A_2688, %get3A_2689, %get3A_2690] : memref<256x128x128xf32, #tpu.memory_space<vmem>>, vector<1x128x128xf32>
    %get3A_2692 = vector.shape_cast %get3A_2691 : vector<1x128x128xf32> to vector<128x128xf32>
    %get3A_2693 = arith.constant 207 : index
    %get3A_2694 = arith.constant 0 : index
    %get3A_2695 = vector.load %arg2[%get3A_2693, %get3A_2694] : memref<256x128xf32, #tpu.memory_space<vmem>>, vector<1x128xf32>
    %add3A_2696 = vector.broadcast %get3A_2695 : vector<1x128xf32> to vector<128x128xf32>
    %add3A_2697 = arith.addf %get3A_2692, %add3A_2696 : vector<128x128xf32>
    %min3A_2698 = arith.minimumf %max3A_2686, %add3A_2697 : vector<128x128xf32>
    %max3A_2699 = arith.maximumf %max3A_2686, %add3A_2697 : vector<128x128xf32>
    %max3A_2700 = arith.maximumf %max3A_2687, %min3A_2698 : vector<128x128xf32>
    %get3A_2701 = arith.constant 208 : index
    %get3A_2702 = arith.constant 0 : index
    %get3A_2703 = arith.constant 0 : index
    %get3A_2704 = vector.load %arg3[%get3A_2701, %get3A_2702, %get3A_2703] : memref<256x128x128xf32, #tpu.memory_space<vmem>>, vector<1x128x128xf32>
    %get3A_2705 = vector.shape_cast %get3A_2704 : vector<1x128x128xf32> to vector<128x128xf32>
    %get3A_2706 = arith.constant 208 : index
    %get3A_2707 = arith.constant 0 : index
    %get3A_2708 = vector.load %arg2[%get3A_2706, %get3A_2707] : memref<256x128xf32, #tpu.memory_space<vmem>>, vector<1x128xf32>
    %add3A_2709 = vector.broadcast %get3A_2708 : vector<1x128xf32> to vector<128x128xf32>
    %add3A_2710 = arith.addf %get3A_2705, %add3A_2709 : vector<128x128xf32>
    %min3A_2711 = arith.minimumf %max3A_2699, %add3A_2710 : vector<128x128xf32>
    %max3A_2712 = arith.maximumf %max3A_2699, %add3A_2710 : vector<128x128xf32>
    %max3A_2713 = arith.maximumf %max3A_2700, %min3A_2711 : vector<128x128xf32>
    %get3A_2714 = arith.constant 209 : index
    %get3A_2715 = arith.constant 0 : index
    %get3A_2716 = arith.constant 0 : index
    %get3A_2717 = vector.load %arg3[%get3A_2714, %get3A_2715, %get3A_2716] : memref<256x128x128xf32, #tpu.memory_space<vmem>>, vector<1x128x128xf32>
    %get3A_2718 = vector.shape_cast %get3A_2717 : vector<1x128x128xf32> to vector<128x128xf32>
    %get3A_2719 = arith.constant 209 : index
    %get3A_2720 = arith.constant 0 : index
    %get3A_2721 = vector.load %arg2[%get3A_2719, %get3A_2720] : memref<256x128xf32, #tpu.memory_space<vmem>>, vector<1x128xf32>
    %add3A_2722 = vector.broadcast %get3A_2721 : vector<1x128xf32> to vector<128x128xf32>
    %add3A_2723 = arith.addf %get3A_2718, %add3A_2722 : vector<128x128xf32>
    %min3A_2724 = arith.minimumf %max3A_2712, %add3A_2723 : vector<128x128xf32>
    %max3A_2725 = arith.maximumf %max3A_2712, %add3A_2723 : vector<128x128xf32>
    %max3A_2726 = arith.maximumf %max3A_2713, %min3A_2724 : vector<128x128xf32>
    %get3A_2727 = arith.constant 210 : index
    %get3A_2728 = arith.constant 0 : index
    %get3A_2729 = arith.constant 0 : index
    %get3A_2730 = vector.load %arg3[%get3A_2727, %get3A_2728, %get3A_2729] : memref<256x128x128xf32, #tpu.memory_space<vmem>>, vector<1x128x128xf32>
    %get3A_2731 = vector.shape_cast %get3A_2730 : vector<1x128x128xf32> to vector<128x128xf32>
    %get3A_2732 = arith.constant 210 : index
    %get3A_2733 = arith.constant 0 : index
    %get3A_2734 = vector.load %arg2[%get3A_2732, %get3A_2733] : memref<256x128xf32, #tpu.memory_space<vmem>>, vector<1x128xf32>
    %add3A_2735 = vector.broadcast %get3A_2734 : vector<1x128xf32> to vector<128x128xf32>
    %add3A_2736 = arith.addf %get3A_2731, %add3A_2735 : vector<128x128xf32>
    %min3A_2737 = arith.minimumf %max3A_2725, %add3A_2736 : vector<128x128xf32>
    %max3A_2738 = arith.maximumf %max3A_2725, %add3A_2736 : vector<128x128xf32>
    %max3A_2739 = arith.maximumf %max3A_2726, %min3A_2737 : vector<128x128xf32>
    %get3A_2740 = arith.constant 211 : index
    %get3A_2741 = arith.constant 0 : index
    %get3A_2742 = arith.constant 0 : index
    %get3A_2743 = vector.load %arg3[%get3A_2740, %get3A_2741, %get3A_2742] : memref<256x128x128xf32, #tpu.memory_space<vmem>>, vector<1x128x128xf32>
    %get3A_2744 = vector.shape_cast %get3A_2743 : vector<1x128x128xf32> to vector<128x128xf32>
    %get3A_2745 = arith.constant 211 : index
    %get3A_2746 = arith.constant 0 : index
    %get3A_2747 = vector.load %arg2[%get3A_2745, %get3A_2746] : memref<256x128xf32, #tpu.memory_space<vmem>>, vector<1x128xf32>
    %add3A_2748 = vector.broadcast %get3A_2747 : vector<1x128xf32> to vector<128x128xf32>
    %add3A_2749 = arith.addf %get3A_2744, %add3A_2748 : vector<128x128xf32>
    %min3A_2750 = arith.minimumf %max3A_2738, %add3A_2749 : vector<128x128xf32>
    %max3A_2751 = arith.maximumf %max3A_2738, %add3A_2749 : vector<128x128xf32>
    %max3A_2752 = arith.maximumf %max3A_2739, %min3A_2750 : vector<128x128xf32>
    %get3A_2753 = arith.constant 212 : index
    %get3A_2754 = arith.constant 0 : index
    %get3A_2755 = arith.constant 0 : index
    %get3A_2756 = vector.load %arg3[%get3A_2753, %get3A_2754, %get3A_2755] : memref<256x128x128xf32, #tpu.memory_space<vmem>>, vector<1x128x128xf32>
    %get3A_2757 = vector.shape_cast %get3A_2756 : vector<1x128x128xf32> to vector<128x128xf32>
    %get3A_2758 = arith.constant 212 : index
    %get3A_2759 = arith.constant 0 : index
    %get3A_2760 = vector.load %arg2[%get3A_2758, %get3A_2759] : memref<256x128xf32, #tpu.memory_space<vmem>>, vector<1x128xf32>
    %add3A_2761 = vector.broadcast %get3A_2760 : vector<1x128xf32> to vector<128x128xf32>
    %add3A_2762 = arith.addf %get3A_2757, %add3A_2761 : vector<128x128xf32>
    %min3A_2763 = arith.minimumf %max3A_2751, %add3A_2762 : vector<128x128xf32>
    %max3A_2764 = arith.maximumf %max3A_2751, %add3A_2762 : vector<128x128xf32>
    %max3A_2765 = arith.maximumf %max3A_2752, %min3A_2763 : vector<128x128xf32>
    %get3A_2766 = arith.constant 213 : index
    %get3A_2767 = arith.constant 0 : index
    %get3A_2768 = arith.constant 0 : index
    %get3A_2769 = vector.load %arg3[%get3A_2766, %get3A_2767, %get3A_2768] : memref<256x128x128xf32, #tpu.memory_space<vmem>>, vector<1x128x128xf32>
    %get3A_2770 = vector.shape_cast %get3A_2769 : vector<1x128x128xf32> to vector<128x128xf32>
    %get3A_2771 = arith.constant 213 : index
    %get3A_2772 = arith.constant 0 : index
    %get3A_2773 = vector.load %arg2[%get3A_2771, %get3A_2772] : memref<256x128xf32, #tpu.memory_space<vmem>>, vector<1x128xf32>
    %add3A_2774 = vector.broadcast %get3A_2773 : vector<1x128xf32> to vector<128x128xf32>
    %add3A_2775 = arith.addf %get3A_2770, %add3A_2774 : vector<128x128xf32>
    %min3A_2776 = arith.minimumf %max3A_2764, %add3A_2775 : vector<128x128xf32>
    %max3A_2777 = arith.maximumf %max3A_2764, %add3A_2775 : vector<128x128xf32>
    %max3A_2778 = arith.maximumf %max3A_2765, %min3A_2776 : vector<128x128xf32>
    %get3A_2779 = arith.constant 214 : index
    %get3A_2780 = arith.constant 0 : index
    %get3A_2781 = arith.constant 0 : index
    %get3A_2782 = vector.load %arg3[%get3A_2779, %get3A_2780, %get3A_2781] : memref<256x128x128xf32, #tpu.memory_space<vmem>>, vector<1x128x128xf32>
    %get3A_2783 = vector.shape_cast %get3A_2782 : vector<1x128x128xf32> to vector<128x128xf32>
    %get3A_2784 = arith.constant 214 : index
    %get3A_2785 = arith.constant 0 : index
    %get3A_2786 = vector.load %arg2[%get3A_2784, %get3A_2785] : memref<256x128xf32, #tpu.memory_space<vmem>>, vector<1x128xf32>
    %add3A_2787 = vector.broadcast %get3A_2786 : vector<1x128xf32> to vector<128x128xf32>
    %add3A_2788 = arith.addf %get3A_2783, %add3A_2787 : vector<128x128xf32>
    %min3A_2789 = arith.minimumf %max3A_2777, %add3A_2788 : vector<128x128xf32>
    %max3A_2790 = arith.maximumf %max3A_2777, %add3A_2788 : vector<128x128xf32>
    %max3A_2791 = arith.maximumf %max3A_2778, %min3A_2789 : vector<128x128xf32>
    %get3A_2792 = arith.constant 215 : index
    %get3A_2793 = arith.constant 0 : index
    %get3A_2794 = arith.constant 0 : index
    %get3A_2795 = vector.load %arg3[%get3A_2792, %get3A_2793, %get3A_2794] : memref<256x128x128xf32, #tpu.memory_space<vmem>>, vector<1x128x128xf32>
    %get3A_2796 = vector.shape_cast %get3A_2795 : vector<1x128x128xf32> to vector<128x128xf32>
    %get3A_2797 = arith.constant 215 : index
    %get3A_2798 = arith.constant 0 : index
    %get3A_2799 = vector.load %arg2[%get3A_2797, %get3A_2798] : memref<256x128xf32, #tpu.memory_space<vmem>>, vector<1x128xf32>
    %add3A_2800 = vector.broadcast %get3A_2799 : vector<1x128xf32> to vector<128x128xf32>
    %add3A_2801 = arith.addf %get3A_2796, %add3A_2800 : vector<128x128xf32>
    %min3A_2802 = arith.minimumf %max3A_2790, %add3A_2801 : vector<128x128xf32>
    %max3A_2803 = arith.maximumf %max3A_2790, %add3A_2801 : vector<128x128xf32>
    %max3A_2804 = arith.maximumf %max3A_2791, %min3A_2802 : vector<128x128xf32>
    %get3A_2805 = arith.constant 216 : index
    %get3A_2806 = arith.constant 0 : index
    %get3A_2807 = arith.constant 0 : index
    %get3A_2808 = vector.load %arg3[%get3A_2805, %get3A_2806, %get3A_2807] : memref<256x128x128xf32, #tpu.memory_space<vmem>>, vector<1x128x128xf32>
    %get3A_2809 = vector.shape_cast %get3A_2808 : vector<1x128x128xf32> to vector<128x128xf32>
    %get3A_2810 = arith.constant 216 : index
    %get3A_2811 = arith.constant 0 : index
    %get3A_2812 = vector.load %arg2[%get3A_2810, %get3A_2811] : memref<256x128xf32, #tpu.memory_space<vmem>>, vector<1x128xf32>
    %add3A_2813 = vector.broadcast %get3A_2812 : vector<1x128xf32> to vector<128x128xf32>
    %add3A_2814 = arith.addf %get3A_2809, %add3A_2813 : vector<128x128xf32>
    %min3A_2815 = arith.minimumf %max3A_2803, %add3A_2814 : vector<128x128xf32>
    %max3A_2816 = arith.maximumf %max3A_2803, %add3A_2814 : vector<128x128xf32>
    %max3A_2817 = arith.maximumf %max3A_2804, %min3A_2815 : vector<128x128xf32>
    %get3A_2818 = arith.constant 217 : index
    %get3A_2819 = arith.constant 0 : index
    %get3A_2820 = arith.constant 0 : index
    %get3A_2821 = vector.load %arg3[%get3A_2818, %get3A_2819, %get3A_2820] : memref<256x128x128xf32, #tpu.memory_space<vmem>>, vector<1x128x128xf32>
    %get3A_2822 = vector.shape_cast %get3A_2821 : vector<1x128x128xf32> to vector<128x128xf32>
    %get3A_2823 = arith.constant 217 : index
    %get3A_2824 = arith.constant 0 : index
    %get3A_2825 = vector.load %arg2[%get3A_2823, %get3A_2824] : memref<256x128xf32, #tpu.memory_space<vmem>>, vector<1x128xf32>
    %add3A_2826 = vector.broadcast %get3A_2825 : vector<1x128xf32> to vector<128x128xf32>
    %add3A_2827 = arith.addf %get3A_2822, %add3A_2826 : vector<128x128xf32>
    %min3A_2828 = arith.minimumf %max3A_2816, %add3A_2827 : vector<128x128xf32>
    %max3A_2829 = arith.maximumf %max3A_2816, %add3A_2827 : vector<128x128xf32>
    %max3A_2830 = arith.maximumf %max3A_2817, %min3A_2828 : vector<128x128xf32>
    %get3A_2831 = arith.constant 218 : index
    %get3A_2832 = arith.constant 0 : index
    %get3A_2833 = arith.constant 0 : index
    %get3A_2834 = vector.load %arg3[%get3A_2831, %get3A_2832, %get3A_2833] : memref<256x128x128xf32, #tpu.memory_space<vmem>>, vector<1x128x128xf32>
    %get3A_2835 = vector.shape_cast %get3A_2834 : vector<1x128x128xf32> to vector<128x128xf32>
    %get3A_2836 = arith.constant 218 : index
    %get3A_2837 = arith.constant 0 : index
    %get3A_2838 = vector.load %arg2[%get3A_2836, %get3A_2837] : memref<256x128xf32, #tpu.memory_space<vmem>>, vector<1x128xf32>
    %add3A_2839 = vector.broadcast %get3A_2838 : vector<1x128xf32> to vector<128x128xf32>
    %add3A_2840 = arith.addf %get3A_2835, %add3A_2839 : vector<128x128xf32>
    %min3A_2841 = arith.minimumf %max3A_2829, %add3A_2840 : vector<128x128xf32>
    %max3A_2842 = arith.maximumf %max3A_2829, %add3A_2840 : vector<128x128xf32>
    %max3A_2843 = arith.maximumf %max3A_2830, %min3A_2841 : vector<128x128xf32>
    %get3A_2844 = arith.constant 219 : index
    %get3A_2845 = arith.constant 0 : index
    %get3A_2846 = arith.constant 0 : index
    %get3A_2847 = vector.load %arg3[%get3A_2844, %get3A_2845, %get3A_2846] : memref<256x128x128xf32, #tpu.memory_space<vmem>>, vector<1x128x128xf32>
    %get3A_2848 = vector.shape_cast %get3A_2847 : vector<1x128x128xf32> to vector<128x128xf32>
    %get3A_2849 = arith.constant 219 : index
    %get3A_2850 = arith.constant 0 : index
    %get3A_2851 = vector.load %arg2[%get3A_2849, %get3A_2850] : memref<256x128xf32, #tpu.memory_space<vmem>>, vector<1x128xf32>
    %add3A_2852 = vector.broadcast %get3A_2851 : vector<1x128xf32> to vector<128x128xf32>
    %add3A_2853 = arith.addf %get3A_2848, %add3A_2852 : vector<128x128xf32>
    %min3A_2854 = arith.minimumf %max3A_2842, %add3A_2853 : vector<128x128xf32>
    %max3A_2855 = arith.maximumf %max3A_2842, %add3A_2853 : vector<128x128xf32>
    %max3A_2856 = arith.maximumf %max3A_2843, %min3A_2854 : vector<128x128xf32>
    %get3A_2857 = arith.constant 220 : index
    %get3A_2858 = arith.constant 0 : index
    %get3A_2859 = arith.constant 0 : index
    %get3A_2860 = vector.load %arg3[%get3A_2857, %get3A_2858, %get3A_2859] : memref<256x128x128xf32, #tpu.memory_space<vmem>>, vector<1x128x128xf32>
    %get3A_2861 = vector.shape_cast %get3A_2860 : vector<1x128x128xf32> to vector<128x128xf32>
    %get3A_2862 = arith.constant 220 : index
    %get3A_2863 = arith.constant 0 : index
    %get3A_2864 = vector.load %arg2[%get3A_2862, %get3A_2863] : memref<256x128xf32, #tpu.memory_space<vmem>>, vector<1x128xf32>
    %add3A_2865 = vector.broadcast %get3A_2864 : vector<1x128xf32> to vector<128x128xf32>
    %add3A_2866 = arith.addf %get3A_2861, %add3A_2865 : vector<128x128xf32>
    %min3A_2867 = arith.minimumf %max3A_2855, %add3A_2866 : vector<128x128xf32>
    %max3A_2868 = arith.maximumf %max3A_2855, %add3A_2866 : vector<128x128xf32>
    %max3A_2869 = arith.maximumf %max3A_2856, %min3A_2867 : vector<128x128xf32>
    %get3A_2870 = arith.constant 221 : index
    %get3A_2871 = arith.constant 0 : index
    %get3A_2872 = arith.constant 0 : index
    %get3A_2873 = vector.load %arg3[%get3A_2870, %get3A_2871, %get3A_2872] : memref<256x128x128xf32, #tpu.memory_space<vmem>>, vector<1x128x128xf32>
    %get3A_2874 = vector.shape_cast %get3A_2873 : vector<1x128x128xf32> to vector<128x128xf32>
    %get3A_2875 = arith.constant 221 : index
    %get3A_2876 = arith.constant 0 : index
    %get3A_2877 = vector.load %arg2[%get3A_2875, %get3A_2876] : memref<256x128xf32, #tpu.memory_space<vmem>>, vector<1x128xf32>
    %add3A_2878 = vector.broadcast %get3A_2877 : vector<1x128xf32> to vector<128x128xf32>
    %add3A_2879 = arith.addf %get3A_2874, %add3A_2878 : vector<128x128xf32>
    %min3A_2880 = arith.minimumf %max3A_2868, %add3A_2879 : vector<128x128xf32>
    %max3A_2881 = arith.maximumf %max3A_2868, %add3A_2879 : vector<128x128xf32>
    %max3A_2882 = arith.maximumf %max3A_2869, %min3A_2880 : vector<128x128xf32>
    %get3A_2883 = arith.constant 222 : index
    %get3A_2884 = arith.constant 0 : index
    %get3A_2885 = arith.constant 0 : index
    %get3A_2886 = vector.load %arg3[%get3A_2883, %get3A_2884, %get3A_2885] : memref<256x128x128xf32, #tpu.memory_space<vmem>>, vector<1x128x128xf32>
    %get3A_2887 = vector.shape_cast %get3A_2886 : vector<1x128x128xf32> to vector<128x128xf32>
    %get3A_2888 = arith.constant 222 : index
    %get3A_2889 = arith.constant 0 : index
    %get3A_2890 = vector.load %arg2[%get3A_2888, %get3A_2889] : memref<256x128xf32, #tpu.memory_space<vmem>>, vector<1x128xf32>
    %add3A_2891 = vector.broadcast %get3A_2890 : vector<1x128xf32> to vector<128x128xf32>
    %add3A_2892 = arith.addf %get3A_2887, %add3A_2891 : vector<128x128xf32>
    %min3A_2893 = arith.minimumf %max3A_2881, %add3A_2892 : vector<128x128xf32>
    %max3A_2894 = arith.maximumf %max3A_2881, %add3A_2892 : vector<128x128xf32>
    %max3A_2895 = arith.maximumf %max3A_2882, %min3A_2893 : vector<128x128xf32>
    %get3A_2896 = arith.constant 223 : index
    %get3A_2897 = arith.constant 0 : index
    %get3A_2898 = arith.constant 0 : index
    %get3A_2899 = vector.load %arg3[%get3A_2896, %get3A_2897, %get3A_2898] : memref<256x128x128xf32, #tpu.memory_space<vmem>>, vector<1x128x128xf32>
    %get3A_2900 = vector.shape_cast %get3A_2899 : vector<1x128x128xf32> to vector<128x128xf32>
    %get3A_2901 = arith.constant 223 : index
    %get3A_2902 = arith.constant 0 : index
    %get3A_2903 = vector.load %arg2[%get3A_2901, %get3A_2902] : memref<256x128xf32, #tpu.memory_space<vmem>>, vector<1x128xf32>
    %add3A_2904 = vector.broadcast %get3A_2903 : vector<1x128xf32> to vector<128x128xf32>
    %add3A_2905 = arith.addf %get3A_2900, %add3A_2904 : vector<128x128xf32>
    %min3A_2906 = arith.minimumf %max3A_2894, %add3A_2905 : vector<128x128xf32>
    %max3A_2907 = arith.maximumf %max3A_2894, %add3A_2905 : vector<128x128xf32>
    %max3A_2908 = arith.maximumf %max3A_2895, %min3A_2906 : vector<128x128xf32>
    %get3A_2909 = arith.constant 224 : index
    %get3A_2910 = arith.constant 0 : index
    %get3A_2911 = arith.constant 0 : index
    %get3A_2912 = vector.load %arg3[%get3A_2909, %get3A_2910, %get3A_2911] : memref<256x128x128xf32, #tpu.memory_space<vmem>>, vector<1x128x128xf32>
    %get3A_2913 = vector.shape_cast %get3A_2912 : vector<1x128x128xf32> to vector<128x128xf32>
    %get3A_2914 = arith.constant 224 : index
    %get3A_2915 = arith.constant 0 : index
    %get3A_2916 = vector.load %arg2[%get3A_2914, %get3A_2915] : memref<256x128xf32, #tpu.memory_space<vmem>>, vector<1x128xf32>
    %add3A_2917 = vector.broadcast %get3A_2916 : vector<1x128xf32> to vector<128x128xf32>
    %add3A_2918 = arith.addf %get3A_2913, %add3A_2917 : vector<128x128xf32>
    %min3A_2919 = arith.minimumf %max3A_2907, %add3A_2918 : vector<128x128xf32>
    %max3A_2920 = arith.maximumf %max3A_2907, %add3A_2918 : vector<128x128xf32>
    %max3A_2921 = arith.maximumf %max3A_2908, %min3A_2919 : vector<128x128xf32>
    %get3A_2922 = arith.constant 225 : index
    %get3A_2923 = arith.constant 0 : index
    %get3A_2924 = arith.constant 0 : index
    %get3A_2925 = vector.load %arg3[%get3A_2922, %get3A_2923, %get3A_2924] : memref<256x128x128xf32, #tpu.memory_space<vmem>>, vector<1x128x128xf32>
    %get3A_2926 = vector.shape_cast %get3A_2925 : vector<1x128x128xf32> to vector<128x128xf32>
    %get3A_2927 = arith.constant 225 : index
    %get3A_2928 = arith.constant 0 : index
    %get3A_2929 = vector.load %arg2[%get3A_2927, %get3A_2928] : memref<256x128xf32, #tpu.memory_space<vmem>>, vector<1x128xf32>
    %add3A_2930 = vector.broadcast %get3A_2929 : vector<1x128xf32> to vector<128x128xf32>
    %add3A_2931 = arith.addf %get3A_2926, %add3A_2930 : vector<128x128xf32>
    %min3A_2932 = arith.minimumf %max3A_2920, %add3A_2931 : vector<128x128xf32>
    %max3A_2933 = arith.maximumf %max3A_2920, %add3A_2931 : vector<128x128xf32>
    %max3A_2934 = arith.maximumf %max3A_2921, %min3A_2932 : vector<128x128xf32>
    %get3A_2935 = arith.constant 226 : index
    %get3A_2936 = arith.constant 0 : index
    %get3A_2937 = arith.constant 0 : index
    %get3A_2938 = vector.load %arg3[%get3A_2935, %get3A_2936, %get3A_2937] : memref<256x128x128xf32, #tpu.memory_space<vmem>>, vector<1x128x128xf32>
    %get3A_2939 = vector.shape_cast %get3A_2938 : vector<1x128x128xf32> to vector<128x128xf32>
    %get3A_2940 = arith.constant 226 : index
    %get3A_2941 = arith.constant 0 : index
    %get3A_2942 = vector.load %arg2[%get3A_2940, %get3A_2941] : memref<256x128xf32, #tpu.memory_space<vmem>>, vector<1x128xf32>
    %add3A_2943 = vector.broadcast %get3A_2942 : vector<1x128xf32> to vector<128x128xf32>
    %add3A_2944 = arith.addf %get3A_2939, %add3A_2943 : vector<128x128xf32>
    %min3A_2945 = arith.minimumf %max3A_2933, %add3A_2944 : vector<128x128xf32>
    %max3A_2946 = arith.maximumf %max3A_2933, %add3A_2944 : vector<128x128xf32>
    %max3A_2947 = arith.maximumf %max3A_2934, %min3A_2945 : vector<128x128xf32>
    %get3A_2948 = arith.constant 227 : index
    %get3A_2949 = arith.constant 0 : index
    %get3A_2950 = arith.constant 0 : index
    %get3A_2951 = vector.load %arg3[%get3A_2948, %get3A_2949, %get3A_2950] : memref<256x128x128xf32, #tpu.memory_space<vmem>>, vector<1x128x128xf32>
    %get3A_2952 = vector.shape_cast %get3A_2951 : vector<1x128x128xf32> to vector<128x128xf32>
    %get3A_2953 = arith.constant 227 : index
    %get3A_2954 = arith.constant 0 : index
    %get3A_2955 = vector.load %arg2[%get3A_2953, %get3A_2954] : memref<256x128xf32, #tpu.memory_space<vmem>>, vector<1x128xf32>
    %add3A_2956 = vector.broadcast %get3A_2955 : vector<1x128xf32> to vector<128x128xf32>
    %add3A_2957 = arith.addf %get3A_2952, %add3A_2956 : vector<128x128xf32>
    %min3A_2958 = arith.minimumf %max3A_2946, %add3A_2957 : vector<128x128xf32>
    %max3A_2959 = arith.maximumf %max3A_2946, %add3A_2957 : vector<128x128xf32>
    %max3A_2960 = arith.maximumf %max3A_2947, %min3A_2958 : vector<128x128xf32>
    %get3A_2961 = arith.constant 228 : index
    %get3A_2962 = arith.constant 0 : index
    %get3A_2963 = arith.constant 0 : index
    %get3A_2964 = vector.load %arg3[%get3A_2961, %get3A_2962, %get3A_2963] : memref<256x128x128xf32, #tpu.memory_space<vmem>>, vector<1x128x128xf32>
    %get3A_2965 = vector.shape_cast %get3A_2964 : vector<1x128x128xf32> to vector<128x128xf32>
    %get3A_2966 = arith.constant 228 : index
    %get3A_2967 = arith.constant 0 : index
    %get3A_2968 = vector.load %arg2[%get3A_2966, %get3A_2967] : memref<256x128xf32, #tpu.memory_space<vmem>>, vector<1x128xf32>
    %add3A_2969 = vector.broadcast %get3A_2968 : vector<1x128xf32> to vector<128x128xf32>
    %add3A_2970 = arith.addf %get3A_2965, %add3A_2969 : vector<128x128xf32>
    %min3A_2971 = arith.minimumf %max3A_2959, %add3A_2970 : vector<128x128xf32>
    %max3A_2972 = arith.maximumf %max3A_2959, %add3A_2970 : vector<128x128xf32>
    %max3A_2973 = arith.maximumf %max3A_2960, %min3A_2971 : vector<128x128xf32>
    %get3A_2974 = arith.constant 229 : index
    %get3A_2975 = arith.constant 0 : index
    %get3A_2976 = arith.constant 0 : index
    %get3A_2977 = vector.load %arg3[%get3A_2974, %get3A_2975, %get3A_2976] : memref<256x128x128xf32, #tpu.memory_space<vmem>>, vector<1x128x128xf32>
    %get3A_2978 = vector.shape_cast %get3A_2977 : vector<1x128x128xf32> to vector<128x128xf32>
    %get3A_2979 = arith.constant 229 : index
    %get3A_2980 = arith.constant 0 : index
    %get3A_2981 = vector.load %arg2[%get3A_2979, %get3A_2980] : memref<256x128xf32, #tpu.memory_space<vmem>>, vector<1x128xf32>
    %add3A_2982 = vector.broadcast %get3A_2981 : vector<1x128xf32> to vector<128x128xf32>
    %add3A_2983 = arith.addf %get3A_2978, %add3A_2982 : vector<128x128xf32>
    %min3A_2984 = arith.minimumf %max3A_2972, %add3A_2983 : vector<128x128xf32>
    %max3A_2985 = arith.maximumf %max3A_2972, %add3A_2983 : vector<128x128xf32>
    %max3A_2986 = arith.maximumf %max3A_2973, %min3A_2984 : vector<128x128xf32>
    %get3A_2987 = arith.constant 230 : index
    %get3A_2988 = arith.constant 0 : index
    %get3A_2989 = arith.constant 0 : index
    %get3A_2990 = vector.load %arg3[%get3A_2987, %get3A_2988, %get3A_2989] : memref<256x128x128xf32, #tpu.memory_space<vmem>>, vector<1x128x128xf32>
    %get3A_2991 = vector.shape_cast %get3A_2990 : vector<1x128x128xf32> to vector<128x128xf32>
    %get3A_2992 = arith.constant 230 : index
    %get3A_2993 = arith.constant 0 : index
    %get3A_2994 = vector.load %arg2[%get3A_2992, %get3A_2993] : memref<256x128xf32, #tpu.memory_space<vmem>>, vector<1x128xf32>
    %add3A_2995 = vector.broadcast %get3A_2994 : vector<1x128xf32> to vector<128x128xf32>
    %add3A_2996 = arith.addf %get3A_2991, %add3A_2995 : vector<128x128xf32>
    %min3A_2997 = arith.minimumf %max3A_2985, %add3A_2996 : vector<128x128xf32>
    %max3A_2998 = arith.maximumf %max3A_2985, %add3A_2996 : vector<128x128xf32>
    %max3A_2999 = arith.maximumf %max3A_2986, %min3A_2997 : vector<128x128xf32>
    %get3A_3000 = arith.constant 231 : index
    %get3A_3001 = arith.constant 0 : index
    %get3A_3002 = arith.constant 0 : index
    %get3A_3003 = vector.load %arg3[%get3A_3000, %get3A_3001, %get3A_3002] : memref<256x128x128xf32, #tpu.memory_space<vmem>>, vector<1x128x128xf32>
    %get3A_3004 = vector.shape_cast %get3A_3003 : vector<1x128x128xf32> to vector<128x128xf32>
    %get3A_3005 = arith.constant 231 : index
    %get3A_3006 = arith.constant 0 : index
    %get3A_3007 = vector.load %arg2[%get3A_3005, %get3A_3006] : memref<256x128xf32, #tpu.memory_space<vmem>>, vector<1x128xf32>
    %add3A_3008 = vector.broadcast %get3A_3007 : vector<1x128xf32> to vector<128x128xf32>
    %add3A_3009 = arith.addf %get3A_3004, %add3A_3008 : vector<128x128xf32>
    %min3A_3010 = arith.minimumf %max3A_2998, %add3A_3009 : vector<128x128xf32>
    %max3A_3011 = arith.maximumf %max3A_2998, %add3A_3009 : vector<128x128xf32>
    %max3A_3012 = arith.maximumf %max3A_2999, %min3A_3010 : vector<128x128xf32>
    %get3A_3013 = arith.constant 232 : index
    %get3A_3014 = arith.constant 0 : index
    %get3A_3015 = arith.constant 0 : index
    %get3A_3016 = vector.load %arg3[%get3A_3013, %get3A_3014, %get3A_3015] : memref<256x128x128xf32, #tpu.memory_space<vmem>>, vector<1x128x128xf32>
    %get3A_3017 = vector.shape_cast %get3A_3016 : vector<1x128x128xf32> to vector<128x128xf32>
    %get3A_3018 = arith.constant 232 : index
    %get3A_3019 = arith.constant 0 : index
    %get3A_3020 = vector.load %arg2[%get3A_3018, %get3A_3019] : memref<256x128xf32, #tpu.memory_space<vmem>>, vector<1x128xf32>
    %add3A_3021 = vector.broadcast %get3A_3020 : vector<1x128xf32> to vector<128x128xf32>
    %add3A_3022 = arith.addf %get3A_3017, %add3A_3021 : vector<128x128xf32>
    %min3A_3023 = arith.minimumf %max3A_3011, %add3A_3022 : vector<128x128xf32>
    %max3A_3024 = arith.maximumf %max3A_3011, %add3A_3022 : vector<128x128xf32>
    %max3A_3025 = arith.maximumf %max3A_3012, %min3A_3023 : vector<128x128xf32>
    %get3A_3026 = arith.constant 233 : index
    %get3A_3027 = arith.constant 0 : index
    %get3A_3028 = arith.constant 0 : index
    %get3A_3029 = vector.load %arg3[%get3A_3026, %get3A_3027, %get3A_3028] : memref<256x128x128xf32, #tpu.memory_space<vmem>>, vector<1x128x128xf32>
    %get3A_3030 = vector.shape_cast %get3A_3029 : vector<1x128x128xf32> to vector<128x128xf32>
    %get3A_3031 = arith.constant 233 : index
    %get3A_3032 = arith.constant 0 : index
    %get3A_3033 = vector.load %arg2[%get3A_3031, %get3A_3032] : memref<256x128xf32, #tpu.memory_space<vmem>>, vector<1x128xf32>
    %add3A_3034 = vector.broadcast %get3A_3033 : vector<1x128xf32> to vector<128x128xf32>
    %add3A_3035 = arith.addf %get3A_3030, %add3A_3034 : vector<128x128xf32>
    %min3A_3036 = arith.minimumf %max3A_3024, %add3A_3035 : vector<128x128xf32>
    %max3A_3037 = arith.maximumf %max3A_3024, %add3A_3035 : vector<128x128xf32>
    %max3A_3038 = arith.maximumf %max3A_3025, %min3A_3036 : vector<128x128xf32>
    %get3A_3039 = arith.constant 234 : index
    %get3A_3040 = arith.constant 0 : index
    %get3A_3041 = arith.constant 0 : index
    %get3A_3042 = vector.load %arg3[%get3A_3039, %get3A_3040, %get3A_3041] : memref<256x128x128xf32, #tpu.memory_space<vmem>>, vector<1x128x128xf32>
    %get3A_3043 = vector.shape_cast %get3A_3042 : vector<1x128x128xf32> to vector<128x128xf32>
    %get3A_3044 = arith.constant 234 : index
    %get3A_3045 = arith.constant 0 : index
    %get3A_3046 = vector.load %arg2[%get3A_3044, %get3A_3045] : memref<256x128xf32, #tpu.memory_space<vmem>>, vector<1x128xf32>
    %add3A_3047 = vector.broadcast %get3A_3046 : vector<1x128xf32> to vector<128x128xf32>
    %add3A_3048 = arith.addf %get3A_3043, %add3A_3047 : vector<128x128xf32>
    %min3A_3049 = arith.minimumf %max3A_3037, %add3A_3048 : vector<128x128xf32>
    %max3A_3050 = arith.maximumf %max3A_3037, %add3A_3048 : vector<128x128xf32>
    %max3A_3051 = arith.maximumf %max3A_3038, %min3A_3049 : vector<128x128xf32>
    %get3A_3052 = arith.constant 235 : index
    %get3A_3053 = arith.constant 0 : index
    %get3A_3054 = arith.constant 0 : index
    %get3A_3055 = vector.load %arg3[%get3A_3052, %get3A_3053, %get3A_3054] : memref<256x128x128xf32, #tpu.memory_space<vmem>>, vector<1x128x128xf32>
    %get3A_3056 = vector.shape_cast %get3A_3055 : vector<1x128x128xf32> to vector<128x128xf32>
    %get3A_3057 = arith.constant 235 : index
    %get3A_3058 = arith.constant 0 : index
    %get3A_3059 = vector.load %arg2[%get3A_3057, %get3A_3058] : memref<256x128xf32, #tpu.memory_space<vmem>>, vector<1x128xf32>
    %add3A_3060 = vector.broadcast %get3A_3059 : vector<1x128xf32> to vector<128x128xf32>
    %add3A_3061 = arith.addf %get3A_3056, %add3A_3060 : vector<128x128xf32>
    %min3A_3062 = arith.minimumf %max3A_3050, %add3A_3061 : vector<128x128xf32>
    %max3A_3063 = arith.maximumf %max3A_3050, %add3A_3061 : vector<128x128xf32>
    %max3A_3064 = arith.maximumf %max3A_3051, %min3A_3062 : vector<128x128xf32>
    %get3A_3065 = arith.constant 236 : index
    %get3A_3066 = arith.constant 0 : index
    %get3A_3067 = arith.constant 0 : index
    %get3A_3068 = vector.load %arg3[%get3A_3065, %get3A_3066, %get3A_3067] : memref<256x128x128xf32, #tpu.memory_space<vmem>>, vector<1x128x128xf32>
    %get3A_3069 = vector.shape_cast %get3A_3068 : vector<1x128x128xf32> to vector<128x128xf32>
    %get3A_3070 = arith.constant 236 : index
    %get3A_3071 = arith.constant 0 : index
    %get3A_3072 = vector.load %arg2[%get3A_3070, %get3A_3071] : memref<256x128xf32, #tpu.memory_space<vmem>>, vector<1x128xf32>
    %add3A_3073 = vector.broadcast %get3A_3072 : vector<1x128xf32> to vector<128x128xf32>
    %add3A_3074 = arith.addf %get3A_3069, %add3A_3073 : vector<128x128xf32>
    %min3A_3075 = arith.minimumf %max3A_3063, %add3A_3074 : vector<128x128xf32>
    %max3A_3076 = arith.maximumf %max3A_3063, %add3A_3074 : vector<128x128xf32>
    %max3A_3077 = arith.maximumf %max3A_3064, %min3A_3075 : vector<128x128xf32>
    %get3A_3078 = arith.constant 237 : index
    %get3A_3079 = arith.constant 0 : index
    %get3A_3080 = arith.constant 0 : index
    %get3A_3081 = vector.load %arg3[%get3A_3078, %get3A_3079, %get3A_3080] : memref<256x128x128xf32, #tpu.memory_space<vmem>>, vector<1x128x128xf32>
    %get3A_3082 = vector.shape_cast %get3A_3081 : vector<1x128x128xf32> to vector<128x128xf32>
    %get3A_3083 = arith.constant 237 : index
    %get3A_3084 = arith.constant 0 : index
    %get3A_3085 = vector.load %arg2[%get3A_3083, %get3A_3084] : memref<256x128xf32, #tpu.memory_space<vmem>>, vector<1x128xf32>
    %add3A_3086 = vector.broadcast %get3A_3085 : vector<1x128xf32> to vector<128x128xf32>
    %add3A_3087 = arith.addf %get3A_3082, %add3A_3086 : vector<128x128xf32>
    %min3A_3088 = arith.minimumf %max3A_3076, %add3A_3087 : vector<128x128xf32>
    %max3A_3089 = arith.maximumf %max3A_3076, %add3A_3087 : vector<128x128xf32>
    %max3A_3090 = arith.maximumf %max3A_3077, %min3A_3088 : vector<128x128xf32>
    %get3A_3091 = arith.constant 238 : index
    %get3A_3092 = arith.constant 0 : index
    %get3A_3093 = arith.constant 0 : index
    %get3A_3094 = vector.load %arg3[%get3A_3091, %get3A_3092, %get3A_3093] : memref<256x128x128xf32, #tpu.memory_space<vmem>>, vector<1x128x128xf32>
    %get3A_3095 = vector.shape_cast %get3A_3094 : vector<1x128x128xf32> to vector<128x128xf32>
    %get3A_3096 = arith.constant 238 : index
    %get3A_3097 = arith.constant 0 : index
    %get3A_3098 = vector.load %arg2[%get3A_3096, %get3A_3097] : memref<256x128xf32, #tpu.memory_space<vmem>>, vector<1x128xf32>
    %add3A_3099 = vector.broadcast %get3A_3098 : vector<1x128xf32> to vector<128x128xf32>
    %add3A_3100 = arith.addf %get3A_3095, %add3A_3099 : vector<128x128xf32>
    %min3A_3101 = arith.minimumf %max3A_3089, %add3A_3100 : vector<128x128xf32>
    %max3A_3102 = arith.maximumf %max3A_3089, %add3A_3100 : vector<128x128xf32>
    %max3A_3103 = arith.maximumf %max3A_3090, %min3A_3101 : vector<128x128xf32>
    %get3A_3104 = arith.constant 239 : index
    %get3A_3105 = arith.constant 0 : index
    %get3A_3106 = arith.constant 0 : index
    %get3A_3107 = vector.load %arg3[%get3A_3104, %get3A_3105, %get3A_3106] : memref<256x128x128xf32, #tpu.memory_space<vmem>>, vector<1x128x128xf32>
    %get3A_3108 = vector.shape_cast %get3A_3107 : vector<1x128x128xf32> to vector<128x128xf32>
    %get3A_3109 = arith.constant 239 : index
    %get3A_3110 = arith.constant 0 : index
    %get3A_3111 = vector.load %arg2[%get3A_3109, %get3A_3110] : memref<256x128xf32, #tpu.memory_space<vmem>>, vector<1x128xf32>
    %add3A_3112 = vector.broadcast %get3A_3111 : vector<1x128xf32> to vector<128x128xf32>
    %add3A_3113 = arith.addf %get3A_3108, %add3A_3112 : vector<128x128xf32>
    %min3A_3114 = arith.minimumf %max3A_3102, %add3A_3113 : vector<128x128xf32>
    %max3A_3115 = arith.maximumf %max3A_3102, %add3A_3113 : vector<128x128xf32>
    %max3A_3116 = arith.maximumf %max3A_3103, %min3A_3114 : vector<128x128xf32>
    %get3A_3117 = arith.constant 240 : index
    %get3A_3118 = arith.constant 0 : index
    %get3A_3119 = arith.constant 0 : index
    %get3A_3120 = vector.load %arg3[%get3A_3117, %get3A_3118, %get3A_3119] : memref<256x128x128xf32, #tpu.memory_space<vmem>>, vector<1x128x128xf32>
    %get3A_3121 = vector.shape_cast %get3A_3120 : vector<1x128x128xf32> to vector<128x128xf32>
    %get3A_3122 = arith.constant 240 : index
    %get3A_3123 = arith.constant 0 : index
    %get3A_3124 = vector.load %arg2[%get3A_3122, %get3A_3123] : memref<256x128xf32, #tpu.memory_space<vmem>>, vector<1x128xf32>
    %add3A_3125 = vector.broadcast %get3A_3124 : vector<1x128xf32> to vector<128x128xf32>
    %add3A_3126 = arith.addf %get3A_3121, %add3A_3125 : vector<128x128xf32>
    %min3A_3127 = arith.minimumf %max3A_3115, %add3A_3126 : vector<128x128xf32>
    %max3A_3128 = arith.maximumf %max3A_3115, %add3A_3126 : vector<128x128xf32>
    %max3A_3129 = arith.maximumf %max3A_3116, %min3A_3127 : vector<128x128xf32>
    %get3A_3130 = arith.constant 241 : index
    %get3A_3131 = arith.constant 0 : index
    %get3A_3132 = arith.constant 0 : index
    %get3A_3133 = vector.load %arg3[%get3A_3130, %get3A_3131, %get3A_3132] : memref<256x128x128xf32, #tpu.memory_space<vmem>>, vector<1x128x128xf32>
    %get3A_3134 = vector.shape_cast %get3A_3133 : vector<1x128x128xf32> to vector<128x128xf32>
    %get3A_3135 = arith.constant 241 : index
    %get3A_3136 = arith.constant 0 : index
    %get3A_3137 = vector.load %arg2[%get3A_3135, %get3A_3136] : memref<256x128xf32, #tpu.memory_space<vmem>>, vector<1x128xf32>
    %add3A_3138 = vector.broadcast %get3A_3137 : vector<1x128xf32> to vector<128x128xf32>
    %add3A_3139 = arith.addf %get3A_3134, %add3A_3138 : vector<128x128xf32>
    %min3A_3140 = arith.minimumf %max3A_3128, %add3A_3139 : vector<128x128xf32>
    %max3A_3141 = arith.maximumf %max3A_3128, %add3A_3139 : vector<128x128xf32>
    %max3A_3142 = arith.maximumf %max3A_3129, %min3A_3140 : vector<128x128xf32>
    %get3A_3143 = arith.constant 242 : index
    %get3A_3144 = arith.constant 0 : index
    %get3A_3145 = arith.constant 0 : index
    %get3A_3146 = vector.load %arg3[%get3A_3143, %get3A_3144, %get3A_3145] : memref<256x128x128xf32, #tpu.memory_space<vmem>>, vector<1x128x128xf32>
    %get3A_3147 = vector.shape_cast %get3A_3146 : vector<1x128x128xf32> to vector<128x128xf32>
    %get3A_3148 = arith.constant 242 : index
    %get3A_3149 = arith.constant 0 : index
    %get3A_3150 = vector.load %arg2[%get3A_3148, %get3A_3149] : memref<256x128xf32, #tpu.memory_space<vmem>>, vector<1x128xf32>
    %add3A_3151 = vector.broadcast %get3A_3150 : vector<1x128xf32> to vector<128x128xf32>
    %add3A_3152 = arith.addf %get3A_3147, %add3A_3151 : vector<128x128xf32>
    %min3A_3153 = arith.minimumf %max3A_3141, %add3A_3152 : vector<128x128xf32>
    %max3A_3154 = arith.maximumf %max3A_3141, %add3A_3152 : vector<128x128xf32>
    %max3A_3155 = arith.maximumf %max3A_3142, %min3A_3153 : vector<128x128xf32>
    %get3A_3156 = arith.constant 243 : index
    %get3A_3157 = arith.constant 0 : index
    %get3A_3158 = arith.constant 0 : index
    %get3A_3159 = vector.load %arg3[%get3A_3156, %get3A_3157, %get3A_3158] : memref<256x128x128xf32, #tpu.memory_space<vmem>>, vector<1x128x128xf32>
    %get3A_3160 = vector.shape_cast %get3A_3159 : vector<1x128x128xf32> to vector<128x128xf32>
    %get3A_3161 = arith.constant 243 : index
    %get3A_3162 = arith.constant 0 : index
    %get3A_3163 = vector.load %arg2[%get3A_3161, %get3A_3162] : memref<256x128xf32, #tpu.memory_space<vmem>>, vector<1x128xf32>
    %add3A_3164 = vector.broadcast %get3A_3163 : vector<1x128xf32> to vector<128x128xf32>
    %add3A_3165 = arith.addf %get3A_3160, %add3A_3164 : vector<128x128xf32>
    %min3A_3166 = arith.minimumf %max3A_3154, %add3A_3165 : vector<128x128xf32>
    %max3A_3167 = arith.maximumf %max3A_3154, %add3A_3165 : vector<128x128xf32>
    %max3A_3168 = arith.maximumf %max3A_3155, %min3A_3166 : vector<128x128xf32>
    %get3A_3169 = arith.constant 244 : index
    %get3A_3170 = arith.constant 0 : index
    %get3A_3171 = arith.constant 0 : index
    %get3A_3172 = vector.load %arg3[%get3A_3169, %get3A_3170, %get3A_3171] : memref<256x128x128xf32, #tpu.memory_space<vmem>>, vector<1x128x128xf32>
    %get3A_3173 = vector.shape_cast %get3A_3172 : vector<1x128x128xf32> to vector<128x128xf32>
    %get3A_3174 = arith.constant 244 : index
    %get3A_3175 = arith.constant 0 : index
    %get3A_3176 = vector.load %arg2[%get3A_3174, %get3A_3175] : memref<256x128xf32, #tpu.memory_space<vmem>>, vector<1x128xf32>
    %add3A_3177 = vector.broadcast %get3A_3176 : vector<1x128xf32> to vector<128x128xf32>
    %add3A_3178 = arith.addf %get3A_3173, %add3A_3177 : vector<128x128xf32>
    %min3A_3179 = arith.minimumf %max3A_3167, %add3A_3178 : vector<128x128xf32>
    %max3A_3180 = arith.maximumf %max3A_3167, %add3A_3178 : vector<128x128xf32>
    %max3A_3181 = arith.maximumf %max3A_3168, %min3A_3179 : vector<128x128xf32>
    %get3A_3182 = arith.constant 245 : index
    %get3A_3183 = arith.constant 0 : index
    %get3A_3184 = arith.constant 0 : index
    %get3A_3185 = vector.load %arg3[%get3A_3182, %get3A_3183, %get3A_3184] : memref<256x128x128xf32, #tpu.memory_space<vmem>>, vector<1x128x128xf32>
    %get3A_3186 = vector.shape_cast %get3A_3185 : vector<1x128x128xf32> to vector<128x128xf32>
    %get3A_3187 = arith.constant 245 : index
    %get3A_3188 = arith.constant 0 : index
    %get3A_3189 = vector.load %arg2[%get3A_3187, %get3A_3188] : memref<256x128xf32, #tpu.memory_space<vmem>>, vector<1x128xf32>
    %add3A_3190 = vector.broadcast %get3A_3189 : vector<1x128xf32> to vector<128x128xf32>
    %add3A_3191 = arith.addf %get3A_3186, %add3A_3190 : vector<128x128xf32>
    %min3A_3192 = arith.minimumf %max3A_3180, %add3A_3191 : vector<128x128xf32>
    %max3A_3193 = arith.maximumf %max3A_3180, %add3A_3191 : vector<128x128xf32>
    %max3A_3194 = arith.maximumf %max3A_3181, %min3A_3192 : vector<128x128xf32>
    %get3A_3195 = arith.constant 246 : index
    %get3A_3196 = arith.constant 0 : index
    %get3A_3197 = arith.constant 0 : index
    %get3A_3198 = vector.load %arg3[%get3A_3195, %get3A_3196, %get3A_3197] : memref<256x128x128xf32, #tpu.memory_space<vmem>>, vector<1x128x128xf32>
    %get3A_3199 = vector.shape_cast %get3A_3198 : vector<1x128x128xf32> to vector<128x128xf32>
    %get3A_3200 = arith.constant 246 : index
    %get3A_3201 = arith.constant 0 : index
    %get3A_3202 = vector.load %arg2[%get3A_3200, %get3A_3201] : memref<256x128xf32, #tpu.memory_space<vmem>>, vector<1x128xf32>
    %add3A_3203 = vector.broadcast %get3A_3202 : vector<1x128xf32> to vector<128x128xf32>
    %add3A_3204 = arith.addf %get3A_3199, %add3A_3203 : vector<128x128xf32>
    %min3A_3205 = arith.minimumf %max3A_3193, %add3A_3204 : vector<128x128xf32>
    %max3A_3206 = arith.maximumf %max3A_3193, %add3A_3204 : vector<128x128xf32>
    %max3A_3207 = arith.maximumf %max3A_3194, %min3A_3205 : vector<128x128xf32>
    %get3A_3208 = arith.constant 247 : index
    %get3A_3209 = arith.constant 0 : index
    %get3A_3210 = arith.constant 0 : index
    %get3A_3211 = vector.load %arg3[%get3A_3208, %get3A_3209, %get3A_3210] : memref<256x128x128xf32, #tpu.memory_space<vmem>>, vector<1x128x128xf32>
    %get3A_3212 = vector.shape_cast %get3A_3211 : vector<1x128x128xf32> to vector<128x128xf32>
    %get3A_3213 = arith.constant 247 : index
    %get3A_3214 = arith.constant 0 : index
    %get3A_3215 = vector.load %arg2[%get3A_3213, %get3A_3214] : memref<256x128xf32, #tpu.memory_space<vmem>>, vector<1x128xf32>
    %add3A_3216 = vector.broadcast %get3A_3215 : vector<1x128xf32> to vector<128x128xf32>
    %add3A_3217 = arith.addf %get3A_3212, %add3A_3216 : vector<128x128xf32>
    %min3A_3218 = arith.minimumf %max3A_3206, %add3A_3217 : vector<128x128xf32>
    %max3A_3219 = arith.maximumf %max3A_3206, %add3A_3217 : vector<128x128xf32>
    %max3A_3220 = arith.maximumf %max3A_3207, %min3A_3218 : vector<128x128xf32>
    %get3A_3221 = arith.constant 248 : index
    %get3A_3222 = arith.constant 0 : index
    %get3A_3223 = arith.constant 0 : index
    %get3A_3224 = vector.load %arg3[%get3A_3221, %get3A_3222, %get3A_3223] : memref<256x128x128xf32, #tpu.memory_space<vmem>>, vector<1x128x128xf32>
    %get3A_3225 = vector.shape_cast %get3A_3224 : vector<1x128x128xf32> to vector<128x128xf32>
    %get3A_3226 = arith.constant 248 : index
    %get3A_3227 = arith.constant 0 : index
    %get3A_3228 = vector.load %arg2[%get3A_3226, %get3A_3227] : memref<256x128xf32, #tpu.memory_space<vmem>>, vector<1x128xf32>
    %add3A_3229 = vector.broadcast %get3A_3228 : vector<1x128xf32> to vector<128x128xf32>
    %add3A_3230 = arith.addf %get3A_3225, %add3A_3229 : vector<128x128xf32>
    %min3A_3231 = arith.minimumf %max3A_3219, %add3A_3230 : vector<128x128xf32>
    %max3A_3232 = arith.maximumf %max3A_3219, %add3A_3230 : vector<128x128xf32>
    %max3A_3233 = arith.maximumf %max3A_3220, %min3A_3231 : vector<128x128xf32>
    %get3A_3234 = arith.constant 249 : index
    %get3A_3235 = arith.constant 0 : index
    %get3A_3236 = arith.constant 0 : index
    %get3A_3237 = vector.load %arg3[%get3A_3234, %get3A_3235, %get3A_3236] : memref<256x128x128xf32, #tpu.memory_space<vmem>>, vector<1x128x128xf32>
    %get3A_3238 = vector.shape_cast %get3A_3237 : vector<1x128x128xf32> to vector<128x128xf32>
    %get3A_3239 = arith.constant 249 : index
    %get3A_3240 = arith.constant 0 : index
    %get3A_3241 = vector.load %arg2[%get3A_3239, %get3A_3240] : memref<256x128xf32, #tpu.memory_space<vmem>>, vector<1x128xf32>
    %add3A_3242 = vector.broadcast %get3A_3241 : vector<1x128xf32> to vector<128x128xf32>
    %add3A_3243 = arith.addf %get3A_3238, %add3A_3242 : vector<128x128xf32>
    %min3A_3244 = arith.minimumf %max3A_3232, %add3A_3243 : vector<128x128xf32>
    %max3A_3245 = arith.maximumf %max3A_3232, %add3A_3243 : vector<128x128xf32>
    %max3A_3246 = arith.maximumf %max3A_3233, %min3A_3244 : vector<128x128xf32>
    %get3A_3247 = arith.constant 250 : index
    %get3A_3248 = arith.constant 0 : index
    %get3A_3249 = arith.constant 0 : index
    %get3A_3250 = vector.load %arg3[%get3A_3247, %get3A_3248, %get3A_3249] : memref<256x128x128xf32, #tpu.memory_space<vmem>>, vector<1x128x128xf32>
    %get3A_3251 = vector.shape_cast %get3A_3250 : vector<1x128x128xf32> to vector<128x128xf32>
    %get3A_3252 = arith.constant 250 : index
    %get3A_3253 = arith.constant 0 : index
    %get3A_3254 = vector.load %arg2[%get3A_3252, %get3A_3253] : memref<256x128xf32, #tpu.memory_space<vmem>>, vector<1x128xf32>
    %add3A_3255 = vector.broadcast %get3A_3254 : vector<1x128xf32> to vector<128x128xf32>
    %add3A_3256 = arith.addf %get3A_3251, %add3A_3255 : vector<128x128xf32>
    %min3A_3257 = arith.minimumf %max3A_3245, %add3A_3256 : vector<128x128xf32>
    %max3A_3258 = arith.maximumf %max3A_3245, %add3A_3256 : vector<128x128xf32>
    %max3A_3259 = arith.maximumf %max3A_3246, %min3A_3257 : vector<128x128xf32>
    %get3A_3260 = arith.constant 251 : index
    %get3A_3261 = arith.constant 0 : index
    %get3A_3262 = arith.constant 0 : index
    %get3A_3263 = vector.load %arg3[%get3A_3260, %get3A_3261, %get3A_3262] : memref<256x128x128xf32, #tpu.memory_space<vmem>>, vector<1x128x128xf32>
    %get3A_3264 = vector.shape_cast %get3A_3263 : vector<1x128x128xf32> to vector<128x128xf32>
    %get3A_3265 = arith.constant 251 : index
    %get3A_3266 = arith.constant 0 : index
    %get3A_3267 = vector.load %arg2[%get3A_3265, %get3A_3266] : memref<256x128xf32, #tpu.memory_space<vmem>>, vector<1x128xf32>
    %add3A_3268 = vector.broadcast %get3A_3267 : vector<1x128xf32> to vector<128x128xf32>
    %add3A_3269 = arith.addf %get3A_3264, %add3A_3268 : vector<128x128xf32>
    %min3A_3270 = arith.minimumf %max3A_3258, %add3A_3269 : vector<128x128xf32>
    %max3A_3271 = arith.maximumf %max3A_3258, %add3A_3269 : vector<128x128xf32>
    %max3A_3272 = arith.maximumf %max3A_3259, %min3A_3270 : vector<128x128xf32>
    %get3A_3273 = arith.constant 252 : index
    %get3A_3274 = arith.constant 0 : index
    %get3A_3275 = arith.constant 0 : index
    %get3A_3276 = vector.load %arg3[%get3A_3273, %get3A_3274, %get3A_3275] : memref<256x128x128xf32, #tpu.memory_space<vmem>>, vector<1x128x128xf32>
    %get3A_3277 = vector.shape_cast %get3A_3276 : vector<1x128x128xf32> to vector<128x128xf32>
    %get3A_3278 = arith.constant 252 : index
    %get3A_3279 = arith.constant 0 : index
    %get3A_3280 = vector.load %arg2[%get3A_3278, %get3A_3279] : memref<256x128xf32, #tpu.memory_space<vmem>>, vector<1x128xf32>
    %add3A_3281 = vector.broadcast %get3A_3280 : vector<1x128xf32> to vector<128x128xf32>
    %add3A_3282 = arith.addf %get3A_3277, %add3A_3281 : vector<128x128xf32>
    %min3A_3283 = arith.minimumf %max3A_3271, %add3A_3282 : vector<128x128xf32>
    %max3A_3284 = arith.maximumf %max3A_3271, %add3A_3282 : vector<128x128xf32>
    %max3A_3285 = arith.maximumf %max3A_3272, %min3A_3283 : vector<128x128xf32>
    %get3A_3286 = arith.constant 253 : index
    %get3A_3287 = arith.constant 0 : index
    %get3A_3288 = arith.constant 0 : index
    %get3A_3289 = vector.load %arg3[%get3A_3286, %get3A_3287, %get3A_3288] : memref<256x128x128xf32, #tpu.memory_space<vmem>>, vector<1x128x128xf32>
    %get3A_3290 = vector.shape_cast %get3A_3289 : vector<1x128x128xf32> to vector<128x128xf32>
    %get3A_3291 = arith.constant 253 : index
    %get3A_3292 = arith.constant 0 : index
    %get3A_3293 = vector.load %arg2[%get3A_3291, %get3A_3292] : memref<256x128xf32, #tpu.memory_space<vmem>>, vector<1x128xf32>
    %add3A_3294 = vector.broadcast %get3A_3293 : vector<1x128xf32> to vector<128x128xf32>
    %add3A_3295 = arith.addf %get3A_3290, %add3A_3294 : vector<128x128xf32>
    %min3A_3296 = arith.minimumf %max3A_3284, %add3A_3295 : vector<128x128xf32>
    %max3A_3297 = arith.maximumf %max3A_3284, %add3A_3295 : vector<128x128xf32>
    %max3A_3298 = arith.maximumf %max3A_3285, %min3A_3296 : vector<128x128xf32>
    %get3A_3299 = arith.constant 254 : index
    %get3A_3300 = arith.constant 0 : index
    %get3A_3301 = arith.constant 0 : index
    %get3A_3302 = vector.load %arg3[%get3A_3299, %get3A_3300, %get3A_3301] : memref<256x128x128xf32, #tpu.memory_space<vmem>>, vector<1x128x128xf32>
    %get3A_3303 = vector.shape_cast %get3A_3302 : vector<1x128x128xf32> to vector<128x128xf32>
    %get3A_3304 = arith.constant 254 : index
    %get3A_3305 = arith.constant 0 : index
    %get3A_3306 = vector.load %arg2[%get3A_3304, %get3A_3305] : memref<256x128xf32, #tpu.memory_space<vmem>>, vector<1x128xf32>
    %add3A_3307 = vector.broadcast %get3A_3306 : vector<1x128xf32> to vector<128x128xf32>
    %add3A_3308 = arith.addf %get3A_3303, %add3A_3307 : vector<128x128xf32>
    %min3A_3309 = arith.minimumf %max3A_3297, %add3A_3308 : vector<128x128xf32>
    %max3A_3310 = arith.maximumf %max3A_3297, %add3A_3308 : vector<128x128xf32>
    %max3A_3311 = arith.maximumf %max3A_3298, %min3A_3309 : vector<128x128xf32>
    %get3A_3312 = arith.constant 255 : index
    %get3A_3313 = arith.constant 0 : index
    %get3A_3314 = arith.constant 0 : index
    %get3A_3315 = vector.load %arg3[%get3A_3312, %get3A_3313, %get3A_3314] : memref<256x128x128xf32, #tpu.memory_space<vmem>>, vector<1x128x128xf32>
    %get3A_3316 = vector.shape_cast %get3A_3315 : vector<1x128x128xf32> to vector<128x128xf32>
    %get3A_3317 = arith.constant 255 : index
    %get3A_3318 = arith.constant 0 : index
    %get3A_3319 = vector.load %arg2[%get3A_3317, %get3A_3318] : memref<256x128xf32, #tpu.memory_space<vmem>>, vector<1x128xf32>
    %add3A_3320 = vector.broadcast %get3A_3319 : vector<1x128xf32> to vector<128x128xf32>
    %add3A_3321 = arith.addf %get3A_3316, %add3A_3320 : vector<128x128xf32>
    %min3A_3322 = arith.minimumf %max3A_3310, %add3A_3321 : vector<128x128xf32>
    %max3A_3323 = arith.maximumf %max3A_3310, %add3A_3321 : vector<128x128xf32>
    %max3A_3324 = arith.maximumf %max3A_3311, %min3A_3322 : vector<128x128xf32>
    %sub3A = arith.subf %max3A_3323, %max3A_3324 : vector<128x128xf32>
    %transpose3A = tpu.transpose %sub3A, [1, 0] : vector<128x128xf32> -> vector<128x128xf32>
    %swap3A = arith.constant 0 : index
    %swap3A_3325 = arith.constant 0 : index
    %swap3A_3326 = vector.load %arg4[%swap3A, %swap3A_3325] : memref<128x128xf32, #tpu.memory_space<vmem>>, vector<128x128xf32>
    tpu.vector_store %arg4[%swap3A, %swap3A_3325], %transpose3A {strides = array<i32>} : memref<128x128xf32, #tpu.memory_space<vmem>>, vector<128x128xf32>,
    return
  }
  func.func @transform_0(%arg0: i32, %arg1: i32) -> (i32, i32) {
    %c0_i32 = arith.constant 0 : i32
    %c0_i32_0 = arith.constant 0 : i32
    return %c0_i32, %arg1 : i32, i32
  }
  func.func @transform_1(%arg0: i32, %arg1: i32) -> (i32, i32, i32) {
    %c0_i32 = arith.constant 0 : i32
    %c0_i32_0 = arith.constant 0 : i32
    %c0_i32_1 = arith.constant 0 : i32
    return %c0_i32, %arg0, %c0_i32_0 : i32, i32, i32
  }
  func.func @transform_2(%arg0: i32, %arg1: i32) -> (i32, i32) {
    %c0_i32 = arith.constant 0 : i32
    return %arg1, %arg0 : i32, i32
  }
}

</mosaic_0001>

<sc_bundles>
// kernel: kernel.4.cloned.1.call-start
scs
__scs_entry_jumppad:
0x0: {  	(pc) =	sbr.rel $0x88, $3  }
0x1: {  	(tag) =	ssettag $0x0;
	lr =	simm.s32 $0x1  }
0x2: {  	[smem:$0x3F9F] =	sst lr;
	_ =	strace $0xD0000000  }
0x3: {  	_ = 	snop  }
0x4: {  	_ = 	snop  }
0x5: {  	_ = 	snop  }
0x6: {  	_ = 	snop  }
0x7: {  	_ = 	snop  }
__scs_overlays_trampoline_lowered:
0x8: {  	[smem:$0x3FAE] =	sst s0  }
0x9: {  	[smem:$0x3FAF] =	sst s1  }
0xa: {  	[smem:$0x3FB0] =	sst s2  }
0xb: {  	[smem:$0x3FB1] =	sst s3  }
0xc: {  	[smem:$0x3FB2] =	sst s4  }
0xd: {  	[smem:$0x3FB3] =	sst s5  }
0xe: {  	[smem:$0x3FB4] =	sst s6  }
0xf: {  	[smem:$0x3FB5] =	sst s7  }
0x10: {  	[smem:$0x3FB6] =	sst s8  }
0x11: {  	[smem:$0x3FB7] =	sst s9;
	s0 =	simm.s32 @!p0 $0x0  }
0x12: {  	s1 =	sld [smem:$0x3F9D];
	s0 =	simm.s32 @p0 $0x1  }
0x13: {  	[smem:$0x3FB8] =	sst s0;
	s0 =	simm.s32 @!p1 $0x0  }
0x14: {  	s2 =	sld [smem:$0x3F9C];
	s0 =	simm.s32 @p1 $0x1  }
0x15: {  	[smem:$0x3FB9] =	sst s0;
	s0 =	simm.s32 @!p2 $0x0  }
0x16: {  	s3 =	sld [smem:$0x3FDB];
	s0 =	simm.s32 @p2 $0x1  }
0x17: {  	s4 =	simm.s32 $0x1BF5;
	[smem:$0x3FBB] =	sst s0  }
0x18: {  	s0 =	sld [smem:$0x3F9E];
	_ =	swait.ge [sflag:s4], $0x0  }
0x19: {  	s7 =	sld [smem:$0x3F9F]  }
0x1a: {  	s8 =	sadd.s32 $0xFFFFE003, lr  }
0x1b: {  	s9 =	sadd.s32 $0xFFFFFEF7, lr;
	s5 =	simm.s32 $0xFFFFFFFF;
	p2 =	slt.u32 s8, $0xFFFFF086  }
0x1c: {  	p1 =	slt.u32 s9, $0xF7A;
	s5 =	simm.s32 @!p2 $0x0  }
0x1d: {  	s5 =	simm.s32 @p1 $0x1;
	p0 =	seq.s32 s7, s2  }
0x1e: {  	s7 =	smul.u32 @!p0 $0xF7A, s2;
	p2 =	seq.s32 @!p0 s5, $0x0  }
0x1f: {  	s9 =	smul.u32 $0xF7A, s1;
	s8 =	simm.s32 @!p0 $0x1BF5;
	p2 =	por !p2, p0  }
0x20: {  	[sflag:s8] =	ssyncset.s32 @!p0 $0xFFFFF086;
	s6 =	sadd.s32 @!p0 s3, s7;
	s7 =	simm.s32 @!p0 $0x108  }
0x21: {  	s3 =	sadd.s32 s3, s9;
	s6 =	sadd.s32 @!p0 $0x88, s6;
	s7 =	simm.s32 @p2 $0x1082  }
0x22: {  	[simem:s7], [sflag:s8] =	dma.local @!p0 [hbm:s6], $0xF7A  }
0x23: {  	s9 =	sor.u32 $0xD0000000, s2;
	s6 =	simm.s32 $0x108;
	_ =	swait.ge @!p0 [sflag:s8], $0x0  }
0x24: {  	s3 =	sadd.s32 $0x88, s3;
	s6 =	simm.s32 @!p1 $0x1082;
	[sflag:s4] =	ssyncset.s32 $0xFFFFF086  }
0x25: {  	[simem:s6], [sflag:s4] =	dma.local [hbm:s3], $0xF7A  }
0x26: {  	[smem:$0x3F9F] =	sst s1;
	(tag) =	ssettag s2;
	_ =	strace s9  }
0x27: {  	s1 =	sld [smem:$0x3FAF]  }
0x28: {  	s2 =	sld [smem:$0x3FB0]  }
0x29: {  	s4 =	sld [smem:$0x3FB2]  }
0x2a: {  	p0 =	seq.s32 s5, $0x0;
	s5 =	sld [smem:$0x3FB3]  }
0x2b: {  	s6 =	sld [smem:$0x3FB4]  }
0x2c: {  	s7 =	sld [smem:$0x3FB5]  }
0x2d: {  	s3 =	simm.s32 $0x108;
	s8 =	sld [smem:$0x3FB6]  }
0x2e: {  	s3 =	simm.s32 @!p0 $0x1082;
	s9 =	sld [smem:$0x3FB7]  }
0x2f: {  	lr =	sadd.s32 s0, s3;
	s0 =	sld [smem:$0x3FAE]  }
0x30: {  	s3 =	sld [smem:$0x3FB1]  }
0x31: {  	[smem:$0x3FBA] =	sst s10  }
0x32: {  	s10 =	sld [smem:$0x3FB8];
	_ =	sdelay $0x3  }
0x33: {  	p0 =	seq.s32 s10, $0x1;
	s10 =	sld [smem:$0x3FBA];
	_ =	sdelay $0x3  }
0x34: {  	[smem:$0x3FBA] =	sst s10  }
0x35: {  	s10 =	sld [smem:$0x3FB9];
	_ =	sdelay $0x3  }
0x36: {  	p1 =	seq.s32 s10, $0x1;
	s10 =	sld [smem:$0x3FBA];
	_ =	sdelay $0x3  }
0x37: {  	[smem:$0x3FBA] =	sst s10  }
0x38: {  	s10 =	sld [smem:$0x3FBB]  }
0x39: {  	_ = 	snop;
	(pc) =	sbr.ind lr, $3  }
0x3a: {  	_ = 	snop  }
0x3b: {  	_ = 	snop  }
0x3c: {  	p2 =	seq.s32 s10, $0x1;
	s10 =	sld [smem:$0x3FBA]  }
0x3d: {  	_ =	shalt  }
0x3e: {  	_ =	shalt  }
0x3f: {  	_ =	shalt  }
0x40: {  	_ =	shalt  }
0x41: {  	_ =	shalt  }
0x42: {  	_ =	shalt  }
0x43: {  	_ =	shalt  }
0x44: {  	_ =	shalt  }
0x45: {  	_ =	shalt  }
0x46: {  	_ =	shalt  }
0x47: {  	_ =	shalt  }
0x48: {  	_ =	shalt  }
0x49: {  	_ =	shalt  }
0x4a: {  	_ =	shalt  }
0x4b: {  	_ =	shalt  }
0x4c: {  	_ =	shalt  }
0x4d: {  	_ =	shalt  }
0x4e: {  	_ =	shalt  }
0x4f: {  	_ =	shalt  }
0x50: {  	_ =	shalt  }
0x51: {  	_ =	shalt  }
0x52: {  	_ =	shalt  }
0x53: {  	_ =	shalt  }
0x54: {  	_ =	shalt  }
0x55: {  	_ =	shalt  }
0x56: {  	_ =	shalt  }
0x57: {  	_ =	shalt  }
0x58: {  	_ =	shalt  }
0x59: {  	_ =	shalt  }
0x5a: {  	_ =	shalt  }
0x5b: {  	_ =	shalt  }
0x5c: {  	_ =	shalt  }
0x5d: {  	_ =	shalt  }
0x5e: {  	_ =	shalt  }
0x5f: {  	_ =	shalt  }
0x60: {  	_ =	shalt  }
0x61: {  	_ =	shalt  }
0x62: {  	_ =	shalt  }
0x63: {  	_ =	shalt  }
0x64: {  	_ =	shalt  }
0x65: {  	_ =	shalt  }
0x66: {  	_ =	shalt  }
0x67: {  	_ =	shalt  }
0x68: {  	_ =	shalt  }
0x69: {  	_ =	shalt  }
0x6a: {  	_ =	shalt  }
0x6b: {  	_ =	shalt  }
0x6c: {  	_ =	shalt  }
0x6d: {  	_ =	shalt  }
0x6e: {  	_ =	shalt  }
0x6f: {  	_ =	shalt  }
0x70: {  	_ =	shalt  }
0x71: {  	_ =	shalt  }
0x72: {  	_ =	shalt  }
0x73: {  	_ =	shalt  }
0x74: {  	_ =	shalt  }
0x75: {  	_ =	shalt  }
0x76: {  	_ =	shalt  }
0x77: {  	_ =	shalt  }
0x78: {  	_ =	shalt  }
0x79: {  	_ =	shalt  }
0x7a: {  	_ =	shalt  }
0x7b: {  	_ =	shalt  }
0x7c: {  	_ =	shalt  }
0x7d: {  	_ =	shalt  }
0x7e: {  	_ =	shalt  }
0x7f: {  	_ =	shalt  }
0x80: {  	_ =	shalt  }
0x81: {  	_ =	shalt  }
0x82: {  	_ =	shalt  }
0x83: {  	_ =	shalt  }
0x84: {  	_ =	shalt  }
0x85: {  	_ =	shalt  }
0x86: {  	_ =	shalt  }
0x87: {  	_ =	shalt  }
.Lfunc_end0:
.L_simem_size_0:
called_computation_lowered:
.L_overlay_start_0:
0x88: {  	s2 =	sld [smem:$0x3FD9]  }
0x89: {  	s3 =	sld [smem:$0x3FFE];
	_ =	sdelay $0x1  }
0x8a: {  	s1 =	srdreg.scid  }
0x8b: {  	s0 =	sand.u32 $0x1, s1  }
0x8c: {  	s17 =	sshll.u32 s0, $0xA;
	s2 =	sadd.s32 s3, s2  }
0x8d: {  	s2 =	sadd.s32 s2, s17  }
0x8e: {  	[smem:$0x3FC6] =	sst s2  }
0x8f: {  	_ = 	snop  }
0x90: {  	s2 =	sld [smem:$0x3FC9]  }
0x91: {  	s18 =	sld [smem:$0x3FD0];
	(tm) =	ssettm $0x1  }
0x92: {  	s4 =	sld [smem:$0x3FFB];
	_ =	sdelay $0x3  }
0x93: {  	_ =	strace s4  }
0x94: {  	s4 =	sld [smem:$0x3FFC];
	_ =	sdelay $0x3  }
0x95: {  	_ =	strace s4  }
0x96: {  	s4 =	sld [smem:$0x3FFD];
	_ =	sdelay $0x3  }
0x97: {  	_ =	strace s4  }
0x98: {  	_ =	strace $0x8FFFFFFF  }
0x99: {  	s19 =	sld [smem:$0x3FDB];
	_ =	sdelay $0x1  }
0x9a: {  	s5 =	simm.s32 $_scs_section_size  }
0x9b: {  	s6 =	simm.s32 $_size__tile_overlayer_lowered;
	s7 =	simm.s32 $_tile_overlayer_lowered  }
0x9c: {  	s22 =	simm.s32 $0x1BFF;
	s21 =	sshll.u32 s7, $0x1;
	s4 =	sadd.s32 s5, s19  }
0x9d: {  	s8 =	simm.s32 $0x0;
	s20 =	sshll.u32 s6, $0x1;
	s6 =	sadd.s32 s21, s4  }
0x9e: {  	[timem:s8], [sflag:s22] =	dma.local [hbm:s6], s20  }
0x9f: {  	_ =	swait.ge [sflag:s22], s20  }
0xa0: {  	s5 =	ssub.s32 $0x0, s20;
	[sflag:s22] =	ssyncset.done $0x0  }
0xa1: {  	[sflag:s22] =	ssyncadd.s32 s5;
	_ =	sdelay $0x1  }
0xa2: {  	s23 =	simm.s32 $0x1B8B  }
0xa3: {  	_ =	swait.ge [sflag:s23], $0x1  }
0xa4: {  	[sflag:s23] =	ssyncset.done $0x0  }
0xa5: {  	s25 =	simm.s32 $0x1B8E;
	s24 =	sld [smem:$0x3FFE];
	[sflag:s23] =	ssyncadd.s32 $0xFFFFFFFF  }
0xa6: {  	s26 =	simm.s32 $execute0_lowered;
	[smem:$0x3FD2] =	sst s25  }
0xa7: {  	s6 =	sshll.u32 s26, $0x1;
	_ =	strace $0x80000046;
	[dreg:$0x1] =	wrdreg $0xFFFFFFFF  }
0xa8: {  	s28 =	simm.s32 $_size_execute0_lowered;
	s4 =	sadd.s32 s4, s6;
	[dreg:$0x0] =	wrdreg $0x0  }
0xa9: {  	s6 =	sshll.u32 s28, $0x1;
	[dreg:$0x2] =	wrdreg s4  }
0xaa: {  	[dreg:$0x3] =	wrdreg s6  }
0xab: {  	[dreg:$0x4] =	wrdreg $0xC0  }
0xac: {  	_ =	task [dreg:s8], $0x5FFFF  }
0xad: {  	[dreg:$0x1] =	wrdreg $0xFFFFFFFF  }
0xae: {  	[dreg:$0x0] =	wrdreg $0x60  }
0xaf: {  	[dreg:$0x2] =	wrdreg s2  }
0xb0: {  	[dreg:$0x3] =	wrdreg s18  }
0xb1: {  	[dreg:$0x4] =	wrdreg s24  }
0xb2: {  	[dreg:$0x5] =	wrdreg $0x9  }
0xb3: {  	_ =	task.clear_ibuf [dreg:s8], $0x6FFFF;
	_ =	strace $0x90000046  }
0xb4: {  	s29 =	simm.s32 $0x9;
	_ =	strace $0x80000048  }
0xb5: {  	_ =	swait.ge [sflag:s29], $0x1  }
0xb6: {  	[sflag:s29] =	ssyncadd.s32 $0xFFFFFFFF  }
0xb7: {  	_ =	strace $0x90000048  }
0xb8: {  	_ =	sfence  }
0xb9: {  	s30 =	sld [smem:$0x0];
	_ =	sdelay $0x2  }
0xba: {  	s31 =	sshll.u32 s1, $0xD;
	s1 =	sshrl.u32 s1, $0x2  }
0xbb: {  	s3 =	sand.u32 $0x4000, s31;
	s1 =	sadd.s32 s1, s30  }
0xbc: {  	s0 =	sor.u32 s3, s0;
	s1 =	sshll.u32 s1, $0x11  }
0xbd: {  	s0 =	sor.u32 s1, s0  }
0xbe: {  	s0 =	sadd.s32 $0x8F2B, s0  }
0xbf: {  	[sflag:s0] =	ssyncadd.remote.s32 $0x1  }
0xc0: {  	_ =	sfence.sel $0xFFFF  }
0xc1: {  	[dreg:$0x0] =	wrdreg $0xFFFFFFFF;
	(pc) =	sbr.abs _section_cstart, $3  }
0xc2: {  	[dreg:$0x1] =	wrdreg $0xFFFFFFFF  }
0xc3: {  	_ =	task.clear_ibuf [dreg:s8], $0x2FFFF;
	_ =	strace $0x9FFFFFFF  }
0xc4: {  	(tm) =	ssettm $0x7FFFFFFF  }
0xc5: {  	_ =	shalt  }
tec
execute0_lowered:
.L_overlay_start_1:
0x0: {  	(tag) =	ssettag $0x1  }
0x1: {  	s4 =	rddreg [dreg:$0x0]  }
0x2: {  	s1 =	rddreg [dreg:$0x1]  }
0x3: {  	s5 =	rddreg [dreg:$0x2]  }
0x4: {  	s0 =	rddreg [dreg:$0x3];
	s6 =	srdreg.scid  }
0x5: {  	s3 =	simm.s32 $0x0;
	s2 =	stileid.u32;
	s6 =	sand.u32 $0x1, s6  }
0x6: {  	s10 =	simm.s32 $0x0;
	s7 =	sshll.u32 s2, $0x6;
	s8 =	sshll.u32 s6, $0x5  }
0x7: {  	[smem:$0x7FF] =	sst s3;
	s6 =	ssub.s32 $0x2, s6;
	s7 =	sor.u32 s8, s7  }
0x8: {  	_ =	strace $0x80000047;
	s9 =	sshrl.u32 s6, $0x1;
	s8 =	sshll.u32 s7, $0x4  }
0x9: {  	s7 =	sshll.u32 s7, $0x5;
	s6 =	ssub.s32 s6, s9;
	s9 =	simm.s32 $0xA000  }
0xa: {  	s5 =	sadd.s32 s8, s5;
	s4 =	sadd.s32 s4, s7;
	s6 =	smax.u32 s6, $0x1  }
0xb: {  	s7 =	simm.s32 $0x1;
	s8 =	simm.s32 $0x2000;
	s5 =	sadd.s32 $0x800, s5  }
.LBB2_1:
0xc: {  	[tilespmem:s3], [sflag:$0x1] =	stream.linear.gather [hbm4b:s4+s3], $0x2000, $0x38;
	[tilespmem:$0xB000] =	vst v63  }
0xd: {  	_ =	swait.ge [sflag:s7], $0x2000  }
0xe: {  	[sflag:s7] =	ssyncset.done $0x0  }
0xf: {  	[sflag:s7] =	ssyncadd.s32 $0xFFFFE000  }
0x10: {  	[tilespmem:s8], [sflag:$0x1] =	stream.linear.gather [hbm4b:s1+s3], $0x8000, $0x38;
	[tilespmem:$0xB000] =	vst v63  }
0x11: {  	_ =	swait.ge [sflag:s7], $0x8000  }
0x12: {  	[sflag:s7] =	ssyncset.done $0x0  }
0x13: {  	s11 =	simm.s32 $0x0;
	[sflag:s7] =	ssyncadd.s32 $0xFFFF8000  }
.LBB2_2:
0x14: {  	v0 =	vmov s11;
	s12 =	simm.s32 $0x0  }
0x15: {  	v1 =	vshll.u32 v0, $0x8;
	v2 =	vmov s12  }
0x16: {  	v0 =	vshll.u32 v0, $0x7;
	v1 =	vand.u32 $0x1800, v1;
	v3 =	vshll.u32 v2, $0x3  }
0x17: {  	v0 =	vand.u32 $0x380, v0;
	v2 =	vand.u32 $0x7E, v2;
	v3 =	vand.u32 $0x400, v3  }
0x18: {  	s31 =	simm.s32 $0x1;
	v0 =	vor.u32 v0, v1;
	v2 =	vor.u32 v3, v2  }
0x19: {  	v1 =	vmov s31;
	v2 =	vor.u32 v0, v2  }
0x1a: {  	s12 =	simm.s32 $0x2080;
	v3 =	vshll.u32 v1, $0x3  }
0x1b: {  	v4 =	vld [tilespmem:s12+$0xFFFFFFB0];
	v1 =	vand.u32 $0x7F, v1;
	v3 =	vand.u32 $0x400, v3  }
0x1c: {  	v6 =	vld [tilespmem:s12+$0xFFFFFFF0];
	v1 =	vor.u32 v3, v1  }
0x1d: {  	v7 =	vld [tilespmem:s12+$0xFFFFFFA0];
	v1 =	vor.u32 v0, v1  }
0x1e: {  	v5 =	vld.idx.msk [tilespmem:v2+s3+$0x0], $0xffff  }
0x1f: {  	v2 =	vld [tilespmem:s12+$0xFFFFFF80]  }
0x20: {  	v8 =	vld [tilespmem:s12+$0x60]  }
0x21: {  	v16 =	vimm.f32 $-Inf;
	v3 =	vld [tilespmem:s12+$0xFFFFFFE0]  }
0x22: {  	v26 =	vimm.f32 $-Inf;
	v15 =	vimm.f32 $-Inf;
	v24 =	vimm.f32 $-Inf;
	v9 =	vld.idx.msk [tilespmem:v1+s3+$0x0], $0xffff  }
0x23: {  	v18 =	vimm.f32 $-Inf;
	v14 =	vimm.f32 $-Inf;
	v12 =	vimm.f32 $-Inf;
	v1 =	vld [tilespmem:s12+$0x10]  }
0x24: {  	v19 =	vimm.f32 $-Inf;
	v13 =	vimm.f32 $-Inf;
	v27 =	vld [tilespmem:s12+$0x50];
	v23 =	vadd.f32 v2, v5  }
0x25: {  	v11 =	vimm.f32 $-Inf;
	v22 =	vld [tilespmem:s12+$0x0];
	v20 =	vadd.f32 v6, v5;
	v29 =	vadd.f32 v7, v5  }
0x26: {  	v28 =	vld [tilespmem:s12+$0x40];
	v21 =	vadd.f32 v3, v5;
	v25 =	vadd.f32 v4, v5;
	v7 =	vimm.f32 $-Inf  }
0x27: {  	v30 =	vld [tilespmem:s12+$0x20];
	v6 =	vimm.f32 $-Inf;
	v4 =	vimm.f32 $-Inf;
	v2 =	vmin.f32 v16, v23  }
0x28: {  	v31 =	vld [tilespmem:s12+$0xFFFFFFC0];
	v10 =	vadd.f32 v1, v9;
	v32 =	vmin.f32 v16, v29;
	v17 =	vadd.f32 v8, v9  }
0x29: {  	s13 =	simm.s32 $0x2;
	s14 =	simm.s32 $0x2180;
	v3 =	vld [tilespmem:s12+$0x70];
	v1 =	vimm.f32 $-Inf;
	v8 =	vimm.f32 $-Inf;
	v2 =	vmax.f32 v16, v2  }
.LBB2_3:
0x2a: {  	s15 =	sadd.s32 $0x1, s13  }
0x2b: {  	v33 =	vld [tilespmem:s14+$0x70];
	p0 =	sne.s32 s13, $0xFE;
	v29 =	vmax.f32 v16, v29;
	v26 =	vmax.f32 v26, v32;
	v32 =	vadd.f32 v27, v9;
	s16 =	smov.u32 s13;
	s13 =	sadd.s32 $0x2, s13  }
0x2c: {  	v15 =	vmax.f32 v15, v23;
	v23 =	vmax.f32 v24, v25;
	v16 =	vmov s15;
	v27 =	vld [tilespmem:s12+$0xFFFFFFD0]  }
0x2d: {  	v24 =	vmin.f32 v24, v25;
	v34 =	vshll.u32 v16, $0x3;
	v25 =	vadd.f32 v28, v9  }
0x2e: {  	v28 =	vand.u32 $0x400, v34;
	v34 =	vmax.f32 v18, v20;
	v30 =	vadd.f32 v30, v9  }
0x2f: {  	v22 =	vadd.f32 v22, v9;
	v16 =	vand.u32 $0x7F, v16;
	v31 =	vadd.f32 v31, v5  }
0x30: {  	v35 =	vmax.f32 v14, v21;
	v36 =	vadd.f32 v3, v9;
	v28 =	vor.u32 v28, v16;
	v3 =	vmovc v33  }
0x31: {  	v14 =	vmin.f32 v14, v21;
	v21 =	vmin.f32 v15, v22;
	v33 =	vld [tilespmem:s12+$0xFFFFFF90];
	v27 =	vadd.f32 v27, v5  }
0x32: {  	v37 =	vmov s16;
	v18 =	vmin.f32 v18, v20;
	v15 =	vmax.f32 v15, v22;
	v20 =	vld [tilespmem:s12+$0x30];
	s12 =	smov.u32 s14  }
0x33: {  	v12 =	vmax.f32 v12, v14;
	v22 =	vshll.u32 v37, $0x3;
	v16 =	vmax.f32 v29, v30  }
0x34: {  	v14 =	vand.u32 $0x7E, v37;
	v22 =	vand.u32 $0x400, v22;
	v29 =	vmin.f32 v29, v30  }
0x35: {  	v19 =	vmax.f32 v19, v24;
	v14 =	vor.u32 v22, v14;
	v22 =	vmin.f32 v34, v36  }
0x36: {  	v30 =	vmin.f32 v35, v17;
	v24 =	vor.u32 v0, v14;
	v5 =	vadd.f32 v33, v5  }
0x37: {  	v14 =	vmax.f32 v35, v17;
	v12 =	vmax.f32 v12, v30;
	v33 =	vld [tilespmem:s14+$0xFFFFFFE0];
	v20 =	vadd.f32 v20, v9  }
0x38: {  	v30 =	vmin.f32 v6, v31;
	v9 =	vor.u32 v0, v28;
	v17 =	vld [tilespmem:s14+$0xFFFFFFB0];
	v28 =	vmax.f32 v7, v5  }
0x39: {  	v1 =	vmax.f32 v1, v18;
	v37 =	vmax.f32 v13, v27;
	v35 =	vld [tilespmem:s14+$0xFFFFFFF0];
	v38 =	vmin.f32 v23, v20  }
0x3a: {  	v18 =	vmin.f32 v7, v5;
	v7 =	vmin.f32 v13, v27;
	v13 =	vmin.f32 v28, v10;
	v39 =	vld [tilespmem:s14+$0xFFFFFFA0]  }
0x3b: {  	v11 =	vmax.f32 v11, v7;
	v7 =	vmax.f32 v28, v10;
	v10 =	vmin.f32 v37, v32;
	v5 =	vld.idx.msk [tilespmem:v24+s3+$0x0], $0xffff  }
0x3c: {  	v6 =	vmax.f32 v6, v31;
	v8 =	vmax.f32 v8, v18;
	v18 =	vmax.f32 v34, v36;
	v28 =	vld [tilespmem:s14+$0xFFFFFF80]  }
0x3d: {  	v1 =	vmax.f32 v1, v22;
	v8 =	vmax.f32 v8, v13;
	v13 =	vmin.f32 v6, v25;
	v9 =	vld.idx.msk [tilespmem:v9+s3+$0x0], $0xffff  }
0x3e: {  	v4 =	vmax.f32 v4, v30;
	v6 =	vmax.f32 v6, v25;
	v11 =	vmax.f32 v11, v10;
	v31 =	vld [tilespmem:s14+$0x10]  }
0x3f: {  	v26 =	vmax.f32 v26, v29;
	v24 =	vmax.f32 v23, v20;
	v4 =	vmax.f32 v4, v13;
	v34 =	vld [tilespmem:s14+$0x60]  }
.Ltmp0:
0x40: {  	v2 =	vmax.f32 v2, v21;
	v19 =	vmax.f32 v19, v38;
	v13 =	vmax.f32 v37, v32;
	v27 =	vld [tilespmem:s14+$0x50];
	(pc) =	sbr.rel @p0 .LBB2_3-.Ltmp0, $4  }
0x41: {  	v20 =	vadd.f32 v35, v5;
	v23 =	vadd.f32 v28, v5;
	v22 =	vld [tilespmem:s14+$0x0]  }
0x42: {  	v29 =	vadd.f32 v39, v5;
	v21 =	vadd.f32 v33, v5;
	v28 =	vld [tilespmem:s14+$0x40]  }
0x43: {  	v25 =	vadd.f32 v17, v5;
	v32 =	vmin.f32 v15, v23;
	v10 =	vadd.f32 v31, v9;
	v30 =	vld [tilespmem:s14+$0x20]  }
0x44: {  	s14 =	sadd.s32 $0x100, s14;
	v2 =	vmax.f32 v2, v32;
	v32 =	vmin.f32 v16, v29;
	v31 =	vld [tilespmem:s12+$0xFFFFFFC0];
	v17 =	vadd.f32 v34, v9  }
0x45: {  	v0 =	vmax.f32 v16, v29  }
0x46: {  	v26 =	vmax.f32 v26, v32;
	v27 =	vadd.f32 v27, v9;
	v15 =	vmax.f32 v15, v23  }
0x47: {  	v56 =	vmax.f32 v24, v25;
	v57 =	vmin.f32 v24, v25;
	v61 =	vmax.f32 v14, v21  }
0x48: {  	v62 =	vmin.f32 v14, v21;
	v36 =	vmax.f32 v18, v20;
	v3 =	vadd.f32 v3, v9  }
0x49: {  	v55 =	vld [tilespmem:s12+$0xFFFFFFD0];
	v37 =	vmin.f32 v18, v20;
	v22 =	vadd.f32 v22, v9;
	v12 =	vmax.f32 v12, v62  }
0x4a: {  	v59 =	vld [tilespmem:s12+$0xFFFFFF90];
	v19 =	vmax.f32 v19, v57;
	v43 =	vmin.f32 v61, v17;
	v44 =	vmax.f32 v61, v17  }
0x4b: {  	v63 =	vld [tilespmem:s12+$0x30];
	v1 =	vmax.f32 v1, v37;
	v58 =	vadd.f32 v28, v9;
	v41 =	vmin.f32 v36, v3  }
0x4c: {  	v61 =	vmax.f32 v12, v43;
	v3 =	vmax.f32 v36, v3;
	v60 =	vadd.f32 v30, v9  }
0x4d: {  	v38 =	vmin.f32 v15, v22;
	v15 =	vmax.f32 v15, v22;
	v1 =	vmax.f32 v1, v41  }
0x4e: {  	v31 =	vadd.f32 v31, v5;
	v2 =	vmax.f32 v2, v38;
	v1 =	vsub.f32 v3, v1  }
0x4f: {  	v16 =	vadd.f32 v55, v5;
	v39 =	vmax.f32 v0, v60;
	v40 =	vadd.f32 v59, v5  }
0x50: {  	v0 =	vmin.f32 v0, v60;
	v42 =	vadd.f32 v63, v9;
	v2 =	vsub.f32 v15, v2  }
0x51: {  	v63 =	vsub.f32 v44, v61;
	v46 =	vmin.f32 v6, v31;
	v53 =	vmax.f32 v6, v31  }
0x52: {  	v0 =	vmax.f32 v26, v0;
	v45 =	vmax.f32 v7, v40;
	v47 =	vmax.f32 v13, v16  }
0x53: {  	s31 =	sshll.u32 s11, $0x7;
	v48 =	vmin.f32 v56, v42;
	v5 =	vmin.f32 v7, v40;
	v49 =	vmin.f32 v13, v16  }
0x54: {  	s12 =	sand.u32 $0x3FFFFF80, s31;
	v54 =	vmin.f32 v53, v58;
	v4 =	vmax.f32 v4, v46;
	v9 =	vmax.f32 v56, v42  }
0x55: {  	[tilespmem:s12+$0xA070] =	vst v1;
	v0 =	vsub.f32 v39, v0;
	v56 =	vmax.f32 v53, v58;
	v50 =	vmin.f32 v45, v10  }
0x56: {  	s11 =	sadd.s32 $0x1, s11;
	[tilespmem:s12+$0xA000] =	vst v2;
	v7 =	vmax.f32 v11, v49;
	v51 =	vmax.f32 v45, v10;
	v55 =	vmax.f32 v19, v48  }
0x57: {  	p0 =	sne.s32 s11, $0x20;
	[tilespmem:s12+$0xA060] =	vst v63;
	v5 =	vmax.f32 v8, v5;
	v4 =	vmax.f32 v4, v54;
	v57 =	vsub.f32 v9, v55  }
.Ltmp1:
0x58: {  	v52 =	vmin.f32 v47, v27;
	v5 =	vmax.f32 v5, v50;
	[tilespmem:s12+$0xA020] =	vst v0;
	v60 =	vsub.f32 v56, v4;
	(pc) =	sbr.rel @p0 .LBB2_2-.Ltmp1, $4  }
0x59: {  	v59 =	vmax.f32 v47, v27;
	v58 =	vmax.f32 v7, v52;
	v5 =	vsub.f32 v51, v5;
	[tilespmem:s12+$0xA030] =	vst v57  }
0x5a: {  	v62 =	vsub.f32 v59, v58;
	[tilespmem:s12+$0xA040] =	vst v60  }
0x5b: {  	[tilespmem:s12+$0xA010] =	vst v5  }
0x5c: {  	[tilespmem:s12+$0xA050] =	vst v62  }
0x5d: {  	s10 =	sadd.s32 $0x1, s10  }
0x5e: {  	p0 =	sne.s32 s10, s6  }
.Ltmp2:
0x5f: {  	_ = 	snop;
	(pc) =	sbr.rel @p0 .LBB2_1-.Ltmp2, $4  }
0x60: {  	[hbm4b:s5+s3] =	stream.linear.scatter [tilespmem:s9], [sflag:$0x1], $0x1000, $0x38;
	[tilespmem:$0xB000] =	vst v63  }
0x61: {  	_ =	swait.ge [sflag:s7], $0x1000  }
0x62: {  	[sflag:s7] =	ssyncset.done $0x0  }
0x63: {  	[sflag:s7] =	ssyncadd.s32 $0xFFFFF000  }
0x64: {  	_ =	sfence.sel $0x180000  }
0x65: {  	[bflag:$0x0] =	sbarrier.arrive $0xFFFF  }
0x66: {  	p0 =	sne.s32 s2, $0x0;
	_ =	strace $0x90000047  }
0x67: {  	s0 =	sadd.s32 @!p0 $0x100000, s0;
	[bflag:$0x2] =	sbarrier.arrive $0xFFFF  }
0x68: {  	[sflag:s0] =	ssyncadd.tile.s32 @!p0 $0x1;
	_ =	shalt  }
.Lfunc_end2:
_tile_overlayer_lowered:
.L_overlay_start_2:
0x69: {  	(tag) =	ssettag $0x2  }
0x6a: {  	s0 =	rddreg [dreg:$0x0];
	s2 =	stileid.u32  }
0x6b: {  	s1 =	rddreg [dreg:$0x1];
	p0 =	sne.s32 s2, $0x0  }
0x6c: {  	s3 =	rddreg [dreg:$0x2];
	[bflag:$0x3] =	sbarrier.arrive $0xFFFF;
	s2 =	simm.s32 @!p0 $0x1C01  }
0x6d: {  	[timem:s3], [sflag:s2] =	dma.local @!p0 [hbm:s0], s1  }
0x6e: {  	s0 =	simm.s32 @!p0 $0x1  }
0x6f: {  	_ =	swait.ge @!p0 [sflag:s0], s1  }
0x70: {  	s1 =	ssub.s32 @!p0 $0x0, s1;
	[sflag:s0] =	ssyncset.done @!p0 $0x0  }
0x71: {  	[sflag:s0] =	ssyncadd.s32 @!p0 s1  }
0x72: {  	[bflag:$0x3] =	sbarrier.arrive $0xFFFF  }
0x73: {  	_ =	shalt  }

</sc_bundles>
